<compile_context>
chip_gen: v7x
topology: tpu7x:2x2x1
jax: 0.10.2.dev20260603
libtpu: 0.0.44.dev20260713+nightly
codegen_flags: <defaults>
</compile_context>

<pallas_src>
import functools

import jax
import jax.numpy as jnp
import numpy as np
from jax import lax
from jax.experimental import pallas as pl
from jax.experimental.pallas import tpu as pltpu
from jax.experimental.pallas import tpu_sc as plsc

N = 10000
E = 320000
D_IN = 128
EMB = 32
H = 128
L = 3

NC = 2
NS = 16
NW = NC * NS
CHUNK = 128
NCH = 80
EPT = NCH * CHUNK
EPAD = NW * EPT
PADROWS = 240
NPAD = N + PADROWS
ROWS_PT = NPAD // NS

BLK = 2000
GRID = N // BLK

_f32 = jnp.float32
_BN_SCALE = float(1.0 / np.sqrt(1.0 + 1e-5))



_MESH = plsc.VectorSubcoreMesh(core_axis_name="c", subcore_axis_name="s")


NBUF = 2
GRP = 40


def _sc_aggregate_body(rowp, colp, g, zeros, out, idx_r, idx_c, bufs, acc,
                       sems):
    c = lax.axis_index("c")
    s = lax.axis_index("s")
    wid = c * NS + s
    for z in range(ROWS_PT // 128):
        pltpu.sync_copy(zeros, acc.at[pl.ds(s * ROWS_PT + z * 128, 128)])
    plsc.subcore_barrier()

    def group(grp, carry):
        pltpu.sync_copy(rowp.at[wid].at[pl.ds(grp * GRP, GRP)], idx_r)
        pltpu.sync_copy(colp.at[wid].at[pl.ds(grp * GRP, GRP)], idx_c)
        for b in range(NBUF):
            pltpu.async_copy(g.at[idx_r.at[b]], bufs.at[b], sems.at[b])

        def inner(k, carry2):
            base = k * NBUF
            for b in range(NBUF):
                ch = base + b
                pltpu.make_async_copy(g.at[idx_r.at[ch]], bufs.at[b],
                                      sems.at[b]).wait()
                pltpu.sync_copy(bufs.at[b], acc.at[idx_c.at[ch]], add=True)

                @pl.when(ch + NBUF < GRP)
                def _():
                    pltpu.async_copy(g.at[idx_r.at[ch + NBUF]], bufs.at[b],
                                     sems.at[b])

            return carry2

        lax.fori_loop(0, GRP // NBUF, inner, 0)
        return carry

    lax.fori_loop(0, NCH // GRP, group, 0)
    plsc.subcore_barrier()
    pltpu.sync_copy(acc.at[pl.ds(s * ROWS_PT, ROWS_PT)],
                    out.at[c].at[pl.ds(s * ROWS_PT, ROWS_PT)])


def _make_sc_aggregate(interpret=False):
    return functools.partial(
        pl.kernel,
        out_type=jax.ShapeDtypeStruct((NC, NPAD, H), _f32),
        mesh=_MESH,
        scratch_types=[
            pltpu.VMEM((GRP, CHUNK), jnp.int32),
            pltpu.VMEM((GRP, CHUNK), jnp.int32),
            pltpu.VMEM((NBUF, CHUNK, H), _f32),
            pltpu.VMEM_SHARED((NPAD, H), _f32),
            pltpu.SemaphoreType.DMA((NBUF,)),
        ],
        interpret=interpret,
    )(_sc_aggregate_body)


def _sc_degree_body(colp, ones, out, idx_c, buf, acc):
    c = lax.axis_index("c")
    s = lax.axis_index("s")
    wid = c * NS + s
    for z in range(ROWS_PT // 128):
        pltpu.sync_copy(ones, acc.at[pl.ds(s * ROWS_PT + z * 128, 128)])
    pltpu.sync_copy(ones, buf)
    plsc.subcore_barrier()

    def group(grp, carry):
        pltpu.sync_copy(colp.at[wid].at[pl.ds(grp * GRP, GRP)], idx_c)

        def inner(ch, carry2):
            pltpu.sync_copy(buf, acc.at[idx_c.at[ch]], add=True)
            return carry2

        lax.fori_loop(0, GRP, inner, 0)
        return carry

    lax.fori_loop(0, NCH // GRP, group, 0)
    plsc.subcore_barrier()
    pltpu.sync_copy(acc.at[pl.ds(s * ROWS_PT, ROWS_PT)],
                    out.at[c].at[pl.ds(s * ROWS_PT, ROWS_PT)])


def _make_sc_degree(interpret=False):
    return functools.partial(
        pl.kernel,
        out_type=jax.ShapeDtypeStruct((NC, NPAD, H), _f32),
        mesh=_MESH,
        scratch_types=[
            pltpu.VMEM((GRP, CHUNK), jnp.int32),
            pltpu.VMEM((CHUNK, H), _f32),
            pltpu.VMEM_SHARED((NPAD, H), _f32),
        ],
        interpret=interpret,
    )(_sc_degree_body)


_sc_aggregate = _make_sc_aggregate()
_sc_degree = _make_sc_degree()




def _enc_body(x_ref, emb_ref, wft_ref, bft_ref, wc_ref, bc_ref,
              w0_ref, h_ref, u_ref):
    xb = jnp.nan_to_num(x_ref[...])
    feat = jnp.dot(xb, wft_ref[...], preferred_element_type=_f32) + bft_ref[...]
    comb = jnp.concatenate([emb_ref[...], feat], axis=1)
    h0 = jnp.maximum(
        jnp.dot(comb, wc_ref[...], preferred_element_type=_f32) + bc_ref[...], 0.0)
    h_ref[...] = h0
    u_ref[...] = jnp.dot(h0, w0_ref[...], preferred_element_type=_f32)


def _encoder(x, emb, wft, bft, wc, bc, w0):
    return pl.pallas_call(
        _enc_body,
        grid=(GRID,),
        in_specs=[
            pl.BlockSpec((BLK, D_IN), lambda i: (i, 0)),
            pl.BlockSpec((BLK, EMB), lambda i: (i, 0)),
            pl.BlockSpec((D_IN, EMB), lambda i: (0, 0)),
            pl.BlockSpec((1, EMB), lambda i: (0, 0)),
            pl.BlockSpec((2 * EMB, H), lambda i: (0, 0)),
            pl.BlockSpec((1, H), lambda i: (0, 0)),
            pl.BlockSpec((H, H), lambda i: (0, 0)),
        ],
        out_specs=[
            pl.BlockSpec((BLK, H), lambda i: (i, 0)),
            pl.BlockSpec((BLK, H), lambda i: (i, 0)),
        ],
        out_shape=[
            jax.ShapeDtypeStruct((N, H), _f32),
            jax.ShapeDtypeStruct((N, H), _f32),
        ],
    )(x, emb, wft, bft, wc, bc, w0)


def _scale_body(degp_ref, u_ref, dinv_ref, g_ref):
    deg = degp_ref[0][:, 0:16] + degp_ref[1][:, 0:16] - 1.0
    dinv = lax.rsqrt(deg)
    dinv_ref[...] = dinv
    g_ref[...] = dinv[:, 0:1] * u_ref[...]


def _scale(degp, u):
    return pl.pallas_call(
        _scale_body,
        grid=(GRID,),
        in_specs=[
            pl.BlockSpec((NC, BLK, H), lambda i: (0, i, 0)),
            pl.BlockSpec((BLK, H), lambda i: (i, 0)),
        ],
        out_specs=[
            pl.BlockSpec((BLK, 16), lambda i: (i, 0)),
            pl.BlockSpec((BLK, H), lambda i: (i, 0)),
        ],
        out_shape=[
            jax.ShapeDtypeStruct((N, 16), _f32),
            jax.ShapeDtypeStruct((N, H), _f32),
        ],
    )(degp, u)


def _upd_body(sp_ref, g_ref, h_ref, dinv_ref, b_ref, gam_ref, bet_ref,
              wn_ref, hn_ref, gn_ref):
    s = sp_ref[0] + sp_ref[1] + g_ref[...]
    dcol = dinv_ref[...][:, 0:1]
    pre = dcol * s + b_ref[...]
    hn = (jnp.maximum(pre, 0.0) * (gam_ref[...] * _BN_SCALE)
          + bet_ref[...] + h_ref[...])
    hn_ref[...] = hn
    gn_ref[...] = dcol * jnp.dot(hn, wn_ref[...], preferred_element_type=_f32)


def _update(sp, g, h, dinv, bi, gam, bet, wn):
    return pl.pallas_call(
        _upd_body,
        grid=(GRID,),
        in_specs=[
            pl.BlockSpec((NC, BLK, H), lambda i: (0, i, 0)),
            pl.BlockSpec((BLK, H), lambda i: (i, 0)),
            pl.BlockSpec((BLK, H), lambda i: (i, 0)),
            pl.BlockSpec((BLK, 16), lambda i: (i, 0)),
            pl.BlockSpec((1, H), lambda i: (0, 0)),
            pl.BlockSpec((1, H), lambda i: (0, 0)),
            pl.BlockSpec((1, H), lambda i: (0, 0)),
            pl.BlockSpec((H, H), lambda i: (0, 0)),
        ],
        out_specs=[
            pl.BlockSpec((BLK, H), lambda i: (i, 0)),
            pl.BlockSpec((BLK, H), lambda i: (i, 0)),
        ],
        out_shape=[
            jax.ShapeDtypeStruct((N, H), _f32),
            jax.ShapeDtypeStruct((N, H), _f32),
        ],
    )(sp, g, h, dinv, bi, gam, bet, wn)


def _fin_body(sp_ref, g_ref, h_ref, dinv_ref, b_ref, gam_ref, bet_ref,
              wl_ref, bl_ref, out_ref):
    s = sp_ref[0] + sp_ref[1] + g_ref[...]
    dcol = dinv_ref[...][:, 0:1]
    pre = dcol * s + b_ref[...]
    hn = (jnp.maximum(pre, 0.0) * (gam_ref[...] * _BN_SCALE)
          + bet_ref[...] + h_ref[...])
    o = jnp.dot(hn, wl_ref[...], preferred_element_type=_f32) + bl_ref[...]
    out_ref[...] = jnp.clip(o, -10.0, 10.0)


def _final(sp, g, h, dinv, bi, gam, bet, wl, bl):
    return pl.pallas_call(
        _fin_body,
        grid=(GRID,),
        in_specs=[
            pl.BlockSpec((NC, BLK, H), lambda i: (0, i, 0)),
            pl.BlockSpec((BLK, H), lambda i: (i, 0)),
            pl.BlockSpec((BLK, H), lambda i: (i, 0)),
            pl.BlockSpec((BLK, 16), lambda i: (i, 0)),
            pl.BlockSpec((1, H), lambda i: (0, 0)),
            pl.BlockSpec((1, H), lambda i: (0, 0)),
            pl.BlockSpec((1, H), lambda i: (0, 0)),
            pl.BlockSpec((H, 1), lambda i: (0, 0)),
            pl.BlockSpec((1, 1), lambda i: (0, 0)),
        ],
        out_specs=pl.BlockSpec((BLK, 1), lambda i: (i, 0)),
        out_shape=jax.ShapeDtypeStruct((N, 1), _f32),
    )(sp, g, h, dinv, bi, gam, bet, wl, bl)




def kernel(x, edge_index, emb_table, W_ft, b_ft, W_c, b_c, conv_W, conv_b,
           gamma, beta, W_lin, b_lin):
    pad = EPAD - E
    pad_r = (jnp.arange(pad, dtype=jnp.int32) % N)
    pad_c = N + (jnp.arange(pad, dtype=jnp.int32) % PADROWS)
    rowp = jnp.concatenate([edge_index[0], pad_r]).reshape(NW, NCH, CHUNK)
    colp = jnp.concatenate([edge_index[1], pad_c]).reshape(NW, NCH, CHUNK)

    zeros = jnp.zeros((128, H), _f32)
    ones = jnp.ones((CHUNK, H), _f32)

    degp = _sc_degree(colp, ones)

    bft = b_ft.reshape(1, EMB)
    bc = b_c.reshape(1, H)
    gam = gamma.reshape(1, H)
    bet = beta.reshape(1, H)

    h, u0 = _encoder(x, emb_table, W_ft, bft, W_c, bc, conv_W[0])
    dinv, g = _scale(degp, u0)
    out = None
    for i in range(L):
        sp = _sc_aggregate(rowp, colp, g, zeros)
        bi = conv_b[i].reshape(1, H)
        if i < L - 1:
            h, g = _update(sp, g, h, dinv, bi, gam, bet, conv_W[i + 1])
        else:
            out = _final(sp, g, h, dinv, bi, gam, bet, W_lin,
                         b_lin.reshape(1, 1))
    return out

# --- scband reference (transcript-rebuilt; emitter-appended) ---
"""Pipeline reference for scband-enhanced-gcn-49744311222746 (READ-ONLY COPY).

The authoritative reference and input builder live on the scoring server;
editing this copy changes nothing except your own understanding.
"""

import jax, jax.numpy as jnp
import numpy as np

N = 10000
E = 320000
D_IN = 128
EMB = 32
H = 128
L = 3


def setup_inputs(seed: int = 0) -> dict:
    key = jax.random.key(seed)
    ks = jax.random.split(key, 8)
    x = jax.random.normal(ks[0], (N, D_IN), dtype=jnp.float32)
    edge_index = jax.random.randint(ks[1], (2, E), 0, N, dtype=jnp.int32)
    emb_table = jax.random.normal(ks[2], (N, EMB), dtype=jnp.float32) * 0.01
    W_ft = jax.random.normal(ks[3], (D_IN, EMB), dtype=jnp.float32) * (0.1 / np.sqrt(D_IN))
    b_ft = jnp.zeros((EMB,), jnp.float32)
    W_c = jax.random.normal(ks[4], (2 * EMB, H), dtype=jnp.float32) * (0.1 / np.sqrt(2 * EMB))
    b_c = jnp.zeros((H,), jnp.float32)
    conv_W = jax.random.normal(ks[5], (L, H, H), dtype=jnp.float32) * (0.1 / np.sqrt(H))
    conv_b = jnp.zeros((L, H), jnp.float32)
    gamma = jnp.ones((H,), jnp.float32)
    beta = jnp.zeros((H,), jnp.float32)
    W_lin = jax.random.normal(ks[6], (H, 1), dtype=jnp.float32) * (0.1 / np.sqrt(H))
    b_lin = jnp.zeros((1,), jnp.float32)
    return {"x": x, "edge_index": edge_index, "emb_table": emb_table,
            "W_ft": W_ft, "b_ft": b_ft, "W_c": W_c, "b_c": b_c,
            "conv_W": conv_W, "conv_b": conv_b, "gamma": gamma, "beta": beta,
            "W_lin": W_lin, "b_lin": b_lin}


def _gcn_layer(h, W, b, row, col, norm):
    hw = h @ W
    msg = hw[row] * norm[:, None]
    agg = jax.ops.segment_sum(msg, col, num_segments=N)
    return agg + b


def reference(x, edge_index, emb_table, W_ft, b_ft, W_c, b_c, conv_W, conv_b, gamma, beta, W_lin, b_lin):
    # eval-mode forward (dropout = identity, BatchNorm uses running stats mean=0, var=1)
    x = jnp.nan_to_num(x, nan=0.0)
    loop = jnp.arange(N, dtype=edge_index.dtype)
    row = jnp.concatenate([edge_index[0], loop])  # add self-loops
    col = jnp.concatenate([edge_index[1], loop])
    w = jnp.ones((row.shape[0],), jnp.float32)
    deg = jax.ops.segment_sum(w, col, num_segments=N)
    dinv = jnp.where(deg > 0, jax.lax.rsqrt(jnp.maximum(deg, 1e-12)), 0.0)
    norm = dinv[row] * w * dinv[col]
    # node embedding lookup over all nodes = full table gather
    node_emb = jnp.take(emb_table, jnp.arange(N), axis=0)
    feat = x @ W_ft + b_ft
    combined = jnp.concatenate([node_emb, feat], axis=1)
    h = jax.nn.relu(combined @ W_c + b_c)
    bn_scale = gamma / jnp.sqrt(1.0 + 1e-5)
    for i in range(L):
        h_new = _gcn_layer(h, conv_W[i], conv_b[i], row, col, norm)
        h_new = jax.nn.relu(h_new)
        h_new = h_new * bn_scale + beta
        h = h_new + h
    out = h @ W_lin + b_lin
    return jnp.clip(out, -10.0, 10.0)

if __name__ == "__main__":
    import jax
    _d = setup_inputs()
    print(jax.jit(kernel)(*tuple(_d.values())))

</pallas_src>

<mosaic_0001>
#map = affine_map<(d0, d1) -> (0, 0, 0)>
#map1 = affine_map<(d0, d1) -> (0, 0)>
module attributes {stable_mosaic.version = 14 : i64} {
  func.func @_sc_aggregate_body(%arg0: i32, %arg1: i32, %arg2: memref<32x80x128xi32, #tpu.memory_space<hbm>>, %arg3: memref<32x80x128xi32, #tpu.memory_space<hbm>>, %arg4: memref<10000x128xf32, #tpu.memory_space<hbm>>, %arg5: memref<128x128xf32, #tpu.memory_space<hbm>>, %arg6: memref<2x10240x128xf32, #tpu.memory_space<hbm>>, %arg7: memref<40x128xi32, #tpu.memory_space<vmem>>, %arg8: memref<40x128xi32, #tpu.memory_space<vmem>>, %arg9: memref<2x128x128xf32, #tpu.memory_space<vmem>>, %arg10: memref<10240x128xf32, #tpu.memory_space<vmem_shared>>, %arg11: memref<2x!tpu.dma_semaphore, #tpu.memory_space<semaphore_mem>>) attributes {dimension_semantics = [#tpu.dimension_semantics<core_parallel>, #tpu.dimension_semantics<subcore_parallel>], iteration_bounds = array<i64: 2, 16>, scalar_prefetch = 0 : i64, scratch_operands = 5 : i64, tpu.core_type = #tpu.core_type<sc_vector_subcore>, window_params = [{transform_indices = #map}, {transform_indices = #map}, {transform_indices = #map1}, {transform_indices = #map1}, {transform_indices = #map}]} {
    %mul3A = arith.constant 16 : i32
    %mul3A_0 = arith.muli %arg0, %mul3A : i32
    %add3A = arith.addi %mul3A_0, %arg1 : i32
    %mul3A_1 = arith.constant 640 : i32
    %mul3A_2 = arith.muli %arg1, %mul3A_1 : i32
    %add3A_3 = arith.constant 0 : i32
    %add3A_4 = arith.addi %mul3A_2, %add3A_3 : i32
    "tpu.region"() ({
      %run_scoped3A = tpu.sem_alloc : memref<!tpu.dma_semaphore, #tpu.memory_space<semaphore_mem>>
      %dma_start3A = arith.constant 0 : i32
      %dma_start3A_31 = tpu.memref_slice %arg10[%add3A_4, %dma_start3A] : memref<10240x128xf32, #tpu.memory_space<vmem_shared>> -> memref<128x128xf32, #tpu.memory_space<vmem_shared>>
      tpu.enqueue_dma source(%arg5 : memref<128x128xf32, #tpu.memory_space<hbm>>) target(%dma_start3A_31 : memref<128x128xf32, #tpu.memory_space<vmem_shared>>) target_semaphore(%run_scoped3A : memref<!tpu.dma_semaphore, #tpu.memory_space<semaphore_mem>>)
      %dma_wait3A = arith.constant 0 : i32
      %dma_wait3A_32 = tpu.memref_slice %arg10[%add3A_4, %dma_wait3A] : memref<10240x128xf32, #tpu.memory_space<vmem_shared>> -> memref<128x128xf32, #tpu.memory_space<vmem_shared>>
      tpu.wait_dma2 semaphore(%run_scoped3A : memref<!tpu.dma_semaphore, #tpu.memory_space<semaphore_mem>>) src(%arg5 : memref<128x128xf32, #tpu.memory_space<hbm>>) dst(%dma_wait3A_32 : memref<128x128xf32, #tpu.memory_space<vmem_shared>>)
      tpu.yield
    }) : () -> ()
    %mul3A_5 = arith.constant 640 : i32
    %mul3A_6 = arith.muli %arg1, %mul3A_5 : i32
    %add3A_7 = arith.constant 128 : i32
    %add3A_8 = arith.addi %mul3A_6, %add3A_7 : i32
    "tpu.region"() ({
      %run_scoped3A = tpu.sem_alloc : memref<!tpu.dma_semaphore, #tpu.memory_space<semaphore_mem>>
      %dma_start3A = arith.constant 0 : i32
      %dma_start3A_31 = tpu.memref_slice %arg10[%add3A_8, %dma_start3A] : memref<10240x128xf32, #tpu.memory_space<vmem_shared>> -> memref<128x128xf32, #tpu.memory_space<vmem_shared>>
      tpu.enqueue_dma source(%arg5 : memref<128x128xf32, #tpu.memory_space<hbm>>) target(%dma_start3A_31 : memref<128x128xf32, #tpu.memory_space<vmem_shared>>) target_semaphore(%run_scoped3A : memref<!tpu.dma_semaphore, #tpu.memory_space<semaphore_mem>>)
      %dma_wait3A = arith.constant 0 : i32
      %dma_wait3A_32 = tpu.memref_slice %arg10[%add3A_8, %dma_wait3A] : memref<10240x128xf32, #tpu.memory_space<vmem_shared>> -> memref<128x128xf32, #tpu.memory_space<vmem_shared>>
      tpu.wait_dma2 semaphore(%run_scoped3A : memref<!tpu.dma_semaphore, #tpu.memory_space<semaphore_mem>>) src(%arg5 : memref<128x128xf32, #tpu.memory_space<hbm>>) dst(%dma_wait3A_32 : memref<128x128xf32, #tpu.memory_space<vmem_shared>>)
      tpu.yield
    }) : () -> ()
    %mul3A_9 = arith.constant 640 : i32
    %mul3A_10 = arith.muli %arg1, %mul3A_9 : i32
    %add3A_11 = arith.constant 256 : i32
    %add3A_12 = arith.addi %mul3A_10, %add3A_11 : i32
    "tpu.region"() ({
      %run_scoped3A = tpu.sem_alloc : memref<!tpu.dma_semaphore, #tpu.memory_space<semaphore_mem>>
      %dma_start3A = arith.constant 0 : i32
      %dma_start3A_31 = tpu.memref_slice %arg10[%add3A_12, %dma_start3A] : memref<10240x128xf32, #tpu.memory_space<vmem_shared>> -> memref<128x128xf32, #tpu.memory_space<vmem_shared>>
      tpu.enqueue_dma source(%arg5 : memref<128x128xf32, #tpu.memory_space<hbm>>) target(%dma_start3A_31 : memref<128x128xf32, #tpu.memory_space<vmem_shared>>) target_semaphore(%run_scoped3A : memref<!tpu.dma_semaphore, #tpu.memory_space<semaphore_mem>>)
      %dma_wait3A = arith.constant 0 : i32
      %dma_wait3A_32 = tpu.memref_slice %arg10[%add3A_12, %dma_wait3A] : memref<10240x128xf32, #tpu.memory_space<vmem_shared>> -> memref<128x128xf32, #tpu.memory_space<vmem_shared>>
      tpu.wait_dma2 semaphore(%run_scoped3A : memref<!tpu.dma_semaphore, #tpu.memory_space<semaphore_mem>>) src(%arg5 : memref<128x128xf32, #tpu.memory_space<hbm>>) dst(%dma_wait3A_32 : memref<128x128xf32, #tpu.memory_space<vmem_shared>>)
      tpu.yield
    }) : () -> ()
    %mul3A_13 = arith.constant 640 : i32
    %mul3A_14 = arith.muli %arg1, %mul3A_13 : i32
    %add3A_15 = arith.constant 384 : i32
    %add3A_16 = arith.addi %mul3A_14, %add3A_15 : i32
    "tpu.region"() ({
      %run_scoped3A = tpu.sem_alloc : memref<!tpu.dma_semaphore, #tpu.memory_space<semaphore_mem>>
      %dma_start3A = arith.constant 0 : i32
      %dma_start3A_31 = tpu.memref_slice %arg10[%add3A_16, %dma_start3A] : memref<10240x128xf32, #tpu.memory_space<vmem_shared>> -> memref<128x128xf32, #tpu.memory_space<vmem_shared>>
      tpu.enqueue_dma source(%arg5 : memref<128x128xf32, #tpu.memory_space<hbm>>) target(%dma_start3A_31 : memref<128x128xf32, #tpu.memory_space<vmem_shared>>) target_semaphore(%run_scoped3A : memref<!tpu.dma_semaphore, #tpu.memory_space<semaphore_mem>>)
      %dma_wait3A = arith.constant 0 : i32
      %dma_wait3A_32 = tpu.memref_slice %arg10[%add3A_16, %dma_wait3A] : memref<10240x128xf32, #tpu.memory_space<vmem_shared>> -> memref<128x128xf32, #tpu.memory_space<vmem_shared>>
      tpu.wait_dma2 semaphore(%run_scoped3A : memref<!tpu.dma_semaphore, #tpu.memory_space<semaphore_mem>>) src(%arg5 : memref<128x128xf32, #tpu.memory_space<hbm>>) dst(%dma_wait3A_32 : memref<128x128xf32, #tpu.memory_space<vmem_shared>>)
      tpu.yield
    }) : () -> ()
    %mul3A_17 = arith.constant 640 : i32
    %mul3A_18 = arith.muli %arg1, %mul3A_17 : i32
    %add3A_19 = arith.constant 512 : i32
    %add3A_20 = arith.addi %mul3A_18, %add3A_19 : i32
    "tpu.region"() ({
      %run_scoped3A = tpu.sem_alloc : memref<!tpu.dma_semaphore, #tpu.memory_space<semaphore_mem>>
      %dma_start3A = arith.constant 0 : i32
      %dma_start3A_31 = tpu.memref_slice %arg10[%add3A_20, %dma_start3A] : memref<10240x128xf32, #tpu.memory_space<vmem_shared>> -> memref<128x128xf32, #tpu.memory_space<vmem_shared>>
      tpu.enqueue_dma source(%arg5 : memref<128x128xf32, #tpu.memory_space<hbm>>) target(%dma_start3A_31 : memref<128x128xf32, #tpu.memory_space<vmem_shared>>) target_semaphore(%run_scoped3A : memref<!tpu.dma_semaphore, #tpu.memory_space<semaphore_mem>>)
      %dma_wait3A = arith.constant 0 : i32
      %dma_wait3A_32 = tpu.memref_slice %arg10[%add3A_20, %dma_wait3A] : memref<10240x128xf32, #tpu.memory_space<vmem_shared>> -> memref<128x128xf32, #tpu.memory_space<vmem_shared>>
      tpu.wait_dma2 semaphore(%run_scoped3A : memref<!tpu.dma_semaphore, #tpu.memory_space<semaphore_mem>>) src(%arg5 : memref<128x128xf32, #tpu.memory_space<hbm>>) dst(%dma_wait3A_32 : memref<128x128xf32, #tpu.memory_space<vmem_shared>>)
      tpu.yield
    }) : () -> ()
    %barrier3A = arith.constant 0 : index
    tpu.barrier barrier_id(%barrier3A)
    %scan3A = arith.constant 0 : i32
    %scan3A_21 = arith.constant 0 : i32
    %scan3A_22 = arith.constant 2 : i32
    %scan3A_23 = arith.addi %scan3A_21, %scan3A_22 : i32
    %scan3A_24 = arith.constant 1 : i32
    scf.for %scan3A_31 = %scan3A_21 to %scan3A_23 step %scan3A_24  : i32 {
      %mul3A_32 = arith.constant 40 : i32
      %mul3A_33 = arith.muli %scan3A_31, %mul3A_32 : i32
      "tpu.region"() ({
        %run_scoped3A = tpu.sem_alloc : memref<!tpu.dma_semaphore, #tpu.memory_space<semaphore_mem>>
        %dma_start3A_71 = arith.constant 0 : i32
        %dma_start3A_72 = arith.constant 0 : i32
        %dma_start3A_73 = tpu.memref_slice %arg2[%add3A, %dma_start3A_71, %dma_start3A_72] : memref<32x80x128xi32, #tpu.memory_space<hbm>> -> memref<1x80x128xi32, #tpu.memory_space<hbm>>
        %dma_start3A_74 = tpu.memref_squeeze %dma_start3A_73 : memref<1x80x128xi32, #tpu.memory_space<hbm>> -> memref<80x128xi32, #tpu.memory_space<hbm>>
        %dma_start3A_75 = arith.constant 0 : i32
        %dma_start3A_76 = tpu.memref_slice %dma_start3A_74[%mul3A_33, %dma_start3A_75] : memref<80x128xi32, #tpu.memory_space<hbm>> -> memref<40x128xi32, #tpu.memory_space<hbm>>
        %dma_start3A_77 = arith.constant 0 : i32
        %dma_start3A_78 = arith.constant 0 : i32
        %dma_start3A_79 = tpu.memref_slice %arg2[%add3A, %dma_start3A_77, %dma_start3A_78] : memref<32x80x128xi32, #tpu.memory_space<hbm>> -> memref<1x80x128xi32, #tpu.memory_space<hbm>>
        %dma_start3A_80 = tpu.memref_squeeze %dma_start3A_79 : memref<1x80x128xi32, #tpu.memory_space<hbm>> -> memref<80x128xi32, #tpu.memory_space<hbm>>
        %dma_start3A_81 = arith.constant 0 : i32
        %dma_start3A_82 = tpu.memref_slice %dma_start3A_80[%mul3A_33, %dma_start3A_81] : memref<80x128xi32, #tpu.memory_space<hbm>> -> memref<40x128xi32, #tpu.memory_space<hbm>>
        tpu.enqueue_dma source(%dma_start3A_82 : memref<40x128xi32, #tpu.memory_space<hbm>>) target(%arg7 : memref<40x128xi32, #tpu.memory_space<vmem>>) target_semaphore(%run_scoped3A : memref<!tpu.dma_semaphore, #tpu.memory_space<semaphore_mem>>)
        %dma_wait3A = arith.constant 0 : i32
        %dma_wait3A_83 = arith.constant 0 : i32
        %dma_wait3A_84 = tpu.memref_slice %arg2[%add3A, %dma_wait3A, %dma_wait3A_83] : memref<32x80x128xi32, #tpu.memory_space<hbm>> -> memref<1x80x128xi32, #tpu.memory_space<hbm>>
        %dma_wait3A_85 = tpu.memref_squeeze %dma_wait3A_84 : memref<1x80x128xi32, #tpu.memory_space<hbm>> -> memref<80x128xi32, #tpu.memory_space<hbm>>
        %dma_wait3A_86 = arith.constant 0 : i32
        %dma_wait3A_87 = tpu.memref_slice %dma_wait3A_85[%mul3A_33, %dma_wait3A_86] : memref<80x128xi32, #tpu.memory_space<hbm>> -> memref<40x128xi32, #tpu.memory_space<hbm>>
        %dma_wait3A_88 = arith.constant 0 : i32
        %dma_wait3A_89 = arith.constant 0 : i32
        %dma_wait3A_90 = tpu.memref_slice %arg2[%add3A, %dma_wait3A_88, %dma_wait3A_89] : memref<32x80x128xi32, #tpu.memory_space<hbm>> -> memref<1x80x128xi32, #tpu.memory_space<hbm>>
        %dma_wait3A_91 = tpu.memref_squeeze %dma_wait3A_90 : memref<1x80x128xi32, #tpu.memory_space<hbm>> -> memref<80x128xi32, #tpu.memory_space<hbm>>
        %dma_wait3A_92 = arith.constant 0 : i32
        %dma_wait3A_93 = tpu.memref_slice %dma_wait3A_91[%mul3A_33, %dma_wait3A_92] : memref<80x128xi32, #tpu.memory_space<hbm>> -> memref<40x128xi32, #tpu.memory_space<hbm>>
        tpu.wait_dma2 semaphore(%run_scoped3A : memref<!tpu.dma_semaphore, #tpu.memory_space<semaphore_mem>>) src(%dma_wait3A_93 : memref<40x128xi32, #tpu.memory_space<hbm>>) dst(%arg7 : memref<40x128xi32, #tpu.memory_space<vmem>>)
        tpu.yield
      }) : () -> ()
      %mul3A_34 = arith.constant 40 : i32
      %mul3A_35 = arith.muli %scan3A_31, %mul3A_34 : i32
      "tpu.region"() ({
        %run_scoped3A = tpu.sem_alloc : memref<!tpu.dma_semaphore, #tpu.memory_space<semaphore_mem>>
        %dma_start3A_71 = arith.constant 0 : i32
        %dma_start3A_72 = arith.constant 0 : i32
        %dma_start3A_73 = tpu.memref_slice %arg3[%add3A, %dma_start3A_71, %dma_start3A_72] : memref<32x80x128xi32, #tpu.memory_space<hbm>> -> memref<1x80x128xi32, #tpu.memory_space<hbm>>
        %dma_start3A_74 = tpu.memref_squeeze %dma_start3A_73 : memref<1x80x128xi32, #tpu.memory_space<hbm>> -> memref<80x128xi32, #tpu.memory_space<hbm>>
        %dma_start3A_75 = arith.constant 0 : i32
        %dma_start3A_76 = tpu.memref_slice %dma_start3A_74[%mul3A_35, %dma_start3A_75] : memref<80x128xi32, #tpu.memory_space<hbm>> -> memref<40x128xi32, #tpu.memory_space<hbm>>
        %dma_start3A_77 = arith.constant 0 : i32
        %dma_start3A_78 = arith.constant 0 : i32
        %dma_start3A_79 = tpu.memref_slice %arg3[%add3A, %dma_start3A_77, %dma_start3A_78] : memref<32x80x128xi32, #tpu.memory_space<hbm>> -> memref<1x80x128xi32, #tpu.memory_space<hbm>>
        %dma_start3A_80 = tpu.memref_squeeze %dma_start3A_79 : memref<1x80x128xi32, #tpu.memory_space<hbm>> -> memref<80x128xi32, #tpu.memory_space<hbm>>
        %dma_start3A_81 = arith.constant 0 : i32
        %dma_start3A_82 = tpu.memref_slice %dma_start3A_80[%mul3A_35, %dma_start3A_81] : memref<80x128xi32, #tpu.memory_space<hbm>> -> memref<40x128xi32, #tpu.memory_space<hbm>>
        tpu.enqueue_dma source(%dma_start3A_82 : memref<40x128xi32, #tpu.memory_space<hbm>>) target(%arg8 : memref<40x128xi32, #tpu.memory_space<vmem>>) target_semaphore(%run_scoped3A : memref<!tpu.dma_semaphore, #tpu.memory_space<semaphore_mem>>)
        %dma_wait3A = arith.constant 0 : i32
        %dma_wait3A_83 = arith.constant 0 : i32
        %dma_wait3A_84 = tpu.memref_slice %arg3[%add3A, %dma_wait3A, %dma_wait3A_83] : memref<32x80x128xi32, #tpu.memory_space<hbm>> -> memref<1x80x128xi32, #tpu.memory_space<hbm>>
        %dma_wait3A_85 = tpu.memref_squeeze %dma_wait3A_84 : memref<1x80x128xi32, #tpu.memory_space<hbm>> -> memref<80x128xi32, #tpu.memory_space<hbm>>
        %dma_wait3A_86 = arith.constant 0 : i32
        %dma_wait3A_87 = tpu.memref_slice %dma_wait3A_85[%mul3A_35, %dma_wait3A_86] : memref<80x128xi32, #tpu.memory_space<hbm>> -> memref<40x128xi32, #tpu.memory_space<hbm>>
        %dma_wait3A_88 = arith.constant 0 : i32
        %dma_wait3A_89 = arith.constant 0 : i32
        %dma_wait3A_90 = tpu.memref_slice %arg3[%add3A, %dma_wait3A_88, %dma_wait3A_89] : memref<32x80x128xi32, #tpu.memory_space<hbm>> -> memref<1x80x128xi32, #tpu.memory_space<hbm>>
        %dma_wait3A_91 = tpu.memref_squeeze %dma_wait3A_90 : memref<1x80x128xi32, #tpu.memory_space<hbm>> -> memref<80x128xi32, #tpu.memory_space<hbm>>
        %dma_wait3A_92 = arith.constant 0 : i32
        %dma_wait3A_93 = tpu.memref_slice %dma_wait3A_91[%mul3A_35, %dma_wait3A_92] : memref<80x128xi32, #tpu.memory_space<hbm>> -> memref<40x128xi32, #tpu.memory_space<hbm>>
        tpu.wait_dma2 semaphore(%run_scoped3A : memref<!tpu.dma_semaphore, #tpu.memory_space<semaphore_mem>>) src(%dma_wait3A_93 : memref<40x128xi32, #tpu.memory_space<hbm>>) dst(%arg8 : memref<40x128xi32, #tpu.memory_space<vmem>>)
        tpu.yield
      }) : () -> ()
      %dma_start3A = arith.constant 0 : i32
      %dma_start3A_36 = arith.constant 0 : i32
      %dma_start3A_37 = arith.constant 0 : i32
      %dma_start3A_38 = arith.constant 0 : i32
      %dma_start3A_39 = arith.constant 0 : i32
      %dma_start3A_40 = tpu.memref_slice %arg9[%dma_start3A_36, %dma_start3A_38, %dma_start3A_39] : memref<2x128x128xf32, #tpu.memory_space<vmem>> -> memref<1x128x128xf32, #tpu.memory_space<vmem>>
      %dma_start3A_41 = tpu.memref_squeeze %dma_start3A_40 : memref<1x128x128xf32, #tpu.memory_space<vmem>> -> memref<128x128xf32, #tpu.memory_space<vmem>>
      %dma_start3A_42 = arith.constant 0 : i32
      %dma_start3A_43 = tpu.memref_slice %arg7[%dma_start3A, %dma_start3A_42] : memref<40x128xi32, #tpu.memory_space<vmem>> -> memref<1x128xi32, #tpu.memory_space<vmem>>
      %dma_start3A_44 = tpu.memref_squeeze %dma_start3A_43 : memref<1x128xi32, #tpu.memory_space<vmem>> -> memref<128xi32, #tpu.memory_space<vmem>>
      %dma_start3A_45 = arith.constant 0 : i32
      %dma_start3A_46 = arith.constant 0 : i32
      %dma_start3A_47 = tpu.memref_slice %arg4[%dma_start3A_45, %dma_start3A_46] : memref<10000x128xf32, #tpu.memory_space<hbm>> -> memref<10000x128xf32, #tpu.memory_space<hbm>>
      %dma_start3A_48 = tpu.memref_slice %arg11[%dma_start3A_37] : memref<2x!tpu.dma_semaphore, #tpu.memory_space<semaphore_mem>> -> memref<1x!tpu.dma_semaphore, #tpu.memory_space<semaphore_mem>>
      %dma_start3A_49 = tpu.memref_squeeze %dma_start3A_48 : memref<1x!tpu.dma_semaphore, #tpu.memory_space<semaphore_mem>> -> memref<!tpu.dma_semaphore, #tpu.memory_space<semaphore_mem>>
      tpu.enqueue_indirect_dma source(%dma_start3A_47 : memref<10000x128xf32, #tpu.memory_space<hbm>>) target(%dma_start3A_41 : memref<128x128xf32, #tpu.memory_space<vmem>>) offsets(%dma_start3A_44 : memref<128xi32, #tpu.memory_space<vmem>>) semaphore(%dma_start3A_49 : memref<!tpu.dma_semaphore, #tpu.memory_space<semaphore_mem>>)
      %dma_start3A_50 = arith.constant 1 : i32
      %dma_start3A_51 = arith.constant 1 : i32
      %dma_start3A_52 = arith.constant 1 : i32
      %dma_start3A_53 = arith.constant 0 : i32
      %dma_start3A_54 = arith.constant 0 : i32
      %dma_start3A_55 = tpu.memref_slice %arg9[%dma_start3A_51, %dma_start3A_53, %dma_start3A_54] : memref<2x128x128xf32, #tpu.memory_space<vmem>> -> memref<1x128x128xf32, #tpu.memory_space<vmem>>
      %dma_start3A_56 = tpu.memref_squeeze %dma_start3A_55 : memref<1x128x128xf32, #tpu.memory_space<vmem>> -> memref<128x128xf32, #tpu.memory_space<vmem>>
      %dma_start3A_57 = arith.constant 0 : i32
      %dma_start3A_58 = tpu.memref_slice %arg7[%dma_start3A_50, %dma_start3A_57] : memref<40x128xi32, #tpu.memory_space<vmem>> -> memref<1x128xi32, #tpu.memory_space<vmem>>
      %dma_start3A_59 = tpu.memref_squeeze %dma_start3A_58 : memref<1x128xi32, #tpu.memory_space<vmem>> -> memref<128xi32, #tpu.memory_space<vmem>>
      %dma_start3A_60 = arith.constant 0 : i32
      %dma_start3A_61 = arith.constant 0 : i32
      %dma_start3A_62 = tpu.memref_slice %arg4[%dma_start3A_60, %dma_start3A_61] : memref<10000x128xf32, #tpu.memory_space<hbm>> -> memref<10000x128xf32, #tpu.memory_space<hbm>>
      %dma_start3A_63 = tpu.memref_slice %arg11[%dma_start3A_52] : memref<2x!tpu.dma_semaphore, #tpu.memory_space<semaphore_mem>> -> memref<1x!tpu.dma_semaphore, #tpu.memory_space<semaphore_mem>>
      %dma_start3A_64 = tpu.memref_squeeze %dma_start3A_63 : memref<1x!tpu.dma_semaphore, #tpu.memory_space<semaphore_mem>> -> memref<!tpu.dma_semaphore, #tpu.memory_space<semaphore_mem>>
      tpu.enqueue_indirect_dma source(%dma_start3A_62 : memref<10000x128xf32, #tpu.memory_space<hbm>>) target(%dma_start3A_56 : memref<128x128xf32, #tpu.memory_space<vmem>>) offsets(%dma_start3A_59 : memref<128xi32, #tpu.memory_space<vmem>>) semaphore(%dma_start3A_64 : memref<!tpu.dma_semaphore, #tpu.memory_space<semaphore_mem>>)
      %scan3A_65 = arith.constant 0 : i32
      %scan3A_66 = arith.constant 0 : i32
      %scan3A_67 = arith.constant 20 : i32
      %scan3A_68 = arith.addi %scan3A_66, %scan3A_67 : i32
      %scan3A_69 = arith.constant 1 : i32
      scf.for %scan3A_71 = %scan3A_66 to %scan3A_68 step %scan3A_69  : i32 {
        %mul3A_72 = arith.constant 2 : i32
        %mul3A_73 = arith.muli %scan3A_71, %mul3A_72 : i32
        %add3A_74 = arith.constant 0 : i32
        %add3A_75 = arith.addi %mul3A_73, %add3A_74 : i32
        %dma_wait3A = arith.constant 0 : i32
        %dma_wait3A_76 = arith.constant 0 : i32
        %dma_wait3A_77 = arith.constant 0 : i32
        %dma_wait3A_78 = arith.constant 0 : i32
        %dma_wait3A_79 = tpu.memref_slice %arg9[%dma_wait3A, %dma_wait3A_77, %dma_wait3A_78] : memref<2x128x128xf32, #tpu.memory_space<vmem>> -> memref<1x128x128xf32, #tpu.memory_space<vmem>>
        %dma_wait3A_80 = tpu.memref_squeeze %dma_wait3A_79 : memref<1x128x128xf32, #tpu.memory_space<vmem>> -> memref<128x128xf32, #tpu.memory_space<vmem>>
        %dma_wait3A_81 = arith.constant 0 : i32
        %dma_wait3A_82 = tpu.memref_slice %arg7[%add3A_75, %dma_wait3A_81] : memref<40x128xi32, #tpu.memory_space<vmem>> -> memref<1x128xi32, #tpu.memory_space<vmem>>
        %dma_wait3A_83 = tpu.memref_squeeze %dma_wait3A_82 : memref<1x128xi32, #tpu.memory_space<vmem>> -> memref<128xi32, #tpu.memory_space<vmem>>
        %dma_wait3A_84 = arith.constant 0 : i32
        %dma_wait3A_85 = arith.constant 0 : i32
        %dma_wait3A_86 = tpu.memref_slice %arg4[%dma_wait3A_84, %dma_wait3A_85] : memref<10000x128xf32, #tpu.memory_space<hbm>> -> memref<10000x128xf32, #tpu.memory_space<hbm>>
        %dma_wait3A_87 = tpu.memref_slice %arg11[%dma_wait3A_76] : memref<2x!tpu.dma_semaphore, #tpu.memory_space<semaphore_mem>> -> memref<1x!tpu.dma_semaphore, #tpu.memory_space<semaphore_mem>>
        %dma_wait3A_88 = tpu.memref_squeeze %dma_wait3A_87 : memref<1x!tpu.dma_semaphore, #tpu.memory_space<semaphore_mem>> -> memref<!tpu.dma_semaphore, #tpu.memory_space<semaphore_mem>>
        tpu.wait_indirect_dma semaphore(%dma_wait3A_88 : memref<!tpu.dma_semaphore, #tpu.memory_space<semaphore_mem>>) src(%dma_wait3A_86 : memref<10000x128xf32, #tpu.memory_space<hbm>>) dst(%dma_wait3A_80 : memref<128x128xf32, #tpu.memory_space<vmem>>)
        %run_scoped3A = arith.constant 0 : i32
        "tpu.region"() ({
          %run_scoped3A_117 = tpu.sem_alloc : memref<!tpu.dma_semaphore, #tpu.memory_space<semaphore_mem>>
          %dma_start3A_118 = arith.constant 0 : i32
          %dma_start3A_119 = arith.constant 0 : i32
          %dma_start3A_120 = tpu.memref_slice %arg9[%run_scoped3A, %dma_start3A_118, %dma_start3A_119] : memref<2x128x128xf32, #tpu.memory_space<vmem>> -> memref<1x128x128xf32, #tpu.memory_space<vmem>>
          %dma_start3A_121 = tpu.memref_squeeze %dma_start3A_120 : memref<1x128x128xf32, #tpu.memory_space<vmem>> -> memref<128x128xf32, #tpu.memory_space<vmem>>
          %dma_start3A_122 = arith.constant 0 : i32
          %dma_start3A_123 = tpu.memref_slice %arg8[%add3A_75, %dma_start3A_122] : memref<40x128xi32, #tpu.memory_space<vmem>> -> memref<1x128xi32, #tpu.memory_space<vmem>>
          %dma_start3A_124 = tpu.memref_squeeze %dma_start3A_123 : memref<1x128xi32, #tpu.memory_space<vmem>> -> memref<128xi32, #tpu.memory_space<vmem>>
          %dma_start3A_125 = arith.constant 0 : i32
          %dma_start3A_126 = arith.constant 0 : i32
          %dma_start3A_127 = tpu.memref_slice %arg10[%dma_start3A_125, %dma_start3A_126] : memref<10240x128xf32, #tpu.memory_space<vmem_shared>> -> memref<10240x128xf32, #tpu.memory_space<vmem_shared>>
          tpu.enqueue_indirect_dma source(%dma_start3A_121 : memref<128x128xf32, #tpu.memory_space<vmem>>) target(%dma_start3A_127 : memref<10240x128xf32, #tpu.memory_space<vmem_shared>>) offsets(%dma_start3A_124 : memref<128xi32, #tpu.memory_space<vmem>>) semaphore(%run_scoped3A_117 : memref<!tpu.dma_semaphore, #tpu.memory_space<semaphore_mem>>) {add = true}
          %dma_wait3A_128 = arith.constant 0 : i32
          %dma_wait3A_129 = arith.constant 0 : i32
          %dma_wait3A_130 = tpu.memref_slice %arg9[%run_scoped3A, %dma_wait3A_128, %dma_wait3A_129] : memref<2x128x128xf32, #tpu.memory_space<vmem>> -> memref<1x128x128xf32, #tpu.memory_space<vmem>>
          %dma_wait3A_131 = tpu.memref_squeeze %dma_wait3A_130 : memref<1x128x128xf32, #tpu.memory_space<vmem>> -> memref<128x128xf32, #tpu.memory_space<vmem>>
          %dma_wait3A_132 = arith.constant 0 : i32
          %dma_wait3A_133 = tpu.memref_slice %arg8[%add3A_75, %dma_wait3A_132] : memref<40x128xi32, #tpu.memory_space<vmem>> -> memref<1x128xi32, #tpu.memory_space<vmem>>
          %dma_wait3A_134 = tpu.memref_squeeze %dma_wait3A_133 : memref<1x128xi32, #tpu.memory_space<vmem>> -> memref<128xi32, #tpu.memory_space<vmem>>
          %dma_wait3A_135 = arith.constant 0 : i32
          %dma_wait3A_136 = arith.constant 0 : i32
          %dma_wait3A_137 = tpu.memref_slice %arg10[%dma_wait3A_135, %dma_wait3A_136] : memref<10240x128xf32, #tpu.memory_space<vmem_shared>> -> memref<10240x128xf32, #tpu.memory_space<vmem_shared>>
          tpu.wait_indirect_dma semaphore(%run_scoped3A_117 : memref<!tpu.dma_semaphore, #tpu.memory_space<semaphore_mem>>) src(%dma_wait3A_131 : memref<128x128xf32, #tpu.memory_space<vmem>>) dst(%dma_wait3A_137 : memref<10240x128xf32, #tpu.memory_space<vmem_shared>>)
          tpu.yield
        }) : () -> ()
        %add3A_89 = arith.constant 2 : i32
        %add3A_90 = arith.addi %add3A_75, %add3A_89 : i32
        %lt3A = arith.constant 40 : i32
        %lt3A_91 = arith.cmpi slt, %add3A_90, %lt3A : i32
        %convert_element_type3A = arith.extui %lt3A_91 : i1 to i32
        %cond3A = arith.constant 0 : i32
        %cond3A_92 = arith.cmpi ne, %convert_element_type3A, %cond3A : i32
        scf.if %cond3A_92 {
          %add3A_117 = arith.constant 2 : i32
          %add3A_118 = arith.addi %add3A_75, %add3A_117 : i32
          %dma_start3A_119 = arith.constant 0 : i32
          %dma_start3A_120 = arith.constant 0 : i32
          %dma_start3A_121 = arith.constant 0 : i32
          %dma_start3A_122 = arith.constant 0 : i32
          %dma_start3A_123 = tpu.memref_slice %arg9[%dma_start3A_119, %dma_start3A_121, %dma_start3A_122] : memref<2x128x128xf32, #tpu.memory_space<vmem>> -> memref<1x128x128xf32, #tpu.memory_space<vmem>>
          %dma_start3A_124 = tpu.memref_squeeze %dma_start3A_123 : memref<1x128x128xf32, #tpu.memory_space<vmem>> -> memref<128x128xf32, #tpu.memory_space<vmem>>
          %dma_start3A_125 = arith.constant 0 : i32
          %dma_start3A_126 = tpu.memref_slice %arg7[%add3A_118, %dma_start3A_125] : memref<40x128xi32, #tpu.memory_space<vmem>> -> memref<1x128xi32, #tpu.memory_space<vmem>>
          %dma_start3A_127 = tpu.memref_squeeze %dma_start3A_126 : memref<1x128xi32, #tpu.memory_space<vmem>> -> memref<128xi32, #tpu.memory_space<vmem>>
          %dma_start3A_128 = arith.constant 0 : i32
          %dma_start3A_129 = arith.constant 0 : i32
          %dma_start3A_130 = tpu.memref_slice %arg4[%dma_start3A_128, %dma_start3A_129] : memref<10000x128xf32, #tpu.memory_space<hbm>> -> memref<10000x128xf32, #tpu.memory_space<hbm>>
          %dma_start3A_131 = tpu.memref_slice %arg11[%dma_start3A_120] : memref<2x!tpu.dma_semaphore, #tpu.memory_space<semaphore_mem>> -> memref<1x!tpu.dma_semaphore, #tpu.memory_space<semaphore_mem>>
          %dma_start3A_132 = tpu.memref_squeeze %dma_start3A_131 : memref<1x!tpu.dma_semaphore, #tpu.memory_space<semaphore_mem>> -> memref<!tpu.dma_semaphore, #tpu.memory_space<semaphore_mem>>
          tpu.enqueue_indirect_dma source(%dma_start3A_130 : memref<10000x128xf32, #tpu.memory_space<hbm>>) target(%dma_start3A_124 : memref<128x128xf32, #tpu.memory_space<vmem>>) offsets(%dma_start3A_127 : memref<128xi32, #tpu.memory_space<vmem>>) semaphore(%dma_start3A_132 : memref<!tpu.dma_semaphore, #tpu.memory_space<semaphore_mem>>)
        } else {
        }
        %add3A_93 = arith.constant 1 : i32
        %add3A_94 = arith.addi %mul3A_73, %add3A_93 : i32
        %dma_wait3A_95 = arith.constant 1 : i32
        %dma_wait3A_96 = arith.constant 1 : i32
        %dma_wait3A_97 = arith.constant 0 : i32
        %dma_wait3A_98 = arith.constant 0 : i32
        %dma_wait3A_99 = tpu.memref_slice %arg9[%dma_wait3A_95, %dma_wait3A_97, %dma_wait3A_98] : memref<2x128x128xf32, #tpu.memory_space<vmem>> -> memref<1x128x128xf32, #tpu.memory_space<vmem>>
        %dma_wait3A_100 = tpu.memref_squeeze %dma_wait3A_99 : memref<1x128x128xf32, #tpu.memory_space<vmem>> -> memref<128x128xf32, #tpu.memory_space<vmem>>
        %dma_wait3A_101 = arith.constant 0 : i32
        %dma_wait3A_102 = tpu.memref_slice %arg7[%add3A_94, %dma_wait3A_101] : memref<40x128xi32, #tpu.memory_space<vmem>> -> memref<1x128xi32, #tpu.memory_space<vmem>>
        %dma_wait3A_103 = tpu.memref_squeeze %dma_wait3A_102 : memref<1x128xi32, #tpu.memory_space<vmem>> -> memref<128xi32, #tpu.memory_space<vmem>>
        %dma_wait3A_104 = arith.constant 0 : i32
        %dma_wait3A_105 = arith.constant 0 : i32
        %dma_wait3A_106 = tpu.memref_slice %arg4[%dma_wait3A_104, %dma_wait3A_105] : memref<10000x128xf32, #tpu.memory_space<hbm>> -> memref<10000x128xf32, #tpu.memory_space<hbm>>
        %dma_wait3A_107 = tpu.memref_slice %arg11[%dma_wait3A_96] : memref<2x!tpu.dma_semaphore, #tpu.memory_space<semaphore_mem>> -> memref<1x!tpu.dma_semaphore, #tpu.memory_space<semaphore_mem>>
        %dma_wait3A_108 = tpu.memref_squeeze %dma_wait3A_107 : memref<1x!tpu.dma_semaphore, #tpu.memory_space<semaphore_mem>> -> memref<!tpu.dma_semaphore, #tpu.memory_space<semaphore_mem>>
        tpu.wait_indirect_dma semaphore(%dma_wait3A_108 : memref<!tpu.dma_semaphore, #tpu.memory_space<semaphore_mem>>) src(%dma_wait3A_106 : memref<10000x128xf32, #tpu.memory_space<hbm>>) dst(%dma_wait3A_100 : memref<128x128xf32, #tpu.memory_space<vmem>>)
        %run_scoped3A_109 = arith.constant 1 : i32
        "tpu.region"() ({
          %run_scoped3A_117 = tpu.sem_alloc : memref<!tpu.dma_semaphore, #tpu.memory_space<semaphore_mem>>
          %dma_start3A_118 = arith.constant 0 : i32
          %dma_start3A_119 = arith.constant 0 : i32
          %dma_start3A_120 = tpu.memref_slice %arg9[%run_scoped3A_109, %dma_start3A_118, %dma_start3A_119] : memref<2x128x128xf32, #tpu.memory_space<vmem>> -> memref<1x128x128xf32, #tpu.memory_space<vmem>>
          %dma_start3A_121 = tpu.memref_squeeze %dma_start3A_120 : memref<1x128x128xf32, #tpu.memory_space<vmem>> -> memref<128x128xf32, #tpu.memory_space<vmem>>
          %dma_start3A_122 = arith.constant 0 : i32
          %dma_start3A_123 = tpu.memref_slice %arg8[%add3A_94, %dma_start3A_122] : memref<40x128xi32, #tpu.memory_space<vmem>> -> memref<1x128xi32, #tpu.memory_space<vmem>>
          %dma_start3A_124 = tpu.memref_squeeze %dma_start3A_123 : memref<1x128xi32, #tpu.memory_space<vmem>> -> memref<128xi32, #tpu.memory_space<vmem>>
          %dma_start3A_125 = arith.constant 0 : i32
          %dma_start3A_126 = arith.constant 0 : i32
          %dma_start3A_127 = tpu.memref_slice %arg10[%dma_start3A_125, %dma_start3A_126] : memref<10240x128xf32, #tpu.memory_space<vmem_shared>> -> memref<10240x128xf32, #tpu.memory_space<vmem_shared>>
          tpu.enqueue_indirect_dma source(%dma_start3A_121 : memref<128x128xf32, #tpu.memory_space<vmem>>) target(%dma_start3A_127 : memref<10240x128xf32, #tpu.memory_space<vmem_shared>>) offsets(%dma_start3A_124 : memref<128xi32, #tpu.memory_space<vmem>>) semaphore(%run_scoped3A_117 : memref<!tpu.dma_semaphore, #tpu.memory_space<semaphore_mem>>) {add = true}
          %dma_wait3A_128 = arith.constant 0 : i32
          %dma_wait3A_129 = arith.constant 0 : i32
          %dma_wait3A_130 = tpu.memref_slice %arg9[%run_scoped3A_109, %dma_wait3A_128, %dma_wait3A_129] : memref<2x128x128xf32, #tpu.memory_space<vmem>> -> memref<1x128x128xf32, #tpu.memory_space<vmem>>
          %dma_wait3A_131 = tpu.memref_squeeze %dma_wait3A_130 : memref<1x128x128xf32, #tpu.memory_space<vmem>> -> memref<128x128xf32, #tpu.memory_space<vmem>>
          %dma_wait3A_132 = arith.constant 0 : i32
          %dma_wait3A_133 = tpu.memref_slice %arg8[%add3A_94, %dma_wait3A_132] : memref<40x128xi32, #tpu.memory_space<vmem>> -> memref<1x128xi32, #tpu.memory_space<vmem>>
          %dma_wait3A_134 = tpu.memref_squeeze %dma_wait3A_133 : memref<1x128xi32, #tpu.memory_space<vmem>> -> memref<128xi32, #tpu.memory_space<vmem>>
          %dma_wait3A_135 = arith.constant 0 : i32
          %dma_wait3A_136 = arith.constant 0 : i32
          %dma_wait3A_137 = tpu.memref_slice %arg10[%dma_wait3A_135, %dma_wait3A_136] : memref<10240x128xf32, #tpu.memory_space<vmem_shared>> -> memref<10240x128xf32, #tpu.memory_space<vmem_shared>>
          tpu.wait_indirect_dma semaphore(%run_scoped3A_117 : memref<!tpu.dma_semaphore, #tpu.memory_space<semaphore_mem>>) src(%dma_wait3A_131 : memref<128x128xf32, #tpu.memory_space<vmem>>) dst(%dma_wait3A_137 : memref<10240x128xf32, #tpu.memory_space<vmem_shared>>)
          tpu.yield
        }) : () -> ()
        %add3A_110 = arith.constant 2 : i32
        %add3A_111 = arith.addi %add3A_94, %add3A_110 : i32
        %lt3A_112 = arith.constant 40 : i32
        %lt3A_113 = arith.cmpi slt, %add3A_111, %lt3A_112 : i32
        %convert_element_type3A_114 = arith.extui %lt3A_113 : i1 to i32
        %cond3A_115 = arith.constant 0 : i32
        %cond3A_116 = arith.cmpi ne, %convert_element_type3A_114, %cond3A_115 : i32
        scf.if %cond3A_116 {
          %add3A_117 = arith.constant 2 : i32
          %add3A_118 = arith.addi %add3A_94, %add3A_117 : i32
          %dma_start3A_119 = arith.constant 1 : i32
          %dma_start3A_120 = arith.constant 1 : i32
          %dma_start3A_121 = arith.constant 0 : i32
          %dma_start3A_122 = arith.constant 0 : i32
          %dma_start3A_123 = tpu.memref_slice %arg9[%dma_start3A_119, %dma_start3A_121, %dma_start3A_122] : memref<2x128x128xf32, #tpu.memory_space<vmem>> -> memref<1x128x128xf32, #tpu.memory_space<vmem>>
          %dma_start3A_124 = tpu.memref_squeeze %dma_start3A_123 : memref<1x128x128xf32, #tpu.memory_space<vmem>> -> memref<128x128xf32, #tpu.memory_space<vmem>>
          %dma_start3A_125 = arith.constant 0 : i32
          %dma_start3A_126 = tpu.memref_slice %arg7[%add3A_118, %dma_start3A_125] : memref<40x128xi32, #tpu.memory_space<vmem>> -> memref<1x128xi32, #tpu.memory_space<vmem>>
          %dma_start3A_127 = tpu.memref_squeeze %dma_start3A_126 : memref<1x128xi32, #tpu.memory_space<vmem>> -> memref<128xi32, #tpu.memory_space<vmem>>
          %dma_start3A_128 = arith.constant 0 : i32
          %dma_start3A_129 = arith.constant 0 : i32
          %dma_start3A_130 = tpu.memref_slice %arg4[%dma_start3A_128, %dma_start3A_129] : memref<10000x128xf32, #tpu.memory_space<hbm>> -> memref<10000x128xf32, #tpu.memory_space<hbm>>
          %dma_start3A_131 = tpu.memref_slice %arg11[%dma_start3A_120] : memref<2x!tpu.dma_semaphore, #tpu.memory_space<semaphore_mem>> -> memref<1x!tpu.dma_semaphore, #tpu.memory_space<semaphore_mem>>
          %dma_start3A_132 = tpu.memref_squeeze %dma_start3A_131 : memref<1x!tpu.dma_semaphore, #tpu.memory_space<semaphore_mem>> -> memref<!tpu.dma_semaphore, #tpu.memory_space<semaphore_mem>>
          tpu.enqueue_indirect_dma source(%dma_start3A_130 : memref<10000x128xf32, #tpu.memory_space<hbm>>) target(%dma_start3A_124 : memref<128x128xf32, #tpu.memory_space<vmem>>) offsets(%dma_start3A_127 : memref<128xi32, #tpu.memory_space<vmem>>) semaphore(%dma_start3A_132 : memref<!tpu.dma_semaphore, #tpu.memory_space<semaphore_mem>>)
        } else {
        }
      }
      %scan3A_70 = arith.constant 20 : i32
    }
    %scan3A_25 = arith.constant 2 : i32
    %barrier3A_26 = arith.constant 0 : index
    tpu.barrier barrier_id(%barrier3A_26)
    %mul3A_27 = arith.constant 640 : i32
    %mul3A_28 = arith.muli %arg1, %mul3A_27 : i32
    %mul3A_29 = arith.constant 640 : i32
    %mul3A_30 = arith.muli %arg1, %mul3A_29 : i32
    "tpu.region"() ({
      %run_scoped3A = tpu.sem_alloc : memref<!tpu.dma_semaphore, #tpu.memory_space<semaphore_mem>>
      %dma_start3A = arith.constant 0 : i32
      %dma_start3A_31 = arith.constant 0 : i32
      %dma_start3A_32 = tpu.memref_slice %arg6[%arg0, %dma_start3A, %dma_start3A_31] : memref<2x10240x128xf32, #tpu.memory_space<hbm>> -> memref<1x10240x128xf32, #tpu.memory_space<hbm>>
      %dma_start3A_33 = tpu.memref_squeeze %dma_start3A_32 : memref<1x10240x128xf32, #tpu.memory_space<hbm>> -> memref<10240x128xf32, #tpu.memory_space<hbm>>
      %dma_start3A_34 = arith.constant 0 : i32
      %dma_start3A_35 = tpu.memref_slice %dma_start3A_33[%mul3A_30, %dma_start3A_34] : memref<10240x128xf32, #tpu.memory_space<hbm>> -> memref<640x128xf32, #tpu.memory_space<hbm>>
      %dma_start3A_36 = arith.constant 0 : i32
      %dma_start3A_37 = tpu.memref_slice %arg10[%mul3A_28, %dma_start3A_36] : memref<10240x128xf32, #tpu.memory_space<vmem_shared>> -> memref<640x128xf32, #tpu.memory_space<vmem_shared>>
      tpu.enqueue_dma source(%dma_start3A_37 : memref<640x128xf32, #tpu.memory_space<vmem_shared>>) target(%dma_start3A_35 : memref<640x128xf32, #tpu.memory_space<hbm>>) target_semaphore(%run_scoped3A : memref<!tpu.dma_semaphore, #tpu.memory_space<semaphore_mem>>)
      %dma_wait3A = arith.constant 0 : i32
      %dma_wait3A_38 = arith.constant 0 : i32
      %dma_wait3A_39 = tpu.memref_slice %arg6[%arg0, %dma_wait3A, %dma_wait3A_38] : memref<2x10240x128xf32, #tpu.memory_space<hbm>> -> memref<1x10240x128xf32, #tpu.memory_space<hbm>>
      %dma_wait3A_40 = tpu.memref_squeeze %dma_wait3A_39 : memref<1x10240x128xf32, #tpu.memory_space<hbm>> -> memref<10240x128xf32, #tpu.memory_space<hbm>>
      %dma_wait3A_41 = arith.constant 0 : i32
      %dma_wait3A_42 = tpu.memref_slice %dma_wait3A_40[%mul3A_30, %dma_wait3A_41] : memref<10240x128xf32, #tpu.memory_space<hbm>> -> memref<640x128xf32, #tpu.memory_space<hbm>>
      %dma_wait3A_43 = arith.constant 0 : i32
      %dma_wait3A_44 = tpu.memref_slice %arg10[%mul3A_28, %dma_wait3A_43] : memref<10240x128xf32, #tpu.memory_space<vmem_shared>> -> memref<640x128xf32, #tpu.memory_space<vmem_shared>>
      tpu.wait_dma2 semaphore(%run_scoped3A : memref<!tpu.dma_semaphore, #tpu.memory_space<semaphore_mem>>) src(%dma_wait3A_44 : memref<640x128xf32, #tpu.memory_space<vmem_shared>>) dst(%dma_wait3A_42 : memref<640x128xf32, #tpu.memory_space<hbm>>)
      tpu.yield
    }) : () -> ()
    return
  }
}

#map = affine_map<(d0, d1) -> (0, 0, 0)>
#map1 = affine_map<(d0, d1) -> (0, 0)>
module attributes {stable_mosaic.version = 14 : i64} {
  func.func @_sc_degree_body(%arg0: i32, %arg1: i32, %arg2: memref<32x80x128xi32, #tpu.memory_space<hbm>>, %arg3: memref<128x128xf32, #tpu.memory_space<hbm>>, %arg4: memref<2x10240x128xf32, #tpu.memory_space<hbm>>, %arg5: memref<40x128xi32, #tpu.memory_space<vmem>>, %arg6: memref<128x128xf32, #tpu.memory_space<vmem>>, %arg7: memref<10240x128xf32, #tpu.memory_space<vmem_shared>>) attributes {dimension_semantics = [#tpu.dimension_semantics<core_parallel>, #tpu.dimension_semantics<subcore_parallel>], iteration_bounds = array<i64: 2, 16>, scalar_prefetch = 0 : i64, scratch_operands = 3 : i64, tpu.core_type = #tpu.core_type<sc_vector_subcore>, window_params = [{transform_indices = #map}, {transform_indices = #map1}, {transform_indices = #map}]} {
    %mul3A = arith.constant 16 : i32
    %mul3A_0 = arith.muli %arg0, %mul3A : i32
    %add3A = arith.addi %mul3A_0, %arg1 : i32
    %mul3A_1 = arith.constant 640 : i32
    %mul3A_2 = arith.muli %arg1, %mul3A_1 : i32
    %add3A_3 = arith.constant 0 : i32
    %add3A_4 = arith.addi %mul3A_2, %add3A_3 : i32
    "tpu.region"() ({
      %run_scoped3A = tpu.sem_alloc : memref<!tpu.dma_semaphore, #tpu.memory_space<semaphore_mem>>
      %dma_start3A = arith.constant 0 : i32
      %dma_start3A_31 = tpu.memref_slice %arg7[%add3A_4, %dma_start3A] : memref<10240x128xf32, #tpu.memory_space<vmem_shared>> -> memref<128x128xf32, #tpu.memory_space<vmem_shared>>
      tpu.enqueue_dma source(%arg3 : memref<128x128xf32, #tpu.memory_space<hbm>>) target(%dma_start3A_31 : memref<128x128xf32, #tpu.memory_space<vmem_shared>>) target_semaphore(%run_scoped3A : memref<!tpu.dma_semaphore, #tpu.memory_space<semaphore_mem>>)
      %dma_wait3A = arith.constant 0 : i32
      %dma_wait3A_32 = tpu.memref_slice %arg7[%add3A_4, %dma_wait3A] : memref<10240x128xf32, #tpu.memory_space<vmem_shared>> -> memref<128x128xf32, #tpu.memory_space<vmem_shared>>
      tpu.wait_dma2 semaphore(%run_scoped3A : memref<!tpu.dma_semaphore, #tpu.memory_space<semaphore_mem>>) src(%arg3 : memref<128x128xf32, #tpu.memory_space<hbm>>) dst(%dma_wait3A_32 : memref<128x128xf32, #tpu.memory_space<vmem_shared>>)
      tpu.yield
    }) : () -> ()
    %mul3A_5 = arith.constant 640 : i32
    %mul3A_6 = arith.muli %arg1, %mul3A_5 : i32
    %add3A_7 = arith.constant 128 : i32
    %add3A_8 = arith.addi %mul3A_6, %add3A_7 : i32
    "tpu.region"() ({
      %run_scoped3A = tpu.sem_alloc : memref<!tpu.dma_semaphore, #tpu.memory_space<semaphore_mem>>
      %dma_start3A = arith.constant 0 : i32
      %dma_start3A_31 = tpu.memref_slice %arg7[%add3A_8, %dma_start3A] : memref<10240x128xf32, #tpu.memory_space<vmem_shared>> -> memref<128x128xf32, #tpu.memory_space<vmem_shared>>
      tpu.enqueue_dma source(%arg3 : memref<128x128xf32, #tpu.memory_space<hbm>>) target(%dma_start3A_31 : memref<128x128xf32, #tpu.memory_space<vmem_shared>>) target_semaphore(%run_scoped3A : memref<!tpu.dma_semaphore, #tpu.memory_space<semaphore_mem>>)
      %dma_wait3A = arith.constant 0 : i32
      %dma_wait3A_32 = tpu.memref_slice %arg7[%add3A_8, %dma_wait3A] : memref<10240x128xf32, #tpu.memory_space<vmem_shared>> -> memref<128x128xf32, #tpu.memory_space<vmem_shared>>
      tpu.wait_dma2 semaphore(%run_scoped3A : memref<!tpu.dma_semaphore, #tpu.memory_space<semaphore_mem>>) src(%arg3 : memref<128x128xf32, #tpu.memory_space<hbm>>) dst(%dma_wait3A_32 : memref<128x128xf32, #tpu.memory_space<vmem_shared>>)
      tpu.yield
    }) : () -> ()
    %mul3A_9 = arith.constant 640 : i32
    %mul3A_10 = arith.muli %arg1, %mul3A_9 : i32
    %add3A_11 = arith.constant 256 : i32
    %add3A_12 = arith.addi %mul3A_10, %add3A_11 : i32
    "tpu.region"() ({
      %run_scoped3A = tpu.sem_alloc : memref<!tpu.dma_semaphore, #tpu.memory_space<semaphore_mem>>
      %dma_start3A = arith.constant 0 : i32
      %dma_start3A_31 = tpu.memref_slice %arg7[%add3A_12, %dma_start3A] : memref<10240x128xf32, #tpu.memory_space<vmem_shared>> -> memref<128x128xf32, #tpu.memory_space<vmem_shared>>
      tpu.enqueue_dma source(%arg3 : memref<128x128xf32, #tpu.memory_space<hbm>>) target(%dma_start3A_31 : memref<128x128xf32, #tpu.memory_space<vmem_shared>>) target_semaphore(%run_scoped3A : memref<!tpu.dma_semaphore, #tpu.memory_space<semaphore_mem>>)
      %dma_wait3A = arith.constant 0 : i32
      %dma_wait3A_32 = tpu.memref_slice %arg7[%add3A_12, %dma_wait3A] : memref<10240x128xf32, #tpu.memory_space<vmem_shared>> -> memref<128x128xf32, #tpu.memory_space<vmem_shared>>
      tpu.wait_dma2 semaphore(%run_scoped3A : memref<!tpu.dma_semaphore, #tpu.memory_space<semaphore_mem>>) src(%arg3 : memref<128x128xf32, #tpu.memory_space<hbm>>) dst(%dma_wait3A_32 : memref<128x128xf32, #tpu.memory_space<vmem_shared>>)
      tpu.yield
    }) : () -> ()
    %mul3A_13 = arith.constant 640 : i32
    %mul3A_14 = arith.muli %arg1, %mul3A_13 : i32
    %add3A_15 = arith.constant 384 : i32
    %add3A_16 = arith.addi %mul3A_14, %add3A_15 : i32
    "tpu.region"() ({
      %run_scoped3A = tpu.sem_alloc : memref<!tpu.dma_semaphore, #tpu.memory_space<semaphore_mem>>
      %dma_start3A = arith.constant 0 : i32
      %dma_start3A_31 = tpu.memref_slice %arg7[%add3A_16, %dma_start3A] : memref<10240x128xf32, #tpu.memory_space<vmem_shared>> -> memref<128x128xf32, #tpu.memory_space<vmem_shared>>
      tpu.enqueue_dma source(%arg3 : memref<128x128xf32, #tpu.memory_space<hbm>>) target(%dma_start3A_31 : memref<128x128xf32, #tpu.memory_space<vmem_shared>>) target_semaphore(%run_scoped3A : memref<!tpu.dma_semaphore, #tpu.memory_space<semaphore_mem>>)
      %dma_wait3A = arith.constant 0 : i32
      %dma_wait3A_32 = tpu.memref_slice %arg7[%add3A_16, %dma_wait3A] : memref<10240x128xf32, #tpu.memory_space<vmem_shared>> -> memref<128x128xf32, #tpu.memory_space<vmem_shared>>
      tpu.wait_dma2 semaphore(%run_scoped3A : memref<!tpu.dma_semaphore, #tpu.memory_space<semaphore_mem>>) src(%arg3 : memref<128x128xf32, #tpu.memory_space<hbm>>) dst(%dma_wait3A_32 : memref<128x128xf32, #tpu.memory_space<vmem_shared>>)
      tpu.yield
    }) : () -> ()
    %mul3A_17 = arith.constant 640 : i32
    %mul3A_18 = arith.muli %arg1, %mul3A_17 : i32
    %add3A_19 = arith.constant 512 : i32
    %add3A_20 = arith.addi %mul3A_18, %add3A_19 : i32
    "tpu.region"() ({
      %run_scoped3A = tpu.sem_alloc : memref<!tpu.dma_semaphore, #tpu.memory_space<semaphore_mem>>
      %dma_start3A = arith.constant 0 : i32
      %dma_start3A_31 = tpu.memref_slice %arg7[%add3A_20, %dma_start3A] : memref<10240x128xf32, #tpu.memory_space<vmem_shared>> -> memref<128x128xf32, #tpu.memory_space<vmem_shared>>
      tpu.enqueue_dma source(%arg3 : memref<128x128xf32, #tpu.memory_space<hbm>>) target(%dma_start3A_31 : memref<128x128xf32, #tpu.memory_space<vmem_shared>>) target_semaphore(%run_scoped3A : memref<!tpu.dma_semaphore, #tpu.memory_space<semaphore_mem>>)
      %dma_wait3A = arith.constant 0 : i32
      %dma_wait3A_32 = tpu.memref_slice %arg7[%add3A_20, %dma_wait3A] : memref<10240x128xf32, #tpu.memory_space<vmem_shared>> -> memref<128x128xf32, #tpu.memory_space<vmem_shared>>
      tpu.wait_dma2 semaphore(%run_scoped3A : memref<!tpu.dma_semaphore, #tpu.memory_space<semaphore_mem>>) src(%arg3 : memref<128x128xf32, #tpu.memory_space<hbm>>) dst(%dma_wait3A_32 : memref<128x128xf32, #tpu.memory_space<vmem_shared>>)
      tpu.yield
    }) : () -> ()
    "tpu.region"() ({
      %run_scoped3A = tpu.sem_alloc : memref<!tpu.dma_semaphore, #tpu.memory_space<semaphore_mem>>
      tpu.enqueue_dma source(%arg3 : memref<128x128xf32, #tpu.memory_space<hbm>>) target(%arg6 : memref<128x128xf32, #tpu.memory_space<vmem>>) target_semaphore(%run_scoped3A : memref<!tpu.dma_semaphore, #tpu.memory_space<semaphore_mem>>)
      tpu.wait_dma2 semaphore(%run_scoped3A : memref<!tpu.dma_semaphore, #tpu.memory_space<semaphore_mem>>) src(%arg3 : memref<128x128xf32, #tpu.memory_space<hbm>>) dst(%arg6 : memref<128x128xf32, #tpu.memory_space<vmem>>)
      tpu.yield
    }) : () -> ()
    %barrier3A = arith.constant 0 : index
    tpu.barrier barrier_id(%barrier3A)
    %scan3A = arith.constant 0 : i32
    %scan3A_21 = arith.constant 0 : i32
    %scan3A_22 = arith.constant 2 : i32
    %scan3A_23 = arith.addi %scan3A_21, %scan3A_22 : i32
    %scan3A_24 = arith.constant 1 : i32
    scf.for %scan3A_31 = %scan3A_21 to %scan3A_23 step %scan3A_24  : i32 {
      %mul3A_32 = arith.constant 40 : i32
      %mul3A_33 = arith.muli %scan3A_31, %mul3A_32 : i32
      "tpu.region"() ({
        %run_scoped3A = tpu.sem_alloc : memref<!tpu.dma_semaphore, #tpu.memory_space<semaphore_mem>>
        %dma_start3A = arith.constant 0 : i32
        %dma_start3A_40 = arith.constant 0 : i32
        %dma_start3A_41 = tpu.memref_slice %arg2[%add3A, %dma_start3A, %dma_start3A_40] : memref<32x80x128xi32, #tpu.memory_space<hbm>> -> memref<1x80x128xi32, #tpu.memory_space<hbm>>
        %dma_start3A_42 = tpu.memref_squeeze %dma_start3A_41 : memref<1x80x128xi32, #tpu.memory_space<hbm>> -> memref<80x128xi32, #tpu.memory_space<hbm>>
        %dma_start3A_43 = arith.constant 0 : i32
        %dma_start3A_44 = tpu.memref_slice %dma_start3A_42[%mul3A_33, %dma_start3A_43] : memref<80x128xi32, #tpu.memory_space<hbm>> -> memref<40x128xi32, #tpu.memory_space<hbm>>
        %dma_start3A_45 = arith.constant 0 : i32
        %dma_start3A_46 = arith.constant 0 : i32
        %dma_start3A_47 = tpu.memref_slice %arg2[%add3A, %dma_start3A_45, %dma_start3A_46] : memref<32x80x128xi32, #tpu.memory_space<hbm>> -> memref<1x80x128xi32, #tpu.memory_space<hbm>>
        %dma_start3A_48 = tpu.memref_squeeze %dma_start3A_47 : memref<1x80x128xi32, #tpu.memory_space<hbm>> -> memref<80x128xi32, #tpu.memory_space<hbm>>
        %dma_start3A_49 = arith.constant 0 : i32
        %dma_start3A_50 = tpu.memref_slice %dma_start3A_48[%mul3A_33, %dma_start3A_49] : memref<80x128xi32, #tpu.memory_space<hbm>> -> memref<40x128xi32, #tpu.memory_space<hbm>>
        tpu.enqueue_dma source(%dma_start3A_50 : memref<40x128xi32, #tpu.memory_space<hbm>>) target(%arg5 : memref<40x128xi32, #tpu.memory_space<vmem>>) target_semaphore(%run_scoped3A : memref<!tpu.dma_semaphore, #tpu.memory_space<semaphore_mem>>)
        %dma_wait3A = arith.constant 0 : i32
        %dma_wait3A_51 = arith.constant 0 : i32
        %dma_wait3A_52 = tpu.memref_slice %arg2[%add3A, %dma_wait3A, %dma_wait3A_51] : memref<32x80x128xi32, #tpu.memory_space<hbm>> -> memref<1x80x128xi32, #tpu.memory_space<hbm>>
        %dma_wait3A_53 = tpu.memref_squeeze %dma_wait3A_52 : memref<1x80x128xi32, #tpu.memory_space<hbm>> -> memref<80x128xi32, #tpu.memory_space<hbm>>
        %dma_wait3A_54 = arith.constant 0 : i32
        %dma_wait3A_55 = tpu.memref_slice %dma_wait3A_53[%mul3A_33, %dma_wait3A_54] : memref<80x128xi32, #tpu.memory_space<hbm>> -> memref<40x128xi32, #tpu.memory_space<hbm>>
        %dma_wait3A_56 = arith.constant 0 : i32
        %dma_wait3A_57 = arith.constant 0 : i32
        %dma_wait3A_58 = tpu.memref_slice %arg2[%add3A, %dma_wait3A_56, %dma_wait3A_57] : memref<32x80x128xi32, #tpu.memory_space<hbm>> -> memref<1x80x128xi32, #tpu.memory_space<hbm>>
        %dma_wait3A_59 = tpu.memref_squeeze %dma_wait3A_58 : memref<1x80x128xi32, #tpu.memory_space<hbm>> -> memref<80x128xi32, #tpu.memory_space<hbm>>
        %dma_wait3A_60 = arith.constant 0 : i32
        %dma_wait3A_61 = tpu.memref_slice %dma_wait3A_59[%mul3A_33, %dma_wait3A_60] : memref<80x128xi32, #tpu.memory_space<hbm>> -> memref<40x128xi32, #tpu.memory_space<hbm>>
        tpu.wait_dma2 semaphore(%run_scoped3A : memref<!tpu.dma_semaphore, #tpu.memory_space<semaphore_mem>>) src(%dma_wait3A_61 : memref<40x128xi32, #tpu.memory_space<hbm>>) dst(%arg5 : memref<40x128xi32, #tpu.memory_space<vmem>>)
        tpu.yield
      }) : () -> ()
      %scan3A_34 = arith.constant 0 : i32
      %scan3A_35 = arith.constant 0 : i32
      %scan3A_36 = arith.constant 40 : i32
      %scan3A_37 = arith.addi %scan3A_35, %scan3A_36 : i32
      %scan3A_38 = arith.constant 1 : i32
      scf.for %scan3A_40 = %scan3A_35 to %scan3A_37 step %scan3A_38  : i32 {
        "tpu.region"() ({
          %run_scoped3A = tpu.sem_alloc : memref<!tpu.dma_semaphore, #tpu.memory_space<semaphore_mem>>
          %dma_start3A = arith.constant 0 : i32
          %dma_start3A_41 = tpu.memref_slice %arg5[%scan3A_40, %dma_start3A] : memref<40x128xi32, #tpu.memory_space<vmem>> -> memref<1x128xi32, #tpu.memory_space<vmem>>
          %dma_start3A_42 = tpu.memref_squeeze %dma_start3A_41 : memref<1x128xi32, #tpu.memory_space<vmem>> -> memref<128xi32, #tpu.memory_space<vmem>>
          %dma_start3A_43 = arith.constant 0 : i32
          %dma_start3A_44 = arith.constant 0 : i32
          %dma_start3A_45 = tpu.memref_slice %arg7[%dma_start3A_43, %dma_start3A_44] : memref<10240x128xf32, #tpu.memory_space<vmem_shared>> -> memref<10240x128xf32, #tpu.memory_space<vmem_shared>>
          tpu.enqueue_indirect_dma source(%arg6 : memref<128x128xf32, #tpu.memory_space<vmem>>) target(%dma_start3A_45 : memref<10240x128xf32, #tpu.memory_space<vmem_shared>>) offsets(%dma_start3A_42 : memref<128xi32, #tpu.memory_space<vmem>>) semaphore(%run_scoped3A : memref<!tpu.dma_semaphore, #tpu.memory_space<semaphore_mem>>) {add = true}
          %dma_wait3A = arith.constant 0 : i32
          %dma_wait3A_46 = tpu.memref_slice %arg5[%scan3A_40, %dma_wait3A] : memref<40x128xi32, #tpu.memory_space<vmem>> -> memref<1x128xi32, #tpu.memory_space<vmem>>
          %dma_wait3A_47 = tpu.memref_squeeze %dma_wait3A_46 : memref<1x128xi32, #tpu.memory_space<vmem>> -> memref<128xi32, #tpu.memory_space<vmem>>
          %dma_wait3A_48 = arith.constant 0 : i32
          %dma_wait3A_49 = arith.constant 0 : i32
          %dma_wait3A_50 = tpu.memref_slice %arg7[%dma_wait3A_48, %dma_wait3A_49] : memref<10240x128xf32, #tpu.memory_space<vmem_shared>> -> memref<10240x128xf32, #tpu.memory_space<vmem_shared>>
          tpu.wait_indirect_dma semaphore(%run_scoped3A : memref<!tpu.dma_semaphore, #tpu.memory_space<semaphore_mem>>) src(%arg6 : memref<128x128xf32, #tpu.memory_space<vmem>>) dst(%dma_wait3A_50 : memref<10240x128xf32, #tpu.memory_space<vmem_shared>>)
          tpu.yield
        }) : () -> ()
      }
      %scan3A_39 = arith.constant 40 : i32
    }
    %scan3A_25 = arith.constant 2 : i32
    %barrier3A_26 = arith.constant 0 : index
    tpu.barrier barrier_id(%barrier3A_26)
    %mul3A_27 = arith.constant 640 : i32
    %mul3A_28 = arith.muli %arg1, %mul3A_27 : i32
    %mul3A_29 = arith.constant 640 : i32
    %mul3A_30 = arith.muli %arg1, %mul3A_29 : i32
    "tpu.region"() ({
      %run_scoped3A = tpu.sem_alloc : memref<!tpu.dma_semaphore, #tpu.memory_space<semaphore_mem>>
      %dma_start3A = arith.constant 0 : i32
      %dma_start3A_31 = arith.constant 0 : i32
      %dma_start3A_32 = tpu.memref_slice %arg4[%arg0, %dma_start3A, %dma_start3A_31] : memref<2x10240x128xf32, #tpu.memory_space<hbm>> -> memref<1x10240x128xf32, #tpu.memory_space<hbm>>
      %dma_start3A_33 = tpu.memref_squeeze %dma_start3A_32 : memref<1x10240x128xf32, #tpu.memory_space<hbm>> -> memref<10240x128xf32, #tpu.memory_space<hbm>>
      %dma_start3A_34 = arith.constant 0 : i32
      %dma_start3A_35 = tpu.memref_slice %dma_start3A_33[%mul3A_30, %dma_start3A_34] : memref<10240x128xf32, #tpu.memory_space<hbm>> -> memref<640x128xf32, #tpu.memory_space<hbm>>
      %dma_start3A_36 = arith.constant 0 : i32
      %dma_start3A_37 = tpu.memref_slice %arg7[%mul3A_28, %dma_start3A_36] : memref<10240x128xf32, #tpu.memory_space<vmem_shared>> -> memref<640x128xf32, #tpu.memory_space<vmem_shared>>
      tpu.enqueue_dma source(%dma_start3A_37 : memref<640x128xf32, #tpu.memory_space<vmem_shared>>) target(%dma_start3A_35 : memref<640x128xf32, #tpu.memory_space<hbm>>) target_semaphore(%run_scoped3A : memref<!tpu.dma_semaphore, #tpu.memory_space<semaphore_mem>>)
      %dma_wait3A = arith.constant 0 : i32
      %dma_wait3A_38 = arith.constant 0 : i32
      %dma_wait3A_39 = tpu.memref_slice %arg4[%arg0, %dma_wait3A, %dma_wait3A_38] : memref<2x10240x128xf32, #tpu.memory_space<hbm>> -> memref<1x10240x128xf32, #tpu.memory_space<hbm>>
      %dma_wait3A_40 = tpu.memref_squeeze %dma_wait3A_39 : memref<1x10240x128xf32, #tpu.memory_space<hbm>> -> memref<10240x128xf32, #tpu.memory_space<hbm>>
      %dma_wait3A_41 = arith.constant 0 : i32
      %dma_wait3A_42 = tpu.memref_slice %dma_wait3A_40[%mul3A_30, %dma_wait3A_41] : memref<10240x128xf32, #tpu.memory_space<hbm>> -> memref<640x128xf32, #tpu.memory_space<hbm>>
      %dma_wait3A_43 = arith.constant 0 : i32
      %dma_wait3A_44 = tpu.memref_slice %arg7[%mul3A_28, %dma_wait3A_43] : memref<10240x128xf32, #tpu.memory_space<vmem_shared>> -> memref<640x128xf32, #tpu.memory_space<vmem_shared>>
      tpu.wait_dma2 semaphore(%run_scoped3A : memref<!tpu.dma_semaphore, #tpu.memory_space<semaphore_mem>>) src(%dma_wait3A_44 : memref<640x128xf32, #tpu.memory_space<vmem_shared>>) dst(%dma_wait3A_42 : memref<640x128xf32, #tpu.memory_space<hbm>>)
      tpu.yield
    }) : () -> ()
    return
  }
}

#map = affine_map<(d0, d1) -> (0, 0, 0)>
#map1 = affine_map<(d0, d1) -> (0, 0)>
module attributes {stable_mosaic.version = 14 : i64} {
  func.func @_sc_aggregate_body(%arg0: i32, %arg1: i32, %arg2: memref<32x80x128xi32, #tpu.memory_space<hbm>>, %arg3: memref<32x80x128xi32, #tpu.memory_space<hbm>>, %arg4: memref<10000x128xf32, #tpu.memory_space<hbm>>, %arg5: memref<128x128xf32, #tpu.memory_space<hbm>>, %arg6: memref<2x10240x128xf32, #tpu.memory_space<hbm>>, %arg7: memref<40x128xi32, #tpu.memory_space<vmem>>, %arg8: memref<40x128xi32, #tpu.memory_space<vmem>>, %arg9: memref<2x128x128xf32, #tpu.memory_space<vmem>>, %arg10: memref<10240x128xf32, #tpu.memory_space<vmem_shared>>, %arg11: memref<2x!tpu.dma_semaphore, #tpu.memory_space<semaphore_mem>>) attributes {dimension_semantics = [#tpu.dimension_semantics<core_parallel>, #tpu.dimension_semantics<subcore_parallel>], iteration_bounds = array<i64: 2, 16>, scalar_prefetch = 0 : i64, scratch_operands = 5 : i64, tpu.core_type = #tpu.core_type<sc_vector_subcore>, window_params = [{transform_indices = #map}, {transform_indices = #map}, {transform_indices = #map1}, {transform_indices = #map1}, {transform_indices = #map}]} {
    %mul3A = arith.constant 16 : i32
    %mul3A_0 = arith.muli %arg0, %mul3A : i32
    %add3A = arith.addi %mul3A_0, %arg1 : i32
    %mul3A_1 = arith.constant 640 : i32
    %mul3A_2 = arith.muli %arg1, %mul3A_1 : i32
    %add3A_3 = arith.constant 0 : i32
    %add3A_4 = arith.addi %mul3A_2, %add3A_3 : i32
    "tpu.region"() ({
      %run_scoped3A = tpu.sem_alloc : memref<!tpu.dma_semaphore, #tpu.memory_space<semaphore_mem>>
      %dma_start3A = arith.constant 0 : i32
      %dma_start3A_31 = tpu.memref_slice %arg10[%add3A_4, %dma_start3A] : memref<10240x128xf32, #tpu.memory_space<vmem_shared>> -> memref<128x128xf32, #tpu.memory_space<vmem_shared>>
      tpu.enqueue_dma source(%arg5 : memref<128x128xf32, #tpu.memory_space<hbm>>) target(%dma_start3A_31 : memref<128x128xf32, #tpu.memory_space<vmem_shared>>) target_semaphore(%run_scoped3A : memref<!tpu.dma_semaphore, #tpu.memory_space<semaphore_mem>>)
      %dma_wait3A = arith.constant 0 : i32
      %dma_wait3A_32 = tpu.memref_slice %arg10[%add3A_4, %dma_wait3A] : memref<10240x128xf32, #tpu.memory_space<vmem_shared>> -> memref<128x128xf32, #tpu.memory_space<vmem_shared>>
      tpu.wait_dma2 semaphore(%run_scoped3A : memref<!tpu.dma_semaphore, #tpu.memory_space<semaphore_mem>>) src(%arg5 : memref<128x128xf32, #tpu.memory_space<hbm>>) dst(%dma_wait3A_32 : memref<128x128xf32, #tpu.memory_space<vmem_shared>>)
      tpu.yield
    }) : () -> ()
    %mul3A_5 = arith.constant 640 : i32
    %mul3A_6 = arith.muli %arg1, %mul3A_5 : i32
    %add3A_7 = arith.constant 128 : i32
    %add3A_8 = arith.addi %mul3A_6, %add3A_7 : i32
    "tpu.region"() ({
      %run_scoped3A = tpu.sem_alloc : memref<!tpu.dma_semaphore, #tpu.memory_space<semaphore_mem>>
      %dma_start3A = arith.constant 0 : i32
      %dma_start3A_31 = tpu.memref_slice %arg10[%add3A_8, %dma_start3A] : memref<10240x128xf32, #tpu.memory_space<vmem_shared>> -> memref<128x128xf32, #tpu.memory_space<vmem_shared>>
      tpu.enqueue_dma source(%arg5 : memref<128x128xf32, #tpu.memory_space<hbm>>) target(%dma_start3A_31 : memref<128x128xf32, #tpu.memory_space<vmem_shared>>) target_semaphore(%run_scoped3A : memref<!tpu.dma_semaphore, #tpu.memory_space<semaphore_mem>>)
      %dma_wait3A = arith.constant 0 : i32
      %dma_wait3A_32 = tpu.memref_slice %arg10[%add3A_8, %dma_wait3A] : memref<10240x128xf32, #tpu.memory_space<vmem_shared>> -> memref<128x128xf32, #tpu.memory_space<vmem_shared>>
      tpu.wait_dma2 semaphore(%run_scoped3A : memref<!tpu.dma_semaphore, #tpu.memory_space<semaphore_mem>>) src(%arg5 : memref<128x128xf32, #tpu.memory_space<hbm>>) dst(%dma_wait3A_32 : memref<128x128xf32, #tpu.memory_space<vmem_shared>>)
      tpu.yield
    }) : () -> ()
    %mul3A_9 = arith.constant 640 : i32
    %mul3A_10 = arith.muli %arg1, %mul3A_9 : i32
    %add3A_11 = arith.constant 256 : i32
    %add3A_12 = arith.addi %mul3A_10, %add3A_11 : i32
    "tpu.region"() ({
      %run_scoped3A = tpu.sem_alloc : memref<!tpu.dma_semaphore, #tpu.memory_space<semaphore_mem>>
      %dma_start3A = arith.constant 0 : i32
      %dma_start3A_31 = tpu.memref_slice %arg10[%add3A_12, %dma_start3A] : memref<10240x128xf32, #tpu.memory_space<vmem_shared>> -> memref<128x128xf32, #tpu.memory_space<vmem_shared>>
      tpu.enqueue_dma source(%arg5 : memref<128x128xf32, #tpu.memory_space<hbm>>) target(%dma_start3A_31 : memref<128x128xf32, #tpu.memory_space<vmem_shared>>) target_semaphore(%run_scoped3A : memref<!tpu.dma_semaphore, #tpu.memory_space<semaphore_mem>>)
      %dma_wait3A = arith.constant 0 : i32
      %dma_wait3A_32 = tpu.memref_slice %arg10[%add3A_12, %dma_wait3A] : memref<10240x128xf32, #tpu.memory_space<vmem_shared>> -> memref<128x128xf32, #tpu.memory_space<vmem_shared>>
      tpu.wait_dma2 semaphore(%run_scoped3A : memref<!tpu.dma_semaphore, #tpu.memory_space<semaphore_mem>>) src(%arg5 : memref<128x128xf32, #tpu.memory_space<hbm>>) dst(%dma_wait3A_32 : memref<128x128xf32, #tpu.memory_space<vmem_shared>>)
      tpu.yield
    }) : () -> ()
    %mul3A_13 = arith.constant 640 : i32
    %mul3A_14 = arith.muli %arg1, %mul3A_13 : i32
    %add3A_15 = arith.constant 384 : i32
    %add3A_16 = arith.addi %mul3A_14, %add3A_15 : i32
    "tpu.region"() ({
      %run_scoped3A = tpu.sem_alloc : memref<!tpu.dma_semaphore, #tpu.memory_space<semaphore_mem>>
      %dma_start3A = arith.constant 0 : i32
      %dma_start3A_31 = tpu.memref_slice %arg10[%add3A_16, %dma_start3A] : memref<10240x128xf32, #tpu.memory_space<vmem_shared>> -> memref<128x128xf32, #tpu.memory_space<vmem_shared>>
      tpu.enqueue_dma source(%arg5 : memref<128x128xf32, #tpu.memory_space<hbm>>) target(%dma_start3A_31 : memref<128x128xf32, #tpu.memory_space<vmem_shared>>) target_semaphore(%run_scoped3A : memref<!tpu.dma_semaphore, #tpu.memory_space<semaphore_mem>>)
      %dma_wait3A = arith.constant 0 : i32
      %dma_wait3A_32 = tpu.memref_slice %arg10[%add3A_16, %dma_wait3A] : memref<10240x128xf32, #tpu.memory_space<vmem_shared>> -> memref<128x128xf32, #tpu.memory_space<vmem_shared>>
      tpu.wait_dma2 semaphore(%run_scoped3A : memref<!tpu.dma_semaphore, #tpu.memory_space<semaphore_mem>>) src(%arg5 : memref<128x128xf32, #tpu.memory_space<hbm>>) dst(%dma_wait3A_32 : memref<128x128xf32, #tpu.memory_space<vmem_shared>>)
      tpu.yield
    }) : () -> ()
    %mul3A_17 = arith.constant 640 : i32
    %mul3A_18 = arith.muli %arg1, %mul3A_17 : i32
    %add3A_19 = arith.constant 512 : i32
    %add3A_20 = arith.addi %mul3A_18, %add3A_19 : i32
    "tpu.region"() ({
      %run_scoped3A = tpu.sem_alloc : memref<!tpu.dma_semaphore, #tpu.memory_space<semaphore_mem>>
      %dma_start3A = arith.constant 0 : i32
      %dma_start3A_31 = tpu.memref_slice %arg10[%add3A_20, %dma_start3A] : memref<10240x128xf32, #tpu.memory_space<vmem_shared>> -> memref<128x128xf32, #tpu.memory_space<vmem_shared>>
      tpu.enqueue_dma source(%arg5 : memref<128x128xf32, #tpu.memory_space<hbm>>) target(%dma_start3A_31 : memref<128x128xf32, #tpu.memory_space<vmem_shared>>) target_semaphore(%run_scoped3A : memref<!tpu.dma_semaphore, #tpu.memory_space<semaphore_mem>>)
      %dma_wait3A = arith.constant 0 : i32
      %dma_wait3A_32 = tpu.memref_slice %arg10[%add3A_20, %dma_wait3A] : memref<10240x128xf32, #tpu.memory_space<vmem_shared>> -> memref<128x128xf32, #tpu.memory_space<vmem_shared>>
      tpu.wait_dma2 semaphore(%run_scoped3A : memref<!tpu.dma_semaphore, #tpu.memory_space<semaphore_mem>>) src(%arg5 : memref<128x128xf32, #tpu.memory_space<hbm>>) dst(%dma_wait3A_32 : memref<128x128xf32, #tpu.memory_space<vmem_shared>>)
      tpu.yield
    }) : () -> ()
    %barrier3A = arith.constant 0 : index
    tpu.barrier barrier_id(%barrier3A)
    %scan3A = arith.constant 0 : i32
    %scan3A_21 = arith.constant 0 : i32
    %scan3A_22 = arith.constant 2 : i32
    %scan3A_23 = arith.addi %scan3A_21, %scan3A_22 : i32
    %scan3A_24 = arith.constant 1 : i32
    scf.for %scan3A_31 = %scan3A_21 to %scan3A_23 step %scan3A_24  : i32 {
      %mul3A_32 = arith.constant 40 : i32
      %mul3A_33 = arith.muli %scan3A_31, %mul3A_32 : i32
      "tpu.region"() ({
        %run_scoped3A = tpu.sem_alloc : memref<!tpu.dma_semaphore, #tpu.memory_space<semaphore_mem>>
        %dma_start3A_71 = arith.constant 0 : i32
        %dma_start3A_72 = arith.constant 0 : i32
        %dma_start3A_73 = tpu.memref_slice %arg2[%add3A, %dma_start3A_71, %dma_start3A_72] : memref<32x80x128xi32, #tpu.memory_space<hbm>> -> memref<1x80x128xi32, #tpu.memory_space<hbm>>
        %dma_start3A_74 = tpu.memref_squeeze %dma_start3A_73 : memref<1x80x128xi32, #tpu.memory_space<hbm>> -> memref<80x128xi32, #tpu.memory_space<hbm>>
        %dma_start3A_75 = arith.constant 0 : i32
        %dma_start3A_76 = tpu.memref_slice %dma_start3A_74[%mul3A_33, %dma_start3A_75] : memref<80x128xi32, #tpu.memory_space<hbm>> -> memref<40x128xi32, #tpu.memory_space<hbm>>
        %dma_start3A_77 = arith.constant 0 : i32
        %dma_start3A_78 = arith.constant 0 : i32
        %dma_start3A_79 = tpu.memref_slice %arg2[%add3A, %dma_start3A_77, %dma_start3A_78] : memref<32x80x128xi32, #tpu.memory_space<hbm>> -> memref<1x80x128xi32, #tpu.memory_space<hbm>>
        %dma_start3A_80 = tpu.memref_squeeze %dma_start3A_79 : memref<1x80x128xi32, #tpu.memory_space<hbm>> -> memref<80x128xi32, #tpu.memory_space<hbm>>
        %dma_start3A_81 = arith.constant 0 : i32
        %dma_start3A_82 = tpu.memref_slice %dma_start3A_80[%mul3A_33, %dma_start3A_81] : memref<80x128xi32, #tpu.memory_space<hbm>> -> memref<40x128xi32, #tpu.memory_space<hbm>>
        tpu.enqueue_dma source(%dma_start3A_82 : memref<40x128xi32, #tpu.memory_space<hbm>>) target(%arg7 : memref<40x128xi32, #tpu.memory_space<vmem>>) target_semaphore(%run_scoped3A : memref<!tpu.dma_semaphore, #tpu.memory_space<semaphore_mem>>)
        %dma_wait3A = arith.constant 0 : i32
        %dma_wait3A_83 = arith.constant 0 : i32
        %dma_wait3A_84 = tpu.memref_slice %arg2[%add3A, %dma_wait3A, %dma_wait3A_83] : memref<32x80x128xi32, #tpu.memory_space<hbm>> -> memref<1x80x128xi32, #tpu.memory_space<hbm>>
        %dma_wait3A_85 = tpu.memref_squeeze %dma_wait3A_84 : memref<1x80x128xi32, #tpu.memory_space<hbm>> -> memref<80x128xi32, #tpu.memory_space<hbm>>
        %dma_wait3A_86 = arith.constant 0 : i32
        %dma_wait3A_87 = tpu.memref_slice %dma_wait3A_85[%mul3A_33, %dma_wait3A_86] : memref<80x128xi32, #tpu.memory_space<hbm>> -> memref<40x128xi32, #tpu.memory_space<hbm>>
        %dma_wait3A_88 = arith.constant 0 : i32
        %dma_wait3A_89 = arith.constant 0 : i32
        %dma_wait3A_90 = tpu.memref_slice %arg2[%add3A, %dma_wait3A_88, %dma_wait3A_89] : memref<32x80x128xi32, #tpu.memory_space<hbm>> -> memref<1x80x128xi32, #tpu.memory_space<hbm>>
        %dma_wait3A_91 = tpu.memref_squeeze %dma_wait3A_90 : memref<1x80x128xi32, #tpu.memory_space<hbm>> -> memref<80x128xi32, #tpu.memory_space<hbm>>
        %dma_wait3A_92 = arith.constant 0 : i32
        %dma_wait3A_93 = tpu.memref_slice %dma_wait3A_91[%mul3A_33, %dma_wait3A_92] : memref<80x128xi32, #tpu.memory_space<hbm>> -> memref<40x128xi32, #tpu.memory_space<hbm>>
        tpu.wait_dma2 semaphore(%run_scoped3A : memref<!tpu.dma_semaphore, #tpu.memory_space<semaphore_mem>>) src(%dma_wait3A_93 : memref<40x128xi32, #tpu.memory_space<hbm>>) dst(%arg7 : memref<40x128xi32, #tpu.memory_space<vmem>>)
        tpu.yield
      }) : () -> ()
      %mul3A_34 = arith.constant 40 : i32
      %mul3A_35 = arith.muli %scan3A_31, %mul3A_34 : i32
      "tpu.region"() ({
        %run_scoped3A = tpu.sem_alloc : memref<!tpu.dma_semaphore, #tpu.memory_space<semaphore_mem>>
        %dma_start3A_71 = arith.constant 0 : i32
        %dma_start3A_72 = arith.constant 0 : i32
        %dma_start3A_73 = tpu.memref_slice %arg3[%add3A, %dma_start3A_71, %dma_start3A_72] : memref<32x80x128xi32, #tpu.memory_space<hbm>> -> memref<1x80x128xi32, #tpu.memory_space<hbm>>
        %dma_start3A_74 = tpu.memref_squeeze %dma_start3A_73 : memref<1x80x128xi32, #tpu.memory_space<hbm>> -> memref<80x128xi32, #tpu.memory_space<hbm>>
        %dma_start3A_75 = arith.constant 0 : i32
        %dma_start3A_76 = tpu.memref_slice %dma_start3A_74[%mul3A_35, %dma_start3A_75] : memref<80x128xi32, #tpu.memory_space<hbm>> -> memref<40x128xi32, #tpu.memory_space<hbm>>
        %dma_start3A_77 = arith.constant 0 : i32
        %dma_start3A_78 = arith.constant 0 : i32
        %dma_start3A_79 = tpu.memref_slice %arg3[%add3A, %dma_start3A_77, %dma_start3A_78] : memref<32x80x128xi32, #tpu.memory_space<hbm>> -> memref<1x80x128xi32, #tpu.memory_space<hbm>>
        %dma_start3A_80 = tpu.memref_squeeze %dma_start3A_79 : memref<1x80x128xi32, #tpu.memory_space<hbm>> -> memref<80x128xi32, #tpu.memory_space<hbm>>
        %dma_start3A_81 = arith.constant 0 : i32
        %dma_start3A_82 = tpu.memref_slice %dma_start3A_80[%mul3A_35, %dma_start3A_81] : memref<80x128xi32, #tpu.memory_space<hbm>> -> memref<40x128xi32, #tpu.memory_space<hbm>>
        tpu.enqueue_dma source(%dma_start3A_82 : memref<40x128xi32, #tpu.memory_space<hbm>>) target(%arg8 : memref<40x128xi32, #tpu.memory_space<vmem>>) target_semaphore(%run_scoped3A : memref<!tpu.dma_semaphore, #tpu.memory_space<semaphore_mem>>)
        %dma_wait3A = arith.constant 0 : i32
        %dma_wait3A_83 = arith.constant 0 : i32
        %dma_wait3A_84 = tpu.memref_slice %arg3[%add3A, %dma_wait3A, %dma_wait3A_83] : memref<32x80x128xi32, #tpu.memory_space<hbm>> -> memref<1x80x128xi32, #tpu.memory_space<hbm>>
        %dma_wait3A_85 = tpu.memref_squeeze %dma_wait3A_84 : memref<1x80x128xi32, #tpu.memory_space<hbm>> -> memref<80x128xi32, #tpu.memory_space<hbm>>
        %dma_wait3A_86 = arith.constant 0 : i32
        %dma_wait3A_87 = tpu.memref_slice %dma_wait3A_85[%mul3A_35, %dma_wait3A_86] : memref<80x128xi32, #tpu.memory_space<hbm>> -> memref<40x128xi32, #tpu.memory_space<hbm>>
        %dma_wait3A_88 = arith.constant 0 : i32
        %dma_wait3A_89 = arith.constant 0 : i32
        %dma_wait3A_90 = tpu.memref_slice %arg3[%add3A, %dma_wait3A_88, %dma_wait3A_89] : memref<32x80x128xi32, #tpu.memory_space<hbm>> -> memref<1x80x128xi32, #tpu.memory_space<hbm>>
        %dma_wait3A_91 = tpu.memref_squeeze %dma_wait3A_90 : memref<1x80x128xi32, #tpu.memory_space<hbm>> -> memref<80x128xi32, #tpu.memory_space<hbm>>
        %dma_wait3A_92 = arith.constant 0 : i32
        %dma_wait3A_93 = tpu.memref_slice %dma_wait3A_91[%mul3A_35, %dma_wait3A_92] : memref<80x128xi32, #tpu.memory_space<hbm>> -> memref<40x128xi32, #tpu.memory_space<hbm>>
        tpu.wait_dma2 semaphore(%run_scoped3A : memref<!tpu.dma_semaphore, #tpu.memory_space<semaphore_mem>>) src(%dma_wait3A_93 : memref<40x128xi32, #tpu.memory_space<hbm>>) dst(%arg8 : memref<40x128xi32, #tpu.memory_space<vmem>>)
        tpu.yield
      }) : () -> ()
      %dma_start3A = arith.constant 0 : i32
      %dma_start3A_36 = arith.constant 0 : i32
      %dma_start3A_37 = arith.constant 0 : i32
      %dma_start3A_38 = arith.constant 0 : i32
      %dma_start3A_39 = arith.constant 0 : i32
      %dma_start3A_40 = tpu.memref_slice %arg9[%dma_start3A_36, %dma_start3A_38, %dma_start3A_39] : memref<2x128x128xf32, #tpu.memory_space<vmem>> -> memref<1x128x128xf32, #tpu.memory_space<vmem>>
      %dma_start3A_41 = tpu.memref_squeeze %dma_start3A_40 : memref<1x128x128xf32, #tpu.memory_space<vmem>> -> memref<128x128xf32, #tpu.memory_space<vmem>>
      %dma_start3A_42 = arith.constant 0 : i32
      %dma_start3A_43 = tpu.memref_slice %arg7[%dma_start3A, %dma_start3A_42] : memref<40x128xi32, #tpu.memory_space<vmem>> -> memref<1x128xi32, #tpu.memory_space<vmem>>
      %dma_start3A_44 = tpu.memref_squeeze %dma_start3A_43 : memref<1x128xi32, #tpu.memory_space<vmem>> -> memref<128xi32, #tpu.memory_space<vmem>>
      %dma_start3A_45 = arith.constant 0 : i32
      %dma_start3A_46 = arith.constant 0 : i32
      %dma_start3A_47 = tpu.memref_slice %arg4[%dma_start3A_45, %dma_start3A_46] : memref<10000x128xf32, #tpu.memory_space<hbm>> -> memref<10000x128xf32, #tpu.memory_space<hbm>>
      %dma_start3A_48 = tpu.memref_slice %arg11[%dma_start3A_37] : memref<2x!tpu.dma_semaphore, #tpu.memory_space<semaphore_mem>> -> memref<1x!tpu.dma_semaphore, #tpu.memory_space<semaphore_mem>>
      %dma_start3A_49 = tpu.memref_squeeze %dma_start3A_48 : memref<1x!tpu.dma_semaphore, #tpu.memory_space<semaphore_mem>> -> memref<!tpu.dma_semaphore, #tpu.memory_space<semaphore_mem>>
      tpu.enqueue_indirect_dma source(%dma_start3A_47 : memref<10000x128xf32, #tpu.memory_space<hbm>>) target(%dma_start3A_41 : memref<128x128xf32, #tpu.memory_space<vmem>>) offsets(%dma_start3A_44 : memref<128xi32, #tpu.memory_space<vmem>>) semaphore(%dma_start3A_49 : memref<!tpu.dma_semaphore, #tpu.memory_space<semaphore_mem>>)
      %dma_start3A_50 = arith.constant 1 : i32
      %dma_start3A_51 = arith.constant 1 : i32
      %dma_start3A_52 = arith.constant 1 : i32
      %dma_start3A_53 = arith.constant 0 : i32
      %dma_start3A_54 = arith.constant 0 : i32
      %dma_start3A_55 = tpu.memref_slice %arg9[%dma_start3A_51, %dma_start3A_53, %dma_start3A_54] : memref<2x128x128xf32, #tpu.memory_space<vmem>> -> memref<1x128x128xf32, #tpu.memory_space<vmem>>
      %dma_start3A_56 = tpu.memref_squeeze %dma_start3A_55 : memref<1x128x128xf32, #tpu.memory_space<vmem>> -> memref<128x128xf32, #tpu.memory_space<vmem>>
      %dma_start3A_57 = arith.constant 0 : i32
      %dma_start3A_58 = tpu.memref_slice %arg7[%dma_start3A_50, %dma_start3A_57] : memref<40x128xi32, #tpu.memory_space<vmem>> -> memref<1x128xi32, #tpu.memory_space<vmem>>
      %dma_start3A_59 = tpu.memref_squeeze %dma_start3A_58 : memref<1x128xi32, #tpu.memory_space<vmem>> -> memref<128xi32, #tpu.memory_space<vmem>>
      %dma_start3A_60 = arith.constant 0 : i32
      %dma_start3A_61 = arith.constant 0 : i32
      %dma_start3A_62 = tpu.memref_slice %arg4[%dma_start3A_60, %dma_start3A_61] : memref<10000x128xf32, #tpu.memory_space<hbm>> -> memref<10000x128xf32, #tpu.memory_space<hbm>>
      %dma_start3A_63 = tpu.memref_slice %arg11[%dma_start3A_52] : memref<2x!tpu.dma_semaphore, #tpu.memory_space<semaphore_mem>> -> memref<1x!tpu.dma_semaphore, #tpu.memory_space<semaphore_mem>>
      %dma_start3A_64 = tpu.memref_squeeze %dma_start3A_63 : memref<1x!tpu.dma_semaphore, #tpu.memory_space<semaphore_mem>> -> memref<!tpu.dma_semaphore, #tpu.memory_space<semaphore_mem>>
      tpu.enqueue_indirect_dma source(%dma_start3A_62 : memref<10000x128xf32, #tpu.memory_space<hbm>>) target(%dma_start3A_56 : memref<128x128xf32, #tpu.memory_space<vmem>>) offsets(%dma_start3A_59 : memref<128xi32, #tpu.memory_space<vmem>>) semaphore(%dma_start3A_64 : memref<!tpu.dma_semaphore, #tpu.memory_space<semaphore_mem>>)
      %scan3A_65 = arith.constant 0 : i32
      %scan3A_66 = arith.constant 0 : i32
      %scan3A_67 = arith.constant 20 : i32
      %scan3A_68 = arith.addi %scan3A_66, %scan3A_67 : i32
      %scan3A_69 = arith.constant 1 : i32
      scf.for %scan3A_71 = %scan3A_66 to %scan3A_68 step %scan3A_69  : i32 {
        %mul3A_72 = arith.constant 2 : i32
        %mul3A_73 = arith.muli %scan3A_71, %mul3A_72 : i32
        %add3A_74 = arith.constant 0 : i32
        %add3A_75 = arith.addi %mul3A_73, %add3A_74 : i32
        %dma_wait3A = arith.constant 0 : i32
        %dma_wait3A_76 = arith.constant 0 : i32
        %dma_wait3A_77 = arith.constant 0 : i32
        %dma_wait3A_78 = arith.constant 0 : i32
        %dma_wait3A_79 = tpu.memref_slice %arg9[%dma_wait3A, %dma_wait3A_77, %dma_wait3A_78] : memref<2x128x128xf32, #tpu.memory_space<vmem>> -> memref<1x128x128xf32, #tpu.memory_space<vmem>>
        %dma_wait3A_80 = tpu.memref_squeeze %dma_wait3A_79 : memref<1x128x128xf32, #tpu.memory_space<vmem>> -> memref<128x128xf32, #tpu.memory_space<vmem>>
        %dma_wait3A_81 = arith.constant 0 : i32
        %dma_wait3A_82 = tpu.memref_slice %arg7[%add3A_75, %dma_wait3A_81] : memref<40x128xi32, #tpu.memory_space<vmem>> -> memref<1x128xi32, #tpu.memory_space<vmem>>
        %dma_wait3A_83 = tpu.memref_squeeze %dma_wait3A_82 : memref<1x128xi32, #tpu.memory_space<vmem>> -> memref<128xi32, #tpu.memory_space<vmem>>
        %dma_wait3A_84 = arith.constant 0 : i32
        %dma_wait3A_85 = arith.constant 0 : i32
        %dma_wait3A_86 = tpu.memref_slice %arg4[%dma_wait3A_84, %dma_wait3A_85] : memref<10000x128xf32, #tpu.memory_space<hbm>> -> memref<10000x128xf32, #tpu.memory_space<hbm>>
        %dma_wait3A_87 = tpu.memref_slice %arg11[%dma_wait3A_76] : memref<2x!tpu.dma_semaphore, #tpu.memory_space<semaphore_mem>> -> memref<1x!tpu.dma_semaphore, #tpu.memory_space<semaphore_mem>>
        %dma_wait3A_88 = tpu.memref_squeeze %dma_wait3A_87 : memref<1x!tpu.dma_semaphore, #tpu.memory_space<semaphore_mem>> -> memref<!tpu.dma_semaphore, #tpu.memory_space<semaphore_mem>>
        tpu.wait_indirect_dma semaphore(%dma_wait3A_88 : memref<!tpu.dma_semaphore, #tpu.memory_space<semaphore_mem>>) src(%dma_wait3A_86 : memref<10000x128xf32, #tpu.memory_space<hbm>>) dst(%dma_wait3A_80 : memref<128x128xf32, #tpu.memory_space<vmem>>)
        %run_scoped3A = arith.constant 0 : i32
        "tpu.region"() ({
          %run_scoped3A_117 = tpu.sem_alloc : memref<!tpu.dma_semaphore, #tpu.memory_space<semaphore_mem>>
          %dma_start3A_118 = arith.constant 0 : i32
          %dma_start3A_119 = arith.constant 0 : i32
          %dma_start3A_120 = tpu.memref_slice %arg9[%run_scoped3A, %dma_start3A_118, %dma_start3A_119] : memref<2x128x128xf32, #tpu.memory_space<vmem>> -> memref<1x128x128xf32, #tpu.memory_space<vmem>>
          %dma_start3A_121 = tpu.memref_squeeze %dma_start3A_120 : memref<1x128x128xf32, #tpu.memory_space<vmem>> -> memref<128x128xf32, #tpu.memory_space<vmem>>
          %dma_start3A_122 = arith.constant 0 : i32
          %dma_start3A_123 = tpu.memref_slice %arg8[%add3A_75, %dma_start3A_122] : memref<40x128xi32, #tpu.memory_space<vmem>> -> memref<1x128xi32, #tpu.memory_space<vmem>>
          %dma_start3A_124 = tpu.memref_squeeze %dma_start3A_123 : memref<1x128xi32, #tpu.memory_space<vmem>> -> memref<128xi32, #tpu.memory_space<vmem>>
          %dma_start3A_125 = arith.constant 0 : i32
          %dma_start3A_126 = arith.constant 0 : i32
          %dma_start3A_127 = tpu.memref_slice %arg10[%dma_start3A_125, %dma_start3A_126] : memref<10240x128xf32, #tpu.memory_space<vmem_shared>> -> memref<10240x128xf32, #tpu.memory_space<vmem_shared>>
          tpu.enqueue_indirect_dma source(%dma_start3A_121 : memref<128x128xf32, #tpu.memory_space<vmem>>) target(%dma_start3A_127 : memref<10240x128xf32, #tpu.memory_space<vmem_shared>>) offsets(%dma_start3A_124 : memref<128xi32, #tpu.memory_space<vmem>>) semaphore(%run_scoped3A_117 : memref<!tpu.dma_semaphore, #tpu.memory_space<semaphore_mem>>) {add = true}
          %dma_wait3A_128 = arith.constant 0 : i32
          %dma_wait3A_129 = arith.constant 0 : i32
          %dma_wait3A_130 = tpu.memref_slice %arg9[%run_scoped3A, %dma_wait3A_128, %dma_wait3A_129] : memref<2x128x128xf32, #tpu.memory_space<vmem>> -> memref<1x128x128xf32, #tpu.memory_space<vmem>>
          %dma_wait3A_131 = tpu.memref_squeeze %dma_wait3A_130 : memref<1x128x128xf32, #tpu.memory_space<vmem>> -> memref<128x128xf32, #tpu.memory_space<vmem>>
          %dma_wait3A_132 = arith.constant 0 : i32
          %dma_wait3A_133 = tpu.memref_slice %arg8[%add3A_75, %dma_wait3A_132] : memref<40x128xi32, #tpu.memory_space<vmem>> -> memref<1x128xi32, #tpu.memory_space<vmem>>
          %dma_wait3A_134 = tpu.memref_squeeze %dma_wait3A_133 : memref<1x128xi32, #tpu.memory_space<vmem>> -> memref<128xi32, #tpu.memory_space<vmem>>
          %dma_wait3A_135 = arith.constant 0 : i32
          %dma_wait3A_136 = arith.constant 0 : i32
          %dma_wait3A_137 = tpu.memref_slice %arg10[%dma_wait3A_135, %dma_wait3A_136] : memref<10240x128xf32, #tpu.memory_space<vmem_shared>> -> memref<10240x128xf32, #tpu.memory_space<vmem_shared>>
          tpu.wait_indirect_dma semaphore(%run_scoped3A_117 : memref<!tpu.dma_semaphore, #tpu.memory_space<semaphore_mem>>) src(%dma_wait3A_131 : memref<128x128xf32, #tpu.memory_space<vmem>>) dst(%dma_wait3A_137 : memref<10240x128xf32, #tpu.memory_space<vmem_shared>>)
          tpu.yield
        }) : () -> ()
        %add3A_89 = arith.constant 2 : i32
        %add3A_90 = arith.addi %add3A_75, %add3A_89 : i32
        %lt3A = arith.constant 40 : i32
        %lt3A_91 = arith.cmpi slt, %add3A_90, %lt3A : i32
        %convert_element_type3A = arith.extui %lt3A_91 : i1 to i32
        %cond3A = arith.constant 0 : i32
        %cond3A_92 = arith.cmpi ne, %convert_element_type3A, %cond3A : i32
        scf.if %cond3A_92 {
          %add3A_117 = arith.constant 2 : i32
          %add3A_118 = arith.addi %add3A_75, %add3A_117 : i32
          %dma_start3A_119 = arith.constant 0 : i32
          %dma_start3A_120 = arith.constant 0 : i32
          %dma_start3A_121 = arith.constant 0 : i32
          %dma_start3A_122 = arith.constant 0 : i32
          %dma_start3A_123 = tpu.memref_slice %arg9[%dma_start3A_119, %dma_start3A_121, %dma_start3A_122] : memref<2x128x128xf32, #tpu.memory_space<vmem>> -> memref<1x128x128xf32, #tpu.memory_space<vmem>>
          %dma_start3A_124 = tpu.memref_squeeze %dma_start3A_123 : memref<1x128x128xf32, #tpu.memory_space<vmem>> -> memref<128x128xf32, #tpu.memory_space<vmem>>
          %dma_start3A_125 = arith.constant 0 : i32
          %dma_start3A_126 = tpu.memref_slice %arg7[%add3A_118, %dma_start3A_125] : memref<40x128xi32, #tpu.memory_space<vmem>> -> memref<1x128xi32, #tpu.memory_space<vmem>>
          %dma_start3A_127 = tpu.memref_squeeze %dma_start3A_126 : memref<1x128xi32, #tpu.memory_space<vmem>> -> memref<128xi32, #tpu.memory_space<vmem>>
          %dma_start3A_128 = arith.constant 0 : i32
          %dma_start3A_129 = arith.constant 0 : i32
          %dma_start3A_130 = tpu.memref_slice %arg4[%dma_start3A_128, %dma_start3A_129] : memref<10000x128xf32, #tpu.memory_space<hbm>> -> memref<10000x128xf32, #tpu.memory_space<hbm>>
          %dma_start3A_131 = tpu.memref_slice %arg11[%dma_start3A_120] : memref<2x!tpu.dma_semaphore, #tpu.memory_space<semaphore_mem>> -> memref<1x!tpu.dma_semaphore, #tpu.memory_space<semaphore_mem>>
          %dma_start3A_132 = tpu.memref_squeeze %dma_start3A_131 : memref<1x!tpu.dma_semaphore, #tpu.memory_space<semaphore_mem>> -> memref<!tpu.dma_semaphore, #tpu.memory_space<semaphore_mem>>
          tpu.enqueue_indirect_dma source(%dma_start3A_130 : memref<10000x128xf32, #tpu.memory_space<hbm>>) target(%dma_start3A_124 : memref<128x128xf32, #tpu.memory_space<vmem>>) offsets(%dma_start3A_127 : memref<128xi32, #tpu.memory_space<vmem>>) semaphore(%dma_start3A_132 : memref<!tpu.dma_semaphore, #tpu.memory_space<semaphore_mem>>)
        } else {
        }
        %add3A_93 = arith.constant 1 : i32
        %add3A_94 = arith.addi %mul3A_73, %add3A_93 : i32
        %dma_wait3A_95 = arith.constant 1 : i32
        %dma_wait3A_96 = arith.constant 1 : i32
        %dma_wait3A_97 = arith.constant 0 : i32
        %dma_wait3A_98 = arith.constant 0 : i32
        %dma_wait3A_99 = tpu.memref_slice %arg9[%dma_wait3A_95, %dma_wait3A_97, %dma_wait3A_98] : memref<2x128x128xf32, #tpu.memory_space<vmem>> -> memref<1x128x128xf32, #tpu.memory_space<vmem>>
        %dma_wait3A_100 = tpu.memref_squeeze %dma_wait3A_99 : memref<1x128x128xf32, #tpu.memory_space<vmem>> -> memref<128x128xf32, #tpu.memory_space<vmem>>
        %dma_wait3A_101 = arith.constant 0 : i32
        %dma_wait3A_102 = tpu.memref_slice %arg7[%add3A_94, %dma_wait3A_101] : memref<40x128xi32, #tpu.memory_space<vmem>> -> memref<1x128xi32, #tpu.memory_space<vmem>>
        %dma_wait3A_103 = tpu.memref_squeeze %dma_wait3A_102 : memref<1x128xi32, #tpu.memory_space<vmem>> -> memref<128xi32, #tpu.memory_space<vmem>>
        %dma_wait3A_104 = arith.constant 0 : i32
        %dma_wait3A_105 = arith.constant 0 : i32
        %dma_wait3A_106 = tpu.memref_slice %arg4[%dma_wait3A_104, %dma_wait3A_105] : memref<10000x128xf32, #tpu.memory_space<hbm>> -> memref<10000x128xf32, #tpu.memory_space<hbm>>
        %dma_wait3A_107 = tpu.memref_slice %arg11[%dma_wait3A_96] : memref<2x!tpu.dma_semaphore, #tpu.memory_space<semaphore_mem>> -> memref<1x!tpu.dma_semaphore, #tpu.memory_space<semaphore_mem>>
        %dma_wait3A_108 = tpu.memref_squeeze %dma_wait3A_107 : memref<1x!tpu.dma_semaphore, #tpu.memory_space<semaphore_mem>> -> memref<!tpu.dma_semaphore, #tpu.memory_space<semaphore_mem>>
        tpu.wait_indirect_dma semaphore(%dma_wait3A_108 : memref<!tpu.dma_semaphore, #tpu.memory_space<semaphore_mem>>) src(%dma_wait3A_106 : memref<10000x128xf32, #tpu.memory_space<hbm>>) dst(%dma_wait3A_100 : memref<128x128xf32, #tpu.memory_space<vmem>>)
        %run_scoped3A_109 = arith.constant 1 : i32
        "tpu.region"() ({
          %run_scoped3A_117 = tpu.sem_alloc : memref<!tpu.dma_semaphore, #tpu.memory_space<semaphore_mem>>
          %dma_start3A_118 = arith.constant 0 : i32
          %dma_start3A_119 = arith.constant 0 : i32
          %dma_start3A_120 = tpu.memref_slice %arg9[%run_scoped3A_109, %dma_start3A_118, %dma_start3A_119] : memref<2x128x128xf32, #tpu.memory_space<vmem>> -> memref<1x128x128xf32, #tpu.memory_space<vmem>>
          %dma_start3A_121 = tpu.memref_squeeze %dma_start3A_120 : memref<1x128x128xf32, #tpu.memory_space<vmem>> -> memref<128x128xf32, #tpu.memory_space<vmem>>
          %dma_start3A_122 = arith.constant 0 : i32
          %dma_start3A_123 = tpu.memref_slice %arg8[%add3A_94, %dma_start3A_122] : memref<40x128xi32, #tpu.memory_space<vmem>> -> memref<1x128xi32, #tpu.memory_space<vmem>>
          %dma_start3A_124 = tpu.memref_squeeze %dma_start3A_123 : memref<1x128xi32, #tpu.memory_space<vmem>> -> memref<128xi32, #tpu.memory_space<vmem>>
          %dma_start3A_125 = arith.constant 0 : i32
          %dma_start3A_126 = arith.constant 0 : i32
          %dma_start3A_127 = tpu.memref_slice %arg10[%dma_start3A_125, %dma_start3A_126] : memref<10240x128xf32, #tpu.memory_space<vmem_shared>> -> memref<10240x128xf32, #tpu.memory_space<vmem_shared>>
          tpu.enqueue_indirect_dma source(%dma_start3A_121 : memref<128x128xf32, #tpu.memory_space<vmem>>) target(%dma_start3A_127 : memref<10240x128xf32, #tpu.memory_space<vmem_shared>>) offsets(%dma_start3A_124 : memref<128xi32, #tpu.memory_space<vmem>>) semaphore(%run_scoped3A_117 : memref<!tpu.dma_semaphore, #tpu.memory_space<semaphore_mem>>) {add = true}
          %dma_wait3A_128 = arith.constant 0 : i32
          %dma_wait3A_129 = arith.constant 0 : i32
          %dma_wait3A_130 = tpu.memref_slice %arg9[%run_scoped3A_109, %dma_wait3A_128, %dma_wait3A_129] : memref<2x128x128xf32, #tpu.memory_space<vmem>> -> memref<1x128x128xf32, #tpu.memory_space<vmem>>
          %dma_wait3A_131 = tpu.memref_squeeze %dma_wait3A_130 : memref<1x128x128xf32, #tpu.memory_space<vmem>> -> memref<128x128xf32, #tpu.memory_space<vmem>>
          %dma_wait3A_132 = arith.constant 0 : i32
          %dma_wait3A_133 = tpu.memref_slice %arg8[%add3A_94, %dma_wait3A_132] : memref<40x128xi32, #tpu.memory_space<vmem>> -> memref<1x128xi32, #tpu.memory_space<vmem>>
          %dma_wait3A_134 = tpu.memref_squeeze %dma_wait3A_133 : memref<1x128xi32, #tpu.memory_space<vmem>> -> memref<128xi32, #tpu.memory_space<vmem>>
          %dma_wait3A_135 = arith.constant 0 : i32
          %dma_wait3A_136 = arith.constant 0 : i32
          %dma_wait3A_137 = tpu.memref_slice %arg10[%dma_wait3A_135, %dma_wait3A_136] : memref<10240x128xf32, #tpu.memory_space<vmem_shared>> -> memref<10240x128xf32, #tpu.memory_space<vmem_shared>>
          tpu.wait_indirect_dma semaphore(%run_scoped3A_117 : memref<!tpu.dma_semaphore, #tpu.memory_space<semaphore_mem>>) src(%dma_wait3A_131 : memref<128x128xf32, #tpu.memory_space<vmem>>) dst(%dma_wait3A_137 : memref<10240x128xf32, #tpu.memory_space<vmem_shared>>)
          tpu.yield
        }) : () -> ()
        %add3A_110 = arith.constant 2 : i32
        %add3A_111 = arith.addi %add3A_94, %add3A_110 : i32
        %lt3A_112 = arith.constant 40 : i32
        %lt3A_113 = arith.cmpi slt, %add3A_111, %lt3A_112 : i32
        %convert_element_type3A_114 = arith.extui %lt3A_113 : i1 to i32
        %cond3A_115 = arith.constant 0 : i32
        %cond3A_116 = arith.cmpi ne, %convert_element_type3A_114, %cond3A_115 : i32
        scf.if %cond3A_116 {
          %add3A_117 = arith.constant 2 : i32
          %add3A_118 = arith.addi %add3A_94, %add3A_117 : i32
          %dma_start3A_119 = arith.constant 1 : i32
          %dma_start3A_120 = arith.constant 1 : i32
          %dma_start3A_121 = arith.constant 0 : i32
          %dma_start3A_122 = arith.constant 0 : i32
          %dma_start3A_123 = tpu.memref_slice %arg9[%dma_start3A_119, %dma_start3A_121, %dma_start3A_122] : memref<2x128x128xf32, #tpu.memory_space<vmem>> -> memref<1x128x128xf32, #tpu.memory_space<vmem>>
          %dma_start3A_124 = tpu.memref_squeeze %dma_start3A_123 : memref<1x128x128xf32, #tpu.memory_space<vmem>> -> memref<128x128xf32, #tpu.memory_space<vmem>>
          %dma_start3A_125 = arith.constant 0 : i32
          %dma_start3A_126 = tpu.memref_slice %arg7[%add3A_118, %dma_start3A_125] : memref<40x128xi32, #tpu.memory_space<vmem>> -> memref<1x128xi32, #tpu.memory_space<vmem>>
          %dma_start3A_127 = tpu.memref_squeeze %dma_start3A_126 : memref<1x128xi32, #tpu.memory_space<vmem>> -> memref<128xi32, #tpu.memory_space<vmem>>
          %dma_start3A_128 = arith.constant 0 : i32
          %dma_start3A_129 = arith.constant 0 : i32
          %dma_start3A_130 = tpu.memref_slice %arg4[%dma_start3A_128, %dma_start3A_129] : memref<10000x128xf32, #tpu.memory_space<hbm>> -> memref<10000x128xf32, #tpu.memory_space<hbm>>
          %dma_start3A_131 = tpu.memref_slice %arg11[%dma_start3A_120] : memref<2x!tpu.dma_semaphore, #tpu.memory_space<semaphore_mem>> -> memref<1x!tpu.dma_semaphore, #tpu.memory_space<semaphore_mem>>
          %dma_start3A_132 = tpu.memref_squeeze %dma_start3A_131 : memref<1x!tpu.dma_semaphore, #tpu.memory_space<semaphore_mem>> -> memref<!tpu.dma_semaphore, #tpu.memory_space<semaphore_mem>>
          tpu.enqueue_indirect_dma source(%dma_start3A_130 : memref<10000x128xf32, #tpu.memory_space<hbm>>) target(%dma_start3A_124 : memref<128x128xf32, #tpu.memory_space<vmem>>) offsets(%dma_start3A_127 : memref<128xi32, #tpu.memory_space<vmem>>) semaphore(%dma_start3A_132 : memref<!tpu.dma_semaphore, #tpu.memory_space<semaphore_mem>>)
        } else {
        }
      }
      %scan3A_70 = arith.constant 20 : i32
    }
    %scan3A_25 = arith.constant 2 : i32
    %barrier3A_26 = arith.constant 0 : index
    tpu.barrier barrier_id(%barrier3A_26)
    %mul3A_27 = arith.constant 640 : i32
    %mul3A_28 = arith.muli %arg1, %mul3A_27 : i32
    %mul3A_29 = arith.constant 640 : i32
    %mul3A_30 = arith.muli %arg1, %mul3A_29 : i32
    "tpu.region"() ({
      %run_scoped3A = tpu.sem_alloc : memref<!tpu.dma_semaphore, #tpu.memory_space<semaphore_mem>>
      %dma_start3A = arith.constant 0 : i32
      %dma_start3A_31 = arith.constant 0 : i32
      %dma_start3A_32 = tpu.memref_slice %arg6[%arg0, %dma_start3A, %dma_start3A_31] : memref<2x10240x128xf32, #tpu.memory_space<hbm>> -> memref<1x10240x128xf32, #tpu.memory_space<hbm>>
      %dma_start3A_33 = tpu.memref_squeeze %dma_start3A_32 : memref<1x10240x128xf32, #tpu.memory_space<hbm>> -> memref<10240x128xf32, #tpu.memory_space<hbm>>
      %dma_start3A_34 = arith.constant 0 : i32
      %dma_start3A_35 = tpu.memref_slice %dma_start3A_33[%mul3A_30, %dma_start3A_34] : memref<10240x128xf32, #tpu.memory_space<hbm>> -> memref<640x128xf32, #tpu.memory_space<hbm>>
      %dma_start3A_36 = arith.constant 0 : i32
      %dma_start3A_37 = tpu.memref_slice %arg10[%mul3A_28, %dma_start3A_36] : memref<10240x128xf32, #tpu.memory_space<vmem_shared>> -> memref<640x128xf32, #tpu.memory_space<vmem_shared>>
      tpu.enqueue_dma source(%dma_start3A_37 : memref<640x128xf32, #tpu.memory_space<vmem_shared>>) target(%dma_start3A_35 : memref<640x128xf32, #tpu.memory_space<hbm>>) target_semaphore(%run_scoped3A : memref<!tpu.dma_semaphore, #tpu.memory_space<semaphore_mem>>)
      %dma_wait3A = arith.constant 0 : i32
      %dma_wait3A_38 = arith.constant 0 : i32
      %dma_wait3A_39 = tpu.memref_slice %arg6[%arg0, %dma_wait3A, %dma_wait3A_38] : memref<2x10240x128xf32, #tpu.memory_space<hbm>> -> memref<1x10240x128xf32, #tpu.memory_space<hbm>>
      %dma_wait3A_40 = tpu.memref_squeeze %dma_wait3A_39 : memref<1x10240x128xf32, #tpu.memory_space<hbm>> -> memref<10240x128xf32, #tpu.memory_space<hbm>>
      %dma_wait3A_41 = arith.constant 0 : i32
      %dma_wait3A_42 = tpu.memref_slice %dma_wait3A_40[%mul3A_30, %dma_wait3A_41] : memref<10240x128xf32, #tpu.memory_space<hbm>> -> memref<640x128xf32, #tpu.memory_space<hbm>>
      %dma_wait3A_43 = arith.constant 0 : i32
      %dma_wait3A_44 = tpu.memref_slice %arg10[%mul3A_28, %dma_wait3A_43] : memref<10240x128xf32, #tpu.memory_space<vmem_shared>> -> memref<640x128xf32, #tpu.memory_space<vmem_shared>>
      tpu.wait_dma2 semaphore(%run_scoped3A : memref<!tpu.dma_semaphore, #tpu.memory_space<semaphore_mem>>) src(%dma_wait3A_44 : memref<640x128xf32, #tpu.memory_space<vmem_shared>>) dst(%dma_wait3A_42 : memref<640x128xf32, #tpu.memory_space<hbm>>)
      tpu.yield
    }) : () -> ()
    return
  }
}

#map = affine_map<(d0, d1) -> (0, 0, 0)>
#map1 = affine_map<(d0, d1) -> (0, 0)>
module attributes {stable_mosaic.version = 14 : i64} {
  func.func @_sc_aggregate_body(%arg0: i32, %arg1: i32, %arg2: memref<32x80x128xi32, #tpu.memory_space<hbm>>, %arg3: memref<32x80x128xi32, #tpu.memory_space<hbm>>, %arg4: memref<10000x128xf32, #tpu.memory_space<hbm>>, %arg5: memref<128x128xf32, #tpu.memory_space<hbm>>, %arg6: memref<2x10240x128xf32, #tpu.memory_space<hbm>>, %arg7: memref<40x128xi32, #tpu.memory_space<vmem>>, %arg8: memref<40x128xi32, #tpu.memory_space<vmem>>, %arg9: memref<2x128x128xf32, #tpu.memory_space<vmem>>, %arg10: memref<10240x128xf32, #tpu.memory_space<vmem_shared>>, %arg11: memref<2x!tpu.dma_semaphore, #tpu.memory_space<semaphore_mem>>) attributes {dimension_semantics = [#tpu.dimension_semantics<core_parallel>, #tpu.dimension_semantics<subcore_parallel>], iteration_bounds = array<i64: 2, 16>, scalar_prefetch = 0 : i64, scratch_operands = 5 : i64, tpu.core_type = #tpu.core_type<sc_vector_subcore>, window_params = [{transform_indices = #map}, {transform_indices = #map}, {transform_indices = #map1}, {transform_indices = #map1}, {transform_indices = #map}]} {
    %mul3A = arith.constant 16 : i32
    %mul3A_0 = arith.muli %arg0, %mul3A : i32
    %add3A = arith.addi %mul3A_0, %arg1 : i32
    %mul3A_1 = arith.constant 640 : i32
    %mul3A_2 = arith.muli %arg1, %mul3A_1 : i32
    %add3A_3 = arith.constant 0 : i32
    %add3A_4 = arith.addi %mul3A_2, %add3A_3 : i32
    "tpu.region"() ({
      %run_scoped3A = tpu.sem_alloc : memref<!tpu.dma_semaphore, #tpu.memory_space<semaphore_mem>>
      %dma_start3A = arith.constant 0 : i32
      %dma_start3A_31 = tpu.memref_slice %arg10[%add3A_4, %dma_start3A] : memref<10240x128xf32, #tpu.memory_space<vmem_shared>> -> memref<128x128xf32, #tpu.memory_space<vmem_shared>>
      tpu.enqueue_dma source(%arg5 : memref<128x128xf32, #tpu.memory_space<hbm>>) target(%dma_start3A_31 : memref<128x128xf32, #tpu.memory_space<vmem_shared>>) target_semaphore(%run_scoped3A : memref<!tpu.dma_semaphore, #tpu.memory_space<semaphore_mem>>)
      %dma_wait3A = arith.constant 0 : i32
      %dma_wait3A_32 = tpu.memref_slice %arg10[%add3A_4, %dma_wait3A] : memref<10240x128xf32, #tpu.memory_space<vmem_shared>> -> memref<128x128xf32, #tpu.memory_space<vmem_shared>>
      tpu.wait_dma2 semaphore(%run_scoped3A : memref<!tpu.dma_semaphore, #tpu.memory_space<semaphore_mem>>) src(%arg5 : memref<128x128xf32, #tpu.memory_space<hbm>>) dst(%dma_wait3A_32 : memref<128x128xf32, #tpu.memory_space<vmem_shared>>)
      tpu.yield
    }) : () -> ()
    %mul3A_5 = arith.constant 640 : i32
    %mul3A_6 = arith.muli %arg1, %mul3A_5 : i32
    %add3A_7 = arith.constant 128 : i32
    %add3A_8 = arith.addi %mul3A_6, %add3A_7 : i32
    "tpu.region"() ({
      %run_scoped3A = tpu.sem_alloc : memref<!tpu.dma_semaphore, #tpu.memory_space<semaphore_mem>>
      %dma_start3A = arith.constant 0 : i32
      %dma_start3A_31 = tpu.memref_slice %arg10[%add3A_8, %dma_start3A] : memref<10240x128xf32, #tpu.memory_space<vmem_shared>> -> memref<128x128xf32, #tpu.memory_space<vmem_shared>>
      tpu.enqueue_dma source(%arg5 : memref<128x128xf32, #tpu.memory_space<hbm>>) target(%dma_start3A_31 : memref<128x128xf32, #tpu.memory_space<vmem_shared>>) target_semaphore(%run_scoped3A : memref<!tpu.dma_semaphore, #tpu.memory_space<semaphore_mem>>)
      %dma_wait3A = arith.constant 0 : i32
      %dma_wait3A_32 = tpu.memref_slice %arg10[%add3A_8, %dma_wait3A] : memref<10240x128xf32, #tpu.memory_space<vmem_shared>> -> memref<128x128xf32, #tpu.memory_space<vmem_shared>>
      tpu.wait_dma2 semaphore(%run_scoped3A : memref<!tpu.dma_semaphore, #tpu.memory_space<semaphore_mem>>) src(%arg5 : memref<128x128xf32, #tpu.memory_space<hbm>>) dst(%dma_wait3A_32 : memref<128x128xf32, #tpu.memory_space<vmem_shared>>)
      tpu.yield
    }) : () -> ()
    %mul3A_9 = arith.constant 640 : i32
    %mul3A_10 = arith.muli %arg1, %mul3A_9 : i32
    %add3A_11 = arith.constant 256 : i32
    %add3A_12 = arith.addi %mul3A_10, %add3A_11 : i32
    "tpu.region"() ({
      %run_scoped3A = tpu.sem_alloc : memref<!tpu.dma_semaphore, #tpu.memory_space<semaphore_mem>>
      %dma_start3A = arith.constant 0 : i32
      %dma_start3A_31 = tpu.memref_slice %arg10[%add3A_12, %dma_start3A] : memref<10240x128xf32, #tpu.memory_space<vmem_shared>> -> memref<128x128xf32, #tpu.memory_space<vmem_shared>>
      tpu.enqueue_dma source(%arg5 : memref<128x128xf32, #tpu.memory_space<hbm>>) target(%dma_start3A_31 : memref<128x128xf32, #tpu.memory_space<vmem_shared>>) target_semaphore(%run_scoped3A : memref<!tpu.dma_semaphore, #tpu.memory_space<semaphore_mem>>)
      %dma_wait3A = arith.constant 0 : i32
      %dma_wait3A_32 = tpu.memref_slice %arg10[%add3A_12, %dma_wait3A] : memref<10240x128xf32, #tpu.memory_space<vmem_shared>> -> memref<128x128xf32, #tpu.memory_space<vmem_shared>>
      tpu.wait_dma2 semaphore(%run_scoped3A : memref<!tpu.dma_semaphore, #tpu.memory_space<semaphore_mem>>) src(%arg5 : memref<128x128xf32, #tpu.memory_space<hbm>>) dst(%dma_wait3A_32 : memref<128x128xf32, #tpu.memory_space<vmem_shared>>)
      tpu.yield
    }) : () -> ()
    %mul3A_13 = arith.constant 640 : i32
    %mul3A_14 = arith.muli %arg1, %mul3A_13 : i32
    %add3A_15 = arith.constant 384 : i32
    %add3A_16 = arith.addi %mul3A_14, %add3A_15 : i32
    "tpu.region"() ({
      %run_scoped3A = tpu.sem_alloc : memref<!tpu.dma_semaphore, #tpu.memory_space<semaphore_mem>>
      %dma_start3A = arith.constant 0 : i32
      %dma_start3A_31 = tpu.memref_slice %arg10[%add3A_16, %dma_start3A] : memref<10240x128xf32, #tpu.memory_space<vmem_shared>> -> memref<128x128xf32, #tpu.memory_space<vmem_shared>>
      tpu.enqueue_dma source(%arg5 : memref<128x128xf32, #tpu.memory_space<hbm>>) target(%dma_start3A_31 : memref<128x128xf32, #tpu.memory_space<vmem_shared>>) target_semaphore(%run_scoped3A : memref<!tpu.dma_semaphore, #tpu.memory_space<semaphore_mem>>)
      %dma_wait3A = arith.constant 0 : i32
      %dma_wait3A_32 = tpu.memref_slice %arg10[%add3A_16, %dma_wait3A] : memref<10240x128xf32, #tpu.memory_space<vmem_shared>> -> memref<128x128xf32, #tpu.memory_space<vmem_shared>>
      tpu.wait_dma2 semaphore(%run_scoped3A : memref<!tpu.dma_semaphore, #tpu.memory_space<semaphore_mem>>) src(%arg5 : memref<128x128xf32, #tpu.memory_space<hbm>>) dst(%dma_wait3A_32 : memref<128x128xf32, #tpu.memory_space<vmem_shared>>)
      tpu.yield
    }) : () -> ()
    %mul3A_17 = arith.constant 640 : i32
    %mul3A_18 = arith.muli %arg1, %mul3A_17 : i32
    %add3A_19 = arith.constant 512 : i32
    %add3A_20 = arith.addi %mul3A_18, %add3A_19 : i32
    "tpu.region"() ({
      %run_scoped3A = tpu.sem_alloc : memref<!tpu.dma_semaphore, #tpu.memory_space<semaphore_mem>>
      %dma_start3A = arith.constant 0 : i32
      %dma_start3A_31 = tpu.memref_slice %arg10[%add3A_20, %dma_start3A] : memref<10240x128xf32, #tpu.memory_space<vmem_shared>> -> memref<128x128xf32, #tpu.memory_space<vmem_shared>>
      tpu.enqueue_dma source(%arg5 : memref<128x128xf32, #tpu.memory_space<hbm>>) target(%dma_start3A_31 : memref<128x128xf32, #tpu.memory_space<vmem_shared>>) target_semaphore(%run_scoped3A : memref<!tpu.dma_semaphore, #tpu.memory_space<semaphore_mem>>)
      %dma_wait3A = arith.constant 0 : i32
      %dma_wait3A_32 = tpu.memref_slice %arg10[%add3A_20, %dma_wait3A] : memref<10240x128xf32, #tpu.memory_space<vmem_shared>> -> memref<128x128xf32, #tpu.memory_space<vmem_shared>>
      tpu.wait_dma2 semaphore(%run_scoped3A : memref<!tpu.dma_semaphore, #tpu.memory_space<semaphore_mem>>) src(%arg5 : memref<128x128xf32, #tpu.memory_space<hbm>>) dst(%dma_wait3A_32 : memref<128x128xf32, #tpu.memory_space<vmem_shared>>)
      tpu.yield
    }) : () -> ()
    %barrier3A = arith.constant 0 : index
    tpu.barrier barrier_id(%barrier3A)
    %scan3A = arith.constant 0 : i32
    %scan3A_21 = arith.constant 0 : i32
    %scan3A_22 = arith.constant 2 : i32
    %scan3A_23 = arith.addi %scan3A_21, %scan3A_22 : i32
    %scan3A_24 = arith.constant 1 : i32
    scf.for %scan3A_31 = %scan3A_21 to %scan3A_23 step %scan3A_24  : i32 {
      %mul3A_32 = arith.constant 40 : i32
      %mul3A_33 = arith.muli %scan3A_31, %mul3A_32 : i32
      "tpu.region"() ({
        %run_scoped3A = tpu.sem_alloc : memref<!tpu.dma_semaphore, #tpu.memory_space<semaphore_mem>>
        %dma_start3A_71 = arith.constant 0 : i32
        %dma_start3A_72 = arith.constant 0 : i32
        %dma_start3A_73 = tpu.memref_slice %arg2[%add3A, %dma_start3A_71, %dma_start3A_72] : memref<32x80x128xi32, #tpu.memory_space<hbm>> -> memref<1x80x128xi32, #tpu.memory_space<hbm>>
        %dma_start3A_74 = tpu.memref_squeeze %dma_start3A_73 : memref<1x80x128xi32, #tpu.memory_space<hbm>> -> memref<80x128xi32, #tpu.memory_space<hbm>>
        %dma_start3A_75 = arith.constant 0 : i32
        %dma_start3A_76 = tpu.memref_slice %dma_start3A_74[%mul3A_33, %dma_start3A_75] : memref<80x128xi32, #tpu.memory_space<hbm>> -> memref<40x128xi32, #tpu.memory_space<hbm>>
        %dma_start3A_77 = arith.constant 0 : i32
        %dma_start3A_78 = arith.constant 0 : i32
        %dma_start3A_79 = tpu.memref_slice %arg2[%add3A, %dma_start3A_77, %dma_start3A_78] : memref<32x80x128xi32, #tpu.memory_space<hbm>> -> memref<1x80x128xi32, #tpu.memory_space<hbm>>
        %dma_start3A_80 = tpu.memref_squeeze %dma_start3A_79 : memref<1x80x128xi32, #tpu.memory_space<hbm>> -> memref<80x128xi32, #tpu.memory_space<hbm>>
        %dma_start3A_81 = arith.constant 0 : i32
        %dma_start3A_82 = tpu.memref_slice %dma_start3A_80[%mul3A_33, %dma_start3A_81] : memref<80x128xi32, #tpu.memory_space<hbm>> -> memref<40x128xi32, #tpu.memory_space<hbm>>
        tpu.enqueue_dma source(%dma_start3A_82 : memref<40x128xi32, #tpu.memory_space<hbm>>) target(%arg7 : memref<40x128xi32, #tpu.memory_space<vmem>>) target_semaphore(%run_scoped3A : memref<!tpu.dma_semaphore, #tpu.memory_space<semaphore_mem>>)
        %dma_wait3A = arith.constant 0 : i32
        %dma_wait3A_83 = arith.constant 0 : i32
        %dma_wait3A_84 = tpu.memref_slice %arg2[%add3A, %dma_wait3A, %dma_wait3A_83] : memref<32x80x128xi32, #tpu.memory_space<hbm>> -> memref<1x80x128xi32, #tpu.memory_space<hbm>>
        %dma_wait3A_85 = tpu.memref_squeeze %dma_wait3A_84 : memref<1x80x128xi32, #tpu.memory_space<hbm>> -> memref<80x128xi32, #tpu.memory_space<hbm>>
        %dma_wait3A_86 = arith.constant 0 : i32
        %dma_wait3A_87 = tpu.memref_slice %dma_wait3A_85[%mul3A_33, %dma_wait3A_86] : memref<80x128xi32, #tpu.memory_space<hbm>> -> memref<40x128xi32, #tpu.memory_space<hbm>>
        %dma_wait3A_88 = arith.constant 0 : i32
        %dma_wait3A_89 = arith.constant 0 : i32
        %dma_wait3A_90 = tpu.memref_slice %arg2[%add3A, %dma_wait3A_88, %dma_wait3A_89] : memref<32x80x128xi32, #tpu.memory_space<hbm>> -> memref<1x80x128xi32, #tpu.memory_space<hbm>>
        %dma_wait3A_91 = tpu.memref_squeeze %dma_wait3A_90 : memref<1x80x128xi32, #tpu.memory_space<hbm>> -> memref<80x128xi32, #tpu.memory_space<hbm>>
        %dma_wait3A_92 = arith.constant 0 : i32
        %dma_wait3A_93 = tpu.memref_slice %dma_wait3A_91[%mul3A_33, %dma_wait3A_92] : memref<80x128xi32, #tpu.memory_space<hbm>> -> memref<40x128xi32, #tpu.memory_space<hbm>>
        tpu.wait_dma2 semaphore(%run_scoped3A : memref<!tpu.dma_semaphore, #tpu.memory_space<semaphore_mem>>) src(%dma_wait3A_93 : memref<40x128xi32, #tpu.memory_space<hbm>>) dst(%arg7 : memref<40x128xi32, #tpu.memory_space<vmem>>)
        tpu.yield
      }) : () -> ()
      %mul3A_34 = arith.constant 40 : i32
      %mul3A_35 = arith.muli %scan3A_31, %mul3A_34 : i32
      "tpu.region"() ({
        %run_scoped3A = tpu.sem_alloc : memref<!tpu.dma_semaphore, #tpu.memory_space<semaphore_mem>>
        %dma_start3A_71 = arith.constant 0 : i32
        %dma_start3A_72 = arith.constant 0 : i32
        %dma_start3A_73 = tpu.memref_slice %arg3[%add3A, %dma_start3A_71, %dma_start3A_72] : memref<32x80x128xi32, #tpu.memory_space<hbm>> -> memref<1x80x128xi32, #tpu.memory_space<hbm>>
        %dma_start3A_74 = tpu.memref_squeeze %dma_start3A_73 : memref<1x80x128xi32, #tpu.memory_space<hbm>> -> memref<80x128xi32, #tpu.memory_space<hbm>>
        %dma_start3A_75 = arith.constant 0 : i32
        %dma_start3A_76 = tpu.memref_slice %dma_start3A_74[%mul3A_35, %dma_start3A_75] : memref<80x128xi32, #tpu.memory_space<hbm>> -> memref<40x128xi32, #tpu.memory_space<hbm>>
        %dma_start3A_77 = arith.constant 0 : i32
        %dma_start3A_78 = arith.constant 0 : i32
        %dma_start3A_79 = tpu.memref_slice %arg3[%add3A, %dma_start3A_77, %dma_start3A_78] : memref<32x80x128xi32, #tpu.memory_space<hbm>> -> memref<1x80x128xi32, #tpu.memory_space<hbm>>
        %dma_start3A_80 = tpu.memref_squeeze %dma_start3A_79 : memref<1x80x128xi32, #tpu.memory_space<hbm>> -> memref<80x128xi32, #tpu.memory_space<hbm>>
        %dma_start3A_81 = arith.constant 0 : i32
        %dma_start3A_82 = tpu.memref_slice %dma_start3A_80[%mul3A_35, %dma_start3A_81] : memref<80x128xi32, #tpu.memory_space<hbm>> -> memref<40x128xi32, #tpu.memory_space<hbm>>
        tpu.enqueue_dma source(%dma_start3A_82 : memref<40x128xi32, #tpu.memory_space<hbm>>) target(%arg8 : memref<40x128xi32, #tpu.memory_space<vmem>>) target_semaphore(%run_scoped3A : memref<!tpu.dma_semaphore, #tpu.memory_space<semaphore_mem>>)
        %dma_wait3A = arith.constant 0 : i32
        %dma_wait3A_83 = arith.constant 0 : i32
        %dma_wait3A_84 = tpu.memref_slice %arg3[%add3A, %dma_wait3A, %dma_wait3A_83] : memref<32x80x128xi32, #tpu.memory_space<hbm>> -> memref<1x80x128xi32, #tpu.memory_space<hbm>>
        %dma_wait3A_85 = tpu.memref_squeeze %dma_wait3A_84 : memref<1x80x128xi32, #tpu.memory_space<hbm>> -> memref<80x128xi32, #tpu.memory_space<hbm>>
        %dma_wait3A_86 = arith.constant 0 : i32
        %dma_wait3A_87 = tpu.memref_slice %dma_wait3A_85[%mul3A_35, %dma_wait3A_86] : memref<80x128xi32, #tpu.memory_space<hbm>> -> memref<40x128xi32, #tpu.memory_space<hbm>>
        %dma_wait3A_88 = arith.constant 0 : i32
        %dma_wait3A_89 = arith.constant 0 : i32
        %dma_wait3A_90 = tpu.memref_slice %arg3[%add3A, %dma_wait3A_88, %dma_wait3A_89] : memref<32x80x128xi32, #tpu.memory_space<hbm>> -> memref<1x80x128xi32, #tpu.memory_space<hbm>>
        %dma_wait3A_91 = tpu.memref_squeeze %dma_wait3A_90 : memref<1x80x128xi32, #tpu.memory_space<hbm>> -> memref<80x128xi32, #tpu.memory_space<hbm>>
        %dma_wait3A_92 = arith.constant 0 : i32
        %dma_wait3A_93 = tpu.memref_slice %dma_wait3A_91[%mul3A_35, %dma_wait3A_92] : memref<80x128xi32, #tpu.memory_space<hbm>> -> memref<40x128xi32, #tpu.memory_space<hbm>>
        tpu.wait_dma2 semaphore(%run_scoped3A : memref<!tpu.dma_semaphore, #tpu.memory_space<semaphore_mem>>) src(%dma_wait3A_93 : memref<40x128xi32, #tpu.memory_space<hbm>>) dst(%arg8 : memref<40x128xi32, #tpu.memory_space<vmem>>)
        tpu.yield
      }) : () -> ()
      %dma_start3A = arith.constant 0 : i32
      %dma_start3A_36 = arith.constant 0 : i32
      %dma_start3A_37 = arith.constant 0 : i32
      %dma_start3A_38 = arith.constant 0 : i32
      %dma_start3A_39 = arith.constant 0 : i32
      %dma_start3A_40 = tpu.memref_slice %arg9[%dma_start3A_36, %dma_start3A_38, %dma_start3A_39] : memref<2x128x128xf32, #tpu.memory_space<vmem>> -> memref<1x128x128xf32, #tpu.memory_space<vmem>>
      %dma_start3A_41 = tpu.memref_squeeze %dma_start3A_40 : memref<1x128x128xf32, #tpu.memory_space<vmem>> -> memref<128x128xf32, #tpu.memory_space<vmem>>
      %dma_start3A_42 = arith.constant 0 : i32
      %dma_start3A_43 = tpu.memref_slice %arg7[%dma_start3A, %dma_start3A_42] : memref<40x128xi32, #tpu.memory_space<vmem>> -> memref<1x128xi32, #tpu.memory_space<vmem>>
      %dma_start3A_44 = tpu.memref_squeeze %dma_start3A_43 : memref<1x128xi32, #tpu.memory_space<vmem>> -> memref<128xi32, #tpu.memory_space<vmem>>
      %dma_start3A_45 = arith.constant 0 : i32
      %dma_start3A_46 = arith.constant 0 : i32
      %dma_start3A_47 = tpu.memref_slice %arg4[%dma_start3A_45, %dma_start3A_46] : memref<10000x128xf32, #tpu.memory_space<hbm>> -> memref<10000x128xf32, #tpu.memory_space<hbm>>
      %dma_start3A_48 = tpu.memref_slice %arg11[%dma_start3A_37] : memref<2x!tpu.dma_semaphore, #tpu.memory_space<semaphore_mem>> -> memref<1x!tpu.dma_semaphore, #tpu.memory_space<semaphore_mem>>
      %dma_start3A_49 = tpu.memref_squeeze %dma_start3A_48 : memref<1x!tpu.dma_semaphore, #tpu.memory_space<semaphore_mem>> -> memref<!tpu.dma_semaphore, #tpu.memory_space<semaphore_mem>>
      tpu.enqueue_indirect_dma source(%dma_start3A_47 : memref<10000x128xf32, #tpu.memory_space<hbm>>) target(%dma_start3A_41 : memref<128x128xf32, #tpu.memory_space<vmem>>) offsets(%dma_start3A_44 : memref<128xi32, #tpu.memory_space<vmem>>) semaphore(%dma_start3A_49 : memref<!tpu.dma_semaphore, #tpu.memory_space<semaphore_mem>>)
      %dma_start3A_50 = arith.constant 1 : i32
      %dma_start3A_51 = arith.constant 1 : i32
      %dma_start3A_52 = arith.constant 1 : i32
      %dma_start3A_53 = arith.constant 0 : i32
      %dma_start3A_54 = arith.constant 0 : i32
      %dma_start3A_55 = tpu.memref_slice %arg9[%dma_start3A_51, %dma_start3A_53, %dma_start3A_54] : memref<2x128x128xf32, #tpu.memory_space<vmem>> -> memref<1x128x128xf32, #tpu.memory_space<vmem>>
      %dma_start3A_56 = tpu.memref_squeeze %dma_start3A_55 : memref<1x128x128xf32, #tpu.memory_space<vmem>> -> memref<128x128xf32, #tpu.memory_space<vmem>>
      %dma_start3A_57 = arith.constant 0 : i32
      %dma_start3A_58 = tpu.memref_slice %arg7[%dma_start3A_50, %dma_start3A_57] : memref<40x128xi32, #tpu.memory_space<vmem>> -> memref<1x128xi32, #tpu.memory_space<vmem>>
      %dma_start3A_59 = tpu.memref_squeeze %dma_start3A_58 : memref<1x128xi32, #tpu.memory_space<vmem>> -> memref<128xi32, #tpu.memory_space<vmem>>
      %dma_start3A_60 = arith.constant 0 : i32
      %dma_start3A_61 = arith.constant 0 : i32
      %dma_start3A_62 = tpu.memref_slice %arg4[%dma_start3A_60, %dma_start3A_61] : memref<10000x128xf32, #tpu.memory_space<hbm>> -> memref<10000x128xf32, #tpu.memory_space<hbm>>
      %dma_start3A_63 = tpu.memref_slice %arg11[%dma_start3A_52] : memref<2x!tpu.dma_semaphore, #tpu.memory_space<semaphore_mem>> -> memref<1x!tpu.dma_semaphore, #tpu.memory_space<semaphore_mem>>
      %dma_start3A_64 = tpu.memref_squeeze %dma_start3A_63 : memref<1x!tpu.dma_semaphore, #tpu.memory_space<semaphore_mem>> -> memref<!tpu.dma_semaphore, #tpu.memory_space<semaphore_mem>>
      tpu.enqueue_indirect_dma source(%dma_start3A_62 : memref<10000x128xf32, #tpu.memory_space<hbm>>) target(%dma_start3A_56 : memref<128x128xf32, #tpu.memory_space<vmem>>) offsets(%dma_start3A_59 : memref<128xi32, #tpu.memory_space<vmem>>) semaphore(%dma_start3A_64 : memref<!tpu.dma_semaphore, #tpu.memory_space<semaphore_mem>>)
      %scan3A_65 = arith.constant 0 : i32
      %scan3A_66 = arith.constant 0 : i32
      %scan3A_67 = arith.constant 20 : i32
      %scan3A_68 = arith.addi %scan3A_66, %scan3A_67 : i32
      %scan3A_69 = arith.constant 1 : i32
      scf.for %scan3A_71 = %scan3A_66 to %scan3A_68 step %scan3A_69  : i32 {
        %mul3A_72 = arith.constant 2 : i32
        %mul3A_73 = arith.muli %scan3A_71, %mul3A_72 : i32
        %add3A_74 = arith.constant 0 : i32
        %add3A_75 = arith.addi %mul3A_73, %add3A_74 : i32
        %dma_wait3A = arith.constant 0 : i32
        %dma_wait3A_76 = arith.constant 0 : i32
        %dma_wait3A_77 = arith.constant 0 : i32
        %dma_wait3A_78 = arith.constant 0 : i32
        %dma_wait3A_79 = tpu.memref_slice %arg9[%dma_wait3A, %dma_wait3A_77, %dma_wait3A_78] : memref<2x128x128xf32, #tpu.memory_space<vmem>> -> memref<1x128x128xf32, #tpu.memory_space<vmem>>
        %dma_wait3A_80 = tpu.memref_squeeze %dma_wait3A_79 : memref<1x128x128xf32, #tpu.memory_space<vmem>> -> memref<128x128xf32, #tpu.memory_space<vmem>>
        %dma_wait3A_81 = arith.constant 0 : i32
        %dma_wait3A_82 = tpu.memref_slice %arg7[%add3A_75, %dma_wait3A_81] : memref<40x128xi32, #tpu.memory_space<vmem>> -> memref<1x128xi32, #tpu.memory_space<vmem>>
        %dma_wait3A_83 = tpu.memref_squeeze %dma_wait3A_82 : memref<1x128xi32, #tpu.memory_space<vmem>> -> memref<128xi32, #tpu.memory_space<vmem>>
        %dma_wait3A_84 = arith.constant 0 : i32
        %dma_wait3A_85 = arith.constant 0 : i32
        %dma_wait3A_86 = tpu.memref_slice %arg4[%dma_wait3A_84, %dma_wait3A_85] : memref<10000x128xf32, #tpu.memory_space<hbm>> -> memref<10000x128xf32, #tpu.memory_space<hbm>>
        %dma_wait3A_87 = tpu.memref_slice %arg11[%dma_wait3A_76] : memref<2x!tpu.dma_semaphore, #tpu.memory_space<semaphore_mem>> -> memref<1x!tpu.dma_semaphore, #tpu.memory_space<semaphore_mem>>
        %dma_wait3A_88 = tpu.memref_squeeze %dma_wait3A_87 : memref<1x!tpu.dma_semaphore, #tpu.memory_space<semaphore_mem>> -> memref<!tpu.dma_semaphore, #tpu.memory_space<semaphore_mem>>
        tpu.wait_indirect_dma semaphore(%dma_wait3A_88 : memref<!tpu.dma_semaphore, #tpu.memory_space<semaphore_mem>>) src(%dma_wait3A_86 : memref<10000x128xf32, #tpu.memory_space<hbm>>) dst(%dma_wait3A_80 : memref<128x128xf32, #tpu.memory_space<vmem>>)
        %run_scoped3A = arith.constant 0 : i32
        "tpu.region"() ({
          %run_scoped3A_117 = tpu.sem_alloc : memref<!tpu.dma_semaphore, #tpu.memory_space<semaphore_mem>>
          %dma_start3A_118 = arith.constant 0 : i32
          %dma_start3A_119 = arith.constant 0 : i32
          %dma_start3A_120 = tpu.memref_slice %arg9[%run_scoped3A, %dma_start3A_118, %dma_start3A_119] : memref<2x128x128xf32, #tpu.memory_space<vmem>> -> memref<1x128x128xf32, #tpu.memory_space<vmem>>
          %dma_start3A_121 = tpu.memref_squeeze %dma_start3A_120 : memref<1x128x128xf32, #tpu.memory_space<vmem>> -> memref<128x128xf32, #tpu.memory_space<vmem>>
          %dma_start3A_122 = arith.constant 0 : i32
          %dma_start3A_123 = tpu.memref_slice %arg8[%add3A_75, %dma_start3A_122] : memref<40x128xi32, #tpu.memory_space<vmem>> -> memref<1x128xi32, #tpu.memory_space<vmem>>
          %dma_start3A_124 = tpu.memref_squeeze %dma_start3A_123 : memref<1x128xi32, #tpu.memory_space<vmem>> -> memref<128xi32, #tpu.memory_space<vmem>>
          %dma_start3A_125 = arith.constant 0 : i32
          %dma_start3A_126 = arith.constant 0 : i32
          %dma_start3A_127 = tpu.memref_slice %arg10[%dma_start3A_125, %dma_start3A_126] : memref<10240x128xf32, #tpu.memory_space<vmem_shared>> -> memref<10240x128xf32, #tpu.memory_space<vmem_shared>>
          tpu.enqueue_indirect_dma source(%dma_start3A_121 : memref<128x128xf32, #tpu.memory_space<vmem>>) target(%dma_start3A_127 : memref<10240x128xf32, #tpu.memory_space<vmem_shared>>) offsets(%dma_start3A_124 : memref<128xi32, #tpu.memory_space<vmem>>) semaphore(%run_scoped3A_117 : memref<!tpu.dma_semaphore, #tpu.memory_space<semaphore_mem>>) {add = true}
          %dma_wait3A_128 = arith.constant 0 : i32
          %dma_wait3A_129 = arith.constant 0 : i32
          %dma_wait3A_130 = tpu.memref_slice %arg9[%run_scoped3A, %dma_wait3A_128, %dma_wait3A_129] : memref<2x128x128xf32, #tpu.memory_space<vmem>> -> memref<1x128x128xf32, #tpu.memory_space<vmem>>
          %dma_wait3A_131 = tpu.memref_squeeze %dma_wait3A_130 : memref<1x128x128xf32, #tpu.memory_space<vmem>> -> memref<128x128xf32, #tpu.memory_space<vmem>>
          %dma_wait3A_132 = arith.constant 0 : i32
          %dma_wait3A_133 = tpu.memref_slice %arg8[%add3A_75, %dma_wait3A_132] : memref<40x128xi32, #tpu.memory_space<vmem>> -> memref<1x128xi32, #tpu.memory_space<vmem>>
          %dma_wait3A_134 = tpu.memref_squeeze %dma_wait3A_133 : memref<1x128xi32, #tpu.memory_space<vmem>> -> memref<128xi32, #tpu.memory_space<vmem>>
          %dma_wait3A_135 = arith.constant 0 : i32
          %dma_wait3A_136 = arith.constant 0 : i32
          %dma_wait3A_137 = tpu.memref_slice %arg10[%dma_wait3A_135, %dma_wait3A_136] : memref<10240x128xf32, #tpu.memory_space<vmem_shared>> -> memref<10240x128xf32, #tpu.memory_space<vmem_shared>>
          tpu.wait_indirect_dma semaphore(%run_scoped3A_117 : memref<!tpu.dma_semaphore, #tpu.memory_space<semaphore_mem>>) src(%dma_wait3A_131 : memref<128x128xf32, #tpu.memory_space<vmem>>) dst(%dma_wait3A_137 : memref<10240x128xf32, #tpu.memory_space<vmem_shared>>)
          tpu.yield
        }) : () -> ()
        %add3A_89 = arith.constant 2 : i32
        %add3A_90 = arith.addi %add3A_75, %add3A_89 : i32
        %lt3A = arith.constant 40 : i32
        %lt3A_91 = arith.cmpi slt, %add3A_90, %lt3A : i32
        %convert_element_type3A = arith.extui %lt3A_91 : i1 to i32
        %cond3A = arith.constant 0 : i32
        %cond3A_92 = arith.cmpi ne, %convert_element_type3A, %cond3A : i32
        scf.if %cond3A_92 {
          %add3A_117 = arith.constant 2 : i32
          %add3A_118 = arith.addi %add3A_75, %add3A_117 : i32
          %dma_start3A_119 = arith.constant 0 : i32
          %dma_start3A_120 = arith.constant 0 : i32
          %dma_start3A_121 = arith.constant 0 : i32
          %dma_start3A_122 = arith.constant 0 : i32
          %dma_start3A_123 = tpu.memref_slice %arg9[%dma_start3A_119, %dma_start3A_121, %dma_start3A_122] : memref<2x128x128xf32, #tpu.memory_space<vmem>> -> memref<1x128x128xf32, #tpu.memory_space<vmem>>
          %dma_start3A_124 = tpu.memref_squeeze %dma_start3A_123 : memref<1x128x128xf32, #tpu.memory_space<vmem>> -> memref<128x128xf32, #tpu.memory_space<vmem>>
          %dma_start3A_125 = arith.constant 0 : i32
          %dma_start3A_126 = tpu.memref_slice %arg7[%add3A_118, %dma_start3A_125] : memref<40x128xi32, #tpu.memory_space<vmem>> -> memref<1x128xi32, #tpu.memory_space<vmem>>
          %dma_start3A_127 = tpu.memref_squeeze %dma_start3A_126 : memref<1x128xi32, #tpu.memory_space<vmem>> -> memref<128xi32, #tpu.memory_space<vmem>>
          %dma_start3A_128 = arith.constant 0 : i32
          %dma_start3A_129 = arith.constant 0 : i32
          %dma_start3A_130 = tpu.memref_slice %arg4[%dma_start3A_128, %dma_start3A_129] : memref<10000x128xf32, #tpu.memory_space<hbm>> -> memref<10000x128xf32, #tpu.memory_space<hbm>>
          %dma_start3A_131 = tpu.memref_slice %arg11[%dma_start3A_120] : memref<2x!tpu.dma_semaphore, #tpu.memory_space<semaphore_mem>> -> memref<1x!tpu.dma_semaphore, #tpu.memory_space<semaphore_mem>>
          %dma_start3A_132 = tpu.memref_squeeze %dma_start3A_131 : memref<1x!tpu.dma_semaphore, #tpu.memory_space<semaphore_mem>> -> memref<!tpu.dma_semaphore, #tpu.memory_space<semaphore_mem>>
          tpu.enqueue_indirect_dma source(%dma_start3A_130 : memref<10000x128xf32, #tpu.memory_space<hbm>>) target(%dma_start3A_124 : memref<128x128xf32, #tpu.memory_space<vmem>>) offsets(%dma_start3A_127 : memref<128xi32, #tpu.memory_space<vmem>>) semaphore(%dma_start3A_132 : memref<!tpu.dma_semaphore, #tpu.memory_space<semaphore_mem>>)
        } else {
        }
        %add3A_93 = arith.constant 1 : i32
        %add3A_94 = arith.addi %mul3A_73, %add3A_93 : i32
        %dma_wait3A_95 = arith.constant 1 : i32
        %dma_wait3A_96 = arith.constant 1 : i32
        %dma_wait3A_97 = arith.constant 0 : i32
        %dma_wait3A_98 = arith.constant 0 : i32
        %dma_wait3A_99 = tpu.memref_slice %arg9[%dma_wait3A_95, %dma_wait3A_97, %dma_wait3A_98] : memref<2x128x128xf32, #tpu.memory_space<vmem>> -> memref<1x128x128xf32, #tpu.memory_space<vmem>>
        %dma_wait3A_100 = tpu.memref_squeeze %dma_wait3A_99 : memref<1x128x128xf32, #tpu.memory_space<vmem>> -> memref<128x128xf32, #tpu.memory_space<vmem>>
        %dma_wait3A_101 = arith.constant 0 : i32
        %dma_wait3A_102 = tpu.memref_slice %arg7[%add3A_94, %dma_wait3A_101] : memref<40x128xi32, #tpu.memory_space<vmem>> -> memref<1x128xi32, #tpu.memory_space<vmem>>
        %dma_wait3A_103 = tpu.memref_squeeze %dma_wait3A_102 : memref<1x128xi32, #tpu.memory_space<vmem>> -> memref<128xi32, #tpu.memory_space<vmem>>
        %dma_wait3A_104 = arith.constant 0 : i32
        %dma_wait3A_105 = arith.constant 0 : i32
        %dma_wait3A_106 = tpu.memref_slice %arg4[%dma_wait3A_104, %dma_wait3A_105] : memref<10000x128xf32, #tpu.memory_space<hbm>> -> memref<10000x128xf32, #tpu.memory_space<hbm>>
        %dma_wait3A_107 = tpu.memref_slice %arg11[%dma_wait3A_96] : memref<2x!tpu.dma_semaphore, #tpu.memory_space<semaphore_mem>> -> memref<1x!tpu.dma_semaphore, #tpu.memory_space<semaphore_mem>>
        %dma_wait3A_108 = tpu.memref_squeeze %dma_wait3A_107 : memref<1x!tpu.dma_semaphore, #tpu.memory_space<semaphore_mem>> -> memref<!tpu.dma_semaphore, #tpu.memory_space<semaphore_mem>>
        tpu.wait_indirect_dma semaphore(%dma_wait3A_108 : memref<!tpu.dma_semaphore, #tpu.memory_space<semaphore_mem>>) src(%dma_wait3A_106 : memref<10000x128xf32, #tpu.memory_space<hbm>>) dst(%dma_wait3A_100 : memref<128x128xf32, #tpu.memory_space<vmem>>)
        %run_scoped3A_109 = arith.constant 1 : i32
        "tpu.region"() ({
          %run_scoped3A_117 = tpu.sem_alloc : memref<!tpu.dma_semaphore, #tpu.memory_space<semaphore_mem>>
          %dma_start3A_118 = arith.constant 0 : i32
          %dma_start3A_119 = arith.constant 0 : i32
          %dma_start3A_120 = tpu.memref_slice %arg9[%run_scoped3A_109, %dma_start3A_118, %dma_start3A_119] : memref<2x128x128xf32, #tpu.memory_space<vmem>> -> memref<1x128x128xf32, #tpu.memory_space<vmem>>
          %dma_start3A_121 = tpu.memref_squeeze %dma_start3A_120 : memref<1x128x128xf32, #tpu.memory_space<vmem>> -> memref<128x128xf32, #tpu.memory_space<vmem>>
          %dma_start3A_122 = arith.constant 0 : i32
          %dma_start3A_123 = tpu.memref_slice %arg8[%add3A_94, %dma_start3A_122] : memref<40x128xi32, #tpu.memory_space<vmem>> -> memref<1x128xi32, #tpu.memory_space<vmem>>
          %dma_start3A_124 = tpu.memref_squeeze %dma_start3A_123 : memref<1x128xi32, #tpu.memory_space<vmem>> -> memref<128xi32, #tpu.memory_space<vmem>>
          %dma_start3A_125 = arith.constant 0 : i32
          %dma_start3A_126 = arith.constant 0 : i32
          %dma_start3A_127 = tpu.memref_slice %arg10[%dma_start3A_125, %dma_start3A_126] : memref<10240x128xf32, #tpu.memory_space<vmem_shared>> -> memref<10240x128xf32, #tpu.memory_space<vmem_shared>>
          tpu.enqueue_indirect_dma source(%dma_start3A_121 : memref<128x128xf32, #tpu.memory_space<vmem>>) target(%dma_start3A_127 : memref<10240x128xf32, #tpu.memory_space<vmem_shared>>) offsets(%dma_start3A_124 : memref<128xi32, #tpu.memory_space<vmem>>) semaphore(%run_scoped3A_117 : memref<!tpu.dma_semaphore, #tpu.memory_space<semaphore_mem>>) {add = true}
          %dma_wait3A_128 = arith.constant 0 : i32
          %dma_wait3A_129 = arith.constant 0 : i32
          %dma_wait3A_130 = tpu.memref_slice %arg9[%run_scoped3A_109, %dma_wait3A_128, %dma_wait3A_129] : memref<2x128x128xf32, #tpu.memory_space<vmem>> -> memref<1x128x128xf32, #tpu.memory_space<vmem>>
          %dma_wait3A_131 = tpu.memref_squeeze %dma_wait3A_130 : memref<1x128x128xf32, #tpu.memory_space<vmem>> -> memref<128x128xf32, #tpu.memory_space<vmem>>
          %dma_wait3A_132 = arith.constant 0 : i32
          %dma_wait3A_133 = tpu.memref_slice %arg8[%add3A_94, %dma_wait3A_132] : memref<40x128xi32, #tpu.memory_space<vmem>> -> memref<1x128xi32, #tpu.memory_space<vmem>>
          %dma_wait3A_134 = tpu.memref_squeeze %dma_wait3A_133 : memref<1x128xi32, #tpu.memory_space<vmem>> -> memref<128xi32, #tpu.memory_space<vmem>>
          %dma_wait3A_135 = arith.constant 0 : i32
          %dma_wait3A_136 = arith.constant 0 : i32
          %dma_wait3A_137 = tpu.memref_slice %arg10[%dma_wait3A_135, %dma_wait3A_136] : memref<10240x128xf32, #tpu.memory_space<vmem_shared>> -> memref<10240x128xf32, #tpu.memory_space<vmem_shared>>
          tpu.wait_indirect_dma semaphore(%run_scoped3A_117 : memref<!tpu.dma_semaphore, #tpu.memory_space<semaphore_mem>>) src(%dma_wait3A_131 : memref<128x128xf32, #tpu.memory_space<vmem>>) dst(%dma_wait3A_137 : memref<10240x128xf32, #tpu.memory_space<vmem_shared>>)
          tpu.yield
        }) : () -> ()
        %add3A_110 = arith.constant 2 : i32
        %add3A_111 = arith.addi %add3A_94, %add3A_110 : i32
        %lt3A_112 = arith.constant 40 : i32
        %lt3A_113 = arith.cmpi slt, %add3A_111, %lt3A_112 : i32
        %convert_element_type3A_114 = arith.extui %lt3A_113 : i1 to i32
        %cond3A_115 = arith.constant 0 : i32
        %cond3A_116 = arith.cmpi ne, %convert_element_type3A_114, %cond3A_115 : i32
        scf.if %cond3A_116 {
          %add3A_117 = arith.constant 2 : i32
          %add3A_118 = arith.addi %add3A_94, %add3A_117 : i32
          %dma_start3A_119 = arith.constant 1 : i32
          %dma_start3A_120 = arith.constant 1 : i32
          %dma_start3A_121 = arith.constant 0 : i32
          %dma_start3A_122 = arith.constant 0 : i32
          %dma_start3A_123 = tpu.memref_slice %arg9[%dma_start3A_119, %dma_start3A_121, %dma_start3A_122] : memref<2x128x128xf32, #tpu.memory_space<vmem>> -> memref<1x128x128xf32, #tpu.memory_space<vmem>>
          %dma_start3A_124 = tpu.memref_squeeze %dma_start3A_123 : memref<1x128x128xf32, #tpu.memory_space<vmem>> -> memref<128x128xf32, #tpu.memory_space<vmem>>
          %dma_start3A_125 = arith.constant 0 : i32
          %dma_start3A_126 = tpu.memref_slice %arg7[%add3A_118, %dma_start3A_125] : memref<40x128xi32, #tpu.memory_space<vmem>> -> memref<1x128xi32, #tpu.memory_space<vmem>>
          %dma_start3A_127 = tpu.memref_squeeze %dma_start3A_126 : memref<1x128xi32, #tpu.memory_space<vmem>> -> memref<128xi32, #tpu.memory_space<vmem>>
          %dma_start3A_128 = arith.constant 0 : i32
          %dma_start3A_129 = arith.constant 0 : i32
          %dma_start3A_130 = tpu.memref_slice %arg4[%dma_start3A_128, %dma_start3A_129] : memref<10000x128xf32, #tpu.memory_space<hbm>> -> memref<10000x128xf32, #tpu.memory_space<hbm>>
          %dma_start3A_131 = tpu.memref_slice %arg11[%dma_start3A_120] : memref<2x!tpu.dma_semaphore, #tpu.memory_space<semaphore_mem>> -> memref<1x!tpu.dma_semaphore, #tpu.memory_space<semaphore_mem>>
          %dma_start3A_132 = tpu.memref_squeeze %dma_start3A_131 : memref<1x!tpu.dma_semaphore, #tpu.memory_space<semaphore_mem>> -> memref<!tpu.dma_semaphore, #tpu.memory_space<semaphore_mem>>
          tpu.enqueue_indirect_dma source(%dma_start3A_130 : memref<10000x128xf32, #tpu.memory_space<hbm>>) target(%dma_start3A_124 : memref<128x128xf32, #tpu.memory_space<vmem>>) offsets(%dma_start3A_127 : memref<128xi32, #tpu.memory_space<vmem>>) semaphore(%dma_start3A_132 : memref<!tpu.dma_semaphore, #tpu.memory_space<semaphore_mem>>)
        } else {
        }
      }
      %scan3A_70 = arith.constant 20 : i32
    }
    %scan3A_25 = arith.constant 2 : i32
    %barrier3A_26 = arith.constant 0 : index
    tpu.barrier barrier_id(%barrier3A_26)
    %mul3A_27 = arith.constant 640 : i32
    %mul3A_28 = arith.muli %arg1, %mul3A_27 : i32
    %mul3A_29 = arith.constant 640 : i32
    %mul3A_30 = arith.muli %arg1, %mul3A_29 : i32
    "tpu.region"() ({
      %run_scoped3A = tpu.sem_alloc : memref<!tpu.dma_semaphore, #tpu.memory_space<semaphore_mem>>
      %dma_start3A = arith.constant 0 : i32
      %dma_start3A_31 = arith.constant 0 : i32
      %dma_start3A_32 = tpu.memref_slice %arg6[%arg0, %dma_start3A, %dma_start3A_31] : memref<2x10240x128xf32, #tpu.memory_space<hbm>> -> memref<1x10240x128xf32, #tpu.memory_space<hbm>>
      %dma_start3A_33 = tpu.memref_squeeze %dma_start3A_32 : memref<1x10240x128xf32, #tpu.memory_space<hbm>> -> memref<10240x128xf32, #tpu.memory_space<hbm>>
      %dma_start3A_34 = arith.constant 0 : i32
      %dma_start3A_35 = tpu.memref_slice %dma_start3A_33[%mul3A_30, %dma_start3A_34] : memref<10240x128xf32, #tpu.memory_space<hbm>> -> memref<640x128xf32, #tpu.memory_space<hbm>>
      %dma_start3A_36 = arith.constant 0 : i32
      %dma_start3A_37 = tpu.memref_slice %arg10[%mul3A_28, %dma_start3A_36] : memref<10240x128xf32, #tpu.memory_space<vmem_shared>> -> memref<640x128xf32, #tpu.memory_space<vmem_shared>>
      tpu.enqueue_dma source(%dma_start3A_37 : memref<640x128xf32, #tpu.memory_space<vmem_shared>>) target(%dma_start3A_35 : memref<640x128xf32, #tpu.memory_space<hbm>>) target_semaphore(%run_scoped3A : memref<!tpu.dma_semaphore, #tpu.memory_space<semaphore_mem>>)
      %dma_wait3A = arith.constant 0 : i32
      %dma_wait3A_38 = arith.constant 0 : i32
      %dma_wait3A_39 = tpu.memref_slice %arg6[%arg0, %dma_wait3A, %dma_wait3A_38] : memref<2x10240x128xf32, #tpu.memory_space<hbm>> -> memref<1x10240x128xf32, #tpu.memory_space<hbm>>
      %dma_wait3A_40 = tpu.memref_squeeze %dma_wait3A_39 : memref<1x10240x128xf32, #tpu.memory_space<hbm>> -> memref<10240x128xf32, #tpu.memory_space<hbm>>
      %dma_wait3A_41 = arith.constant 0 : i32
      %dma_wait3A_42 = tpu.memref_slice %dma_wait3A_40[%mul3A_30, %dma_wait3A_41] : memref<10240x128xf32, #tpu.memory_space<hbm>> -> memref<640x128xf32, #tpu.memory_space<hbm>>
      %dma_wait3A_43 = arith.constant 0 : i32
      %dma_wait3A_44 = tpu.memref_slice %arg10[%mul3A_28, %dma_wait3A_43] : memref<10240x128xf32, #tpu.memory_space<vmem_shared>> -> memref<640x128xf32, #tpu.memory_space<vmem_shared>>
      tpu.wait_dma2 semaphore(%run_scoped3A : memref<!tpu.dma_semaphore, #tpu.memory_space<semaphore_mem>>) src(%dma_wait3A_44 : memref<640x128xf32, #tpu.memory_space<vmem_shared>>) dst(%dma_wait3A_42 : memref<640x128xf32, #tpu.memory_space<hbm>>)
      tpu.yield
    }) : () -> ()
    return
  }
}

module attributes {stable_mosaic.version = 14 : i64} {
  func.func @_enc_body(%arg0: i32, %arg1: memref<2000x128xf32, #tpu.memory_space<vmem>>, %arg2: memref<2000x32xf32, #tpu.memory_space<vmem>>, %arg3: memref<128x32xf32, #tpu.memory_space<vmem>>, %arg4: memref<1x32xf32, #tpu.memory_space<vmem>>, %arg5: memref<64x128xf32, #tpu.memory_space<vmem>>, %arg6: memref<1x128xf32, #tpu.memory_space<vmem>>, %arg7: memref<128x128xf32, #tpu.memory_space<vmem>>, %arg8: memref<2000x128xf32, #tpu.memory_space<vmem>>, %arg9: memref<2000x128xf32, #tpu.memory_space<vmem>>) attributes {dimension_semantics = [#tpu.dimension_semantics<arbitrary>], iteration_bounds = array<i64: 5>, scalar_prefetch = 0 : i64, scratch_operands = 0 : i64, tpu.core_type = #tpu.core_type<tc>, window_params = [{transform_indices = @transform_0, window_bounds = array<i64: 2000, 128>}, {transform_indices = @transform_1, window_bounds = array<i64: 2000, 32>}, {pipeline_mode = #tpu.pipeline_mode<synchronous>, transform_indices = @transform_2, window_bounds = array<i64: 128, 32>}, {pipeline_mode = #tpu.pipeline_mode<synchronous>, transform_indices = @transform_3, window_bounds = array<i64: 1, 32>}, {pipeline_mode = #tpu.pipeline_mode<synchronous>, transform_indices = @transform_4, window_bounds = array<i64: 64, 128>}, {pipeline_mode = #tpu.pipeline_mode<synchronous>, transform_indices = @transform_5, window_bounds = array<i64: 1, 128>}, {pipeline_mode = #tpu.pipeline_mode<synchronous>, transform_indices = @transform_6, window_bounds = array<i64: 128, 128>}, {transform_indices = @transform_7, window_bounds = array<i64: 2000, 128>}, {transform_indices = @transform_8, window_bounds = array<i64: 2000, 128>}]} {
    %get3A = arith.constant 0 : index
    %get3A_0 = arith.constant 0 : index
    %get3A_1 = vector.load %arg1[%get3A, %get3A_0] : memref<2000x128xf32, #tpu.memory_space<vmem>>, vector<2000x128xf32>
    %ne3A = arith.cmpf one, %get3A_1, %get3A_1 : vector<2000x128xf32>
    %jit3A = arith.constant 0.000000e+00 : f32
    %broadcast_in_dim3A = vector.broadcast %jit3A : f32 to vector<2000x128xf32>
    %select_n3A = arith.select %ne3A, %broadcast_in_dim3A, %get3A_1 : vector<2000x128xi1>, vector<2000x128xf32>
    %eq3A = arith.constant 0x7F800000 : f32
    %eq3A_2 = vector.broadcast %eq3A : f32 to vector<2000x128xf32>
    %eq3A_3 = arith.cmpf oeq, %select_n3A, %eq3A_2 : vector<2000x128xf32>
    %jit3A_4 = arith.constant 3.40282347E+38 : f32
    %broadcast_in_dim3A_5 = vector.broadcast %jit3A_4 : f32 to vector<2000x128xf32>
    %select_n3A_6 = arith.select %eq3A_3, %broadcast_in_dim3A_5, %select_n3A : vector<2000x128xi1>, vector<2000x128xf32>
    %eq3A_7 = arith.constant 0xFF800000 : f32
    %eq3A_8 = vector.broadcast %eq3A_7 : f32 to vector<2000x128xf32>
    %eq3A_9 = arith.cmpf oeq, %select_n3A_6, %eq3A_8 : vector<2000x128xf32>
    %jit3A_10 = arith.constant -3.40282347E+38 : f32
    %broadcast_in_dim3A_11 = vector.broadcast %jit3A_10 : f32 to vector<2000x128xf32>
    %select_n3A_12 = arith.select %eq3A_9, %broadcast_in_dim3A_11, %select_n3A_6 : vector<2000x128xi1>, vector<2000x128xf32>
    %get3A_13 = arith.constant 0 : index
    %get3A_14 = arith.constant 0 : index
    %get3A_15 = vector.load %arg3[%get3A_13, %get3A_14] : memref<128x32xf32, #tpu.memory_space<vmem>>, vector<128x32xf32>
    %dot_general3A = arith.constant dense<0.000000e+00> : vector<2000x32xf32>
    %dot_general3A_16 = tpu.matmul %select_n3A_12, %get3A_15, %dot_general3A {dimension_numbers = #tpu.dot_dimension_numbers<[1], [0], [0], [1], [0, 0, 1, 1], [], []>, transpose_lhs_hint = false} : vector<2000x128xf32>, vector<128x32xf32>, vector<2000x32xf32> -> vector<2000x32xf32>
    %get3A_17 = arith.constant 0 : index
    %get3A_18 = arith.constant 0 : index
    %get3A_19 = vector.load %arg4[%get3A_17, %get3A_18] : memref<1x32xf32, #tpu.memory_space<vmem>>, vector<1x32xf32>
    %add3A = vector.broadcast %get3A_19 : vector<1x32xf32> to vector<2000x32xf32>
    %add3A_20 = arith.addf %dot_general3A_16, %add3A : vector<2000x32xf32>
    %get3A_21 = arith.constant 0 : index
    %get3A_22 = arith.constant 0 : index
    %get3A_23 = vector.load %arg2[%get3A_21, %get3A_22] : memref<2000x32xf32, #tpu.memory_space<vmem>>, vector<2000x32xf32>
    %concatenate3A = tpu.concatenate %get3A_23, %add3A_20 in 1 : vector<2000x32xf32>, vector<2000x32xf32> -> vector<2000x64xf32>
    %get3A_24 = arith.constant 0 : index
    %get3A_25 = arith.constant 0 : index
    %get3A_26 = vector.load %arg5[%get3A_24, %get3A_25] : memref<64x128xf32, #tpu.memory_space<vmem>>, vector<64x128xf32>
    %dot_general3A_27 = arith.constant dense<0.000000e+00> : vector<2000x128xf32>
    %dot_general3A_28 = tpu.matmul %concatenate3A, %get3A_26, %dot_general3A_27 {dimension_numbers = #tpu.dot_dimension_numbers<[1], [0], [0], [1], [0, 0, 1, 1], [], []>, transpose_lhs_hint = false} : vector<2000x64xf32>, vector<64x128xf32>, vector<2000x128xf32> -> vector<2000x128xf32>
    %get3A_29 = arith.constant 0 : index
    %get3A_30 = arith.constant 0 : index
    %get3A_31 = vector.load %arg6[%get3A_29, %get3A_30] : memref<1x128xf32, #tpu.memory_space<vmem>>, vector<1x128xf32>
    %add3A_32 = vector.broadcast %get3A_31 : vector<1x128xf32> to vector<2000x128xf32>
    %add3A_33 = arith.addf %dot_general3A_28, %add3A_32 : vector<2000x128xf32>
    %max3A = arith.constant 0.000000e+00 : f32
    %max3A_34 = vector.broadcast %max3A : f32 to vector<2000x128xf32>
    %max3A_35 = arith.maximumf %add3A_33, %max3A_34 : vector<2000x128xf32>
    %swap3A = arith.constant 0 : index
    %swap3A_36 = arith.constant 0 : index
    %swap3A_37 = vector.load %arg8[%swap3A, %swap3A_36] : memref<2000x128xf32, #tpu.memory_space<vmem>>, vector<2000x128xf32>
    tpu.vector_store %arg8[%swap3A, %swap3A_36], %max3A_35 {strides = array<i32>} : memref<2000x128xf32, #tpu.memory_space<vmem>>, vector<2000x128xf32>,
    %get3A_38 = arith.constant 0 : index
    %get3A_39 = arith.constant 0 : index
    %get3A_40 = vector.load %arg7[%get3A_38, %get3A_39] : memref<128x128xf32, #tpu.memory_space<vmem>>, vector<128x128xf32>
    %dot_general3A_41 = arith.constant dense<0.000000e+00> : vector<2000x128xf32>
    %dot_general3A_42 = tpu.matmul %max3A_35, %get3A_40, %dot_general3A_41 {dimension_numbers = #tpu.dot_dimension_numbers<[1], [0], [0], [1], [0, 0, 1, 1], [], []>, transpose_lhs_hint = false} : vector<2000x128xf32>, vector<128x128xf32>, vector<2000x128xf32> -> vector<2000x128xf32>
    %swap3A_43 = arith.constant 0 : index
    %swap3A_44 = arith.constant 0 : index
    %swap3A_45 = vector.load %arg9[%swap3A_43, %swap3A_44] : memref<2000x128xf32, #tpu.memory_space<vmem>>, vector<2000x128xf32>
    tpu.vector_store %arg9[%swap3A_43, %swap3A_44], %dot_general3A_42 {strides = array<i32>} : memref<2000x128xf32, #tpu.memory_space<vmem>>, vector<2000x128xf32>,
    return
  }
  func.func @transform_0(%arg0: i32) -> (i32, i32) {
    %c0_i32 = arith.constant 0 : i32
    %c0_i32_0 = arith.constant 0 : i32
    return %arg0, %c0_i32 : i32, i32
  }
  func.func @transform_1(%arg0: i32) -> (i32, i32) {
    %c0_i32 = arith.constant 0 : i32
    %c0_i32_0 = arith.constant 0 : i32
    return %arg0, %c0_i32 : i32, i32
  }
  func.func @transform_2(%arg0: i32) -> (i32, i32) {
    %c0_i32 = arith.constant 0 : i32
    %c0_i32_0 = arith.constant 0 : i32
    %c0_i32_1 = arith.constant 0 : i32
    return %c0_i32, %c0_i32_0 : i32, i32
  }
  func.func @transform_3(%arg0: i32) -> (i32, i32) {
    %c0_i32 = arith.constant 0 : i32
    %c0_i32_0 = arith.constant 0 : i32
    %c0_i32_1 = arith.constant 0 : i32
    return %c0_i32, %c0_i32_0 : i32, i32
  }
  func.func @transform_4(%arg0: i32) -> (i32, i32) {
    %c0_i32 = arith.constant 0 : i32
    %c0_i32_0 = arith.constant 0 : i32
    %c0_i32_1 = arith.constant 0 : i32
    return %c0_i32, %c0_i32_0 : i32, i32
  }
  func.func @transform_5(%arg0: i32) -> (i32, i32) {
    %c0_i32 = arith.constant 0 : i32
    %c0_i32_0 = arith.constant 0 : i32
    %c0_i32_1 = arith.constant 0 : i32
    return %c0_i32, %c0_i32_0 : i32, i32
  }
  func.func @transform_6(%arg0: i32) -> (i32, i32) {
    %c0_i32 = arith.constant 0 : i32
    %c0_i32_0 = arith.constant 0 : i32
    %c0_i32_1 = arith.constant 0 : i32
    return %c0_i32, %c0_i32_0 : i32, i32
  }
  func.func @transform_7(%arg0: i32) -> (i32, i32) {
    %c0_i32 = arith.constant 0 : i32
    %c0_i32_0 = arith.constant 0 : i32
    return %arg0, %c0_i32 : i32, i32
  }
  func.func @transform_8(%arg0: i32) -> (i32, i32) {
    %c0_i32 = arith.constant 0 : i32
    %c0_i32_0 = arith.constant 0 : i32
    return %arg0, %c0_i32 : i32, i32
  }
}

module attributes {stable_mosaic.version = 14 : i64} {
  func.func @_scale_body(%arg0: i32, %arg1: memref<2x2000x128xf32, #tpu.memory_space<vmem>>, %arg2: memref<2000x128xf32, #tpu.memory_space<vmem>>, %arg3: memref<2000x16xf32, #tpu.memory_space<vmem>>, %arg4: memref<2000x128xf32, #tpu.memory_space<vmem>>) attributes {dimension_semantics = [#tpu.dimension_semantics<arbitrary>], iteration_bounds = array<i64: 5>, scalar_prefetch = 0 : i64, scratch_operands = 0 : i64, tpu.core_type = #tpu.core_type<tc>, window_params = [{transform_indices = @transform_0, window_bounds = array<i64: 2, 2000, 128>}, {transform_indices = @transform_1, window_bounds = array<i64: 2000, 128>}, {transform_indices = @transform_2, window_bounds = array<i64: 2000, 16>}, {transform_indices = @transform_3, window_bounds = array<i64: 2000, 128>}]} {
    %get3A = arith.constant 0 : index
    %get3A_0 = arith.constant 0 : index
    %get3A_1 = arith.constant 0 : index
    %get3A_2 = vector.load %arg1[%get3A, %get3A_0, %get3A_1] : memref<2x2000x128xf32, #tpu.memory_space<vmem>>, vector<1x2000x128xf32>
    %get3A_3 = vector.shape_cast %get3A_2 : vector<1x2000x128xf32> to vector<2000x128xf32>
    %slice3A = vector.extract_strided_slice %get3A_3 {offsets = [0, 0], sizes = [2000, 16], strides = [1, 1]} : vector<2000x128xf32> to vector<2000x16xf32>
    %get3A_4 = arith.constant 1 : index
    %get3A_5 = arith.constant 0 : index
    %get3A_6 = arith.constant 0 : index
    %get3A_7 = vector.load %arg1[%get3A_4, %get3A_5, %get3A_6] : memref<2x2000x128xf32, #tpu.memory_space<vmem>>, vector<1x2000x128xf32>
    %get3A_8 = vector.shape_cast %get3A_7 : vector<1x2000x128xf32> to vector<2000x128xf32>
    %slice3A_9 = vector.extract_strided_slice %get3A_8 {offsets = [0, 0], sizes = [2000, 16], strides = [1, 1]} : vector<2000x128xf32> to vector<2000x16xf32>
    %add3A = arith.addf %slice3A, %slice3A_9 : vector<2000x16xf32>
    %sub3A = arith.constant 1.000000e+00 : f32
    %sub3A_10 = vector.broadcast %sub3A : f32 to vector<2000x16xf32>
    %sub3A_11 = arith.subf %add3A, %sub3A_10 : vector<2000x16xf32>
    %rsqrt3A = math.rsqrt %sub3A_11 : vector<2000x16xf32>
    %swap3A = arith.constant 0 : index
    %swap3A_12 = arith.constant 0 : index
    %swap3A_13 = vector.load %arg3[%swap3A, %swap3A_12] : memref<2000x16xf32, #tpu.memory_space<vmem>>, vector<2000x16xf32>
    tpu.vector_store %arg3[%swap3A, %swap3A_12], %rsqrt3A {strides = array<i32>} : memref<2000x16xf32, #tpu.memory_space<vmem>>, vector<2000x16xf32>,
    %slice3A_14 = vector.extract_strided_slice %rsqrt3A {offsets = [0, 0], sizes = [2000, 1], strides = [1, 1]} : vector<2000x16xf32> to vector<2000x1xf32>
    %get3A_15 = arith.constant 0 : index
    %get3A_16 = arith.constant 0 : index
    %get3A_17 = vector.load %arg2[%get3A_15, %get3A_16] : memref<2000x128xf32, #tpu.memory_space<vmem>>, vector<2000x128xf32>
    %mul3A = vector.broadcast %slice3A_14 : vector<2000x1xf32> to vector<2000x128xf32>
    %mul3A_18 = arith.mulf %mul3A, %get3A_17 : vector<2000x128xf32>
    %swap3A_19 = arith.constant 0 : index
    %swap3A_20 = arith.constant 0 : index
    %swap3A_21 = vector.load %arg4[%swap3A_19, %swap3A_20] : memref<2000x128xf32, #tpu.memory_space<vmem>>, vector<2000x128xf32>
    tpu.vector_store %arg4[%swap3A_19, %swap3A_20], %mul3A_18 {strides = array<i32>} : memref<2000x128xf32, #tpu.memory_space<vmem>>, vector<2000x128xf32>,
    return
  }
  func.func @transform_0(%arg0: i32) -> (i32, i32, i32) {
    %c0_i32 = arith.constant 0 : i32
    %c0_i32_0 = arith.constant 0 : i32
    %c0_i32_1 = arith.constant 0 : i32
    return %c0_i32, %arg0, %c0_i32_0 : i32, i32, i32
  }
  func.func @transform_1(%arg0: i32) -> (i32, i32) {
    %c0_i32 = arith.constant 0 : i32
    %c0_i32_0 = arith.constant 0 : i32
    return %arg0, %c0_i32 : i32, i32
  }
  func.func @transform_2(%arg0: i32) -> (i32, i32) {
    %c0_i32 = arith.constant 0 : i32
    %c0_i32_0 = arith.constant 0 : i32
    return %arg0, %c0_i32 : i32, i32
  }
  func.func @transform_3(%arg0: i32) -> (i32, i32) {
    %c0_i32 = arith.constant 0 : i32
    %c0_i32_0 = arith.constant 0 : i32
    return %arg0, %c0_i32 : i32, i32
  }
}

module attributes {stable_mosaic.version = 14 : i64} {
  func.func @_upd_body(%arg0: i32, %arg1: memref<2x2000x128xf32, #tpu.memory_space<vmem>>, %arg2: memref<2000x128xf32, #tpu.memory_space<vmem>>, %arg3: memref<2000x128xf32, #tpu.memory_space<vmem>>, %arg4: memref<2000x16xf32, #tpu.memory_space<vmem>>, %arg5: memref<1x128xf32, #tpu.memory_space<vmem>>, %arg6: memref<1x128xf32, #tpu.memory_space<vmem>>, %arg7: memref<1x128xf32, #tpu.memory_space<vmem>>, %arg8: memref<128x128xf32, #tpu.memory_space<vmem>>, %arg9: memref<2000x128xf32, #tpu.memory_space<vmem>>, %arg10: memref<2000x128xf32, #tpu.memory_space<vmem>>) attributes {dimension_semantics = [#tpu.dimension_semantics<arbitrary>], iteration_bounds = array<i64: 5>, scalar_prefetch = 0 : i64, scratch_operands = 0 : i64, tpu.core_type = #tpu.core_type<tc>, window_params = [{transform_indices = @transform_0, window_bounds = array<i64: 2, 2000, 128>}, {transform_indices = @transform_1, window_bounds = array<i64: 2000, 128>}, {transform_indices = @transform_2, window_bounds = array<i64: 2000, 128>}, {transform_indices = @transform_3, window_bounds = array<i64: 2000, 16>}, {pipeline_mode = #tpu.pipeline_mode<synchronous>, transform_indices = @transform_4, window_bounds = array<i64: 1, 128>}, {pipeline_mode = #tpu.pipeline_mode<synchronous>, transform_indices = @transform_5, window_bounds = array<i64: 1, 128>}, {pipeline_mode = #tpu.pipeline_mode<synchronous>, transform_indices = @transform_6, window_bounds = array<i64: 1, 128>}, {pipeline_mode = #tpu.pipeline_mode<synchronous>, transform_indices = @transform_7, window_bounds = array<i64: 128, 128>}, {transform_indices = @transform_8, window_bounds = array<i64: 2000, 128>}, {transform_indices = @transform_9, window_bounds = array<i64: 2000, 128>}]} {
    %get3A = arith.constant 0 : index
    %get3A_0 = arith.constant 0 : index
    %get3A_1 = arith.constant 0 : index
    %get3A_2 = vector.load %arg1[%get3A, %get3A_0, %get3A_1] : memref<2x2000x128xf32, #tpu.memory_space<vmem>>, vector<1x2000x128xf32>
    %get3A_3 = vector.shape_cast %get3A_2 : vector<1x2000x128xf32> to vector<2000x128xf32>
    %get3A_4 = arith.constant 1 : index
    %get3A_5 = arith.constant 0 : index
    %get3A_6 = arith.constant 0 : index
    %get3A_7 = vector.load %arg1[%get3A_4, %get3A_5, %get3A_6] : memref<2x2000x128xf32, #tpu.memory_space<vmem>>, vector<1x2000x128xf32>
    %get3A_8 = vector.shape_cast %get3A_7 : vector<1x2000x128xf32> to vector<2000x128xf32>
    %add3A = arith.addf %get3A_3, %get3A_8 : vector<2000x128xf32>
    %get3A_9 = arith.constant 0 : index
    %get3A_10 = arith.constant 0 : index
    %get3A_11 = vector.load %arg2[%get3A_9, %get3A_10] : memref<2000x128xf32, #tpu.memory_space<vmem>>, vector<2000x128xf32>
    %add3A_12 = arith.addf %add3A, %get3A_11 : vector<2000x128xf32>
    %get3A_13 = arith.constant 0 : index
    %get3A_14 = arith.constant 0 : index
    %get3A_15 = vector.load %arg4[%get3A_13, %get3A_14] : memref<2000x16xf32, #tpu.memory_space<vmem>>, vector<2000x16xf32>
    %slice3A = vector.extract_strided_slice %get3A_15 {offsets = [0, 0], sizes = [2000, 1], strides = [1, 1]} : vector<2000x16xf32> to vector<2000x1xf32>
    %mul3A = vector.broadcast %slice3A : vector<2000x1xf32> to vector<2000x128xf32>
    %mul3A_16 = arith.mulf %mul3A, %add3A_12 : vector<2000x128xf32>
    %get3A_17 = arith.constant 0 : index
    %get3A_18 = arith.constant 0 : index
    %get3A_19 = vector.load %arg5[%get3A_17, %get3A_18] : memref<1x128xf32, #tpu.memory_space<vmem>>, vector<1x128xf32>
    %add3A_20 = vector.broadcast %get3A_19 : vector<1x128xf32> to vector<2000x128xf32>
    %add3A_21 = arith.addf %mul3A_16, %add3A_20 : vector<2000x128xf32>
    %max3A = arith.constant 0.000000e+00 : f32
    %max3A_22 = vector.broadcast %max3A : f32 to vector<2000x128xf32>
    %max3A_23 = arith.maximumf %add3A_21, %max3A_22 : vector<2000x128xf32>
    %get3A_24 = arith.constant 0 : index
    %get3A_25 = arith.constant 0 : index
    %get3A_26 = vector.load %arg6[%get3A_24, %get3A_25] : memref<1x128xf32, #tpu.memory_space<vmem>>, vector<1x128xf32>
    %mul3A_27 = arith.constant 0.999994993 : f32
    %mul3A_28 = vector.broadcast %mul3A_27 : f32 to vector<1x128xf32>
    %mul3A_29 = arith.mulf %get3A_26, %mul3A_28 : vector<1x128xf32>
    %mul3A_30 = vector.broadcast %mul3A_29 : vector<1x128xf32> to vector<2000x128xf32>
    %mul3A_31 = arith.mulf %max3A_23, %mul3A_30 : vector<2000x128xf32>
    %get3A_32 = arith.constant 0 : index
    %get3A_33 = arith.constant 0 : index
    %get3A_34 = vector.load %arg7[%get3A_32, %get3A_33] : memref<1x128xf32, #tpu.memory_space<vmem>>, vector<1x128xf32>
    %add3A_35 = vector.broadcast %get3A_34 : vector<1x128xf32> to vector<2000x128xf32>
    %add3A_36 = arith.addf %mul3A_31, %add3A_35 : vector<2000x128xf32>
    %get3A_37 = arith.constant 0 : index
    %get3A_38 = arith.constant 0 : index
    %get3A_39 = vector.load %arg3[%get3A_37, %get3A_38] : memref<2000x128xf32, #tpu.memory_space<vmem>>, vector<2000x128xf32>
    %add3A_40 = arith.addf %add3A_36, %get3A_39 : vector<2000x128xf32>
    %swap3A = arith.constant 0 : index
    %swap3A_41 = arith.constant 0 : index
    %swap3A_42 = vector.load %arg9[%swap3A, %swap3A_41] : memref<2000x128xf32, #tpu.memory_space<vmem>>, vector<2000x128xf32>
    tpu.vector_store %arg9[%swap3A, %swap3A_41], %add3A_40 {strides = array<i32>} : memref<2000x128xf32, #tpu.memory_space<vmem>>, vector<2000x128xf32>,
    %get3A_43 = arith.constant 0 : index
    %get3A_44 = arith.constant 0 : index
    %get3A_45 = vector.load %arg8[%get3A_43, %get3A_44] : memref<128x128xf32, #tpu.memory_space<vmem>>, vector<128x128xf32>
    %dot_general3A = arith.constant dense<0.000000e+00> : vector<2000x128xf32>
    %dot_general3A_46 = tpu.matmul %add3A_40, %get3A_45, %dot_general3A {dimension_numbers = #tpu.dot_dimension_numbers<[1], [0], [0], [1], [0, 0, 1, 1], [], []>, transpose_lhs_hint = false} : vector<2000x128xf32>, vector<128x128xf32>, vector<2000x128xf32> -> vector<2000x128xf32>
    %mul3A_47 = vector.broadcast %slice3A : vector<2000x1xf32> to vector<2000x128xf32>
    %mul3A_48 = arith.mulf %mul3A_47, %dot_general3A_46 : vector<2000x128xf32>
    %swap3A_49 = arith.constant 0 : index
    %swap3A_50 = arith.constant 0 : index
    %swap3A_51 = vector.load %arg10[%swap3A_49, %swap3A_50] : memref<2000x128xf32, #tpu.memory_space<vmem>>, vector<2000x128xf32>
    tpu.vector_store %arg10[%swap3A_49, %swap3A_50], %mul3A_48 {strides = array<i32>} : memref<2000x128xf32, #tpu.memory_space<vmem>>, vector<2000x128xf32>,
    return
  }
  func.func @transform_0(%arg0: i32) -> (i32, i32, i32) {
    %c0_i32 = arith.constant 0 : i32
    %c0_i32_0 = arith.constant 0 : i32
    %c0_i32_1 = arith.constant 0 : i32
    return %c0_i32, %arg0, %c0_i32_0 : i32, i32, i32
  }
  func.func @transform_1(%arg0: i32) -> (i32, i32) {
    %c0_i32 = arith.constant 0 : i32
    %c0_i32_0 = arith.constant 0 : i32
    return %arg0, %c0_i32 : i32, i32
  }
  func.func @transform_2(%arg0: i32) -> (i32, i32) {
    %c0_i32 = arith.constant 0 : i32
    %c0_i32_0 = arith.constant 0 : i32
    return %arg0, %c0_i32 : i32, i32
  }
  func.func @transform_3(%arg0: i32) -> (i32, i32) {
    %c0_i32 = arith.constant 0 : i32
    %c0_i32_0 = arith.constant 0 : i32
    return %arg0, %c0_i32 : i32, i32
  }
  func.func @transform_4(%arg0: i32) -> (i32, i32) {
    %c0_i32 = arith.constant 0 : i32
    %c0_i32_0 = arith.constant 0 : i32
    %c0_i32_1 = arith.constant 0 : i32
    return %c0_i32, %c0_i32_0 : i32, i32
  }
  func.func @transform_5(%arg0: i32) -> (i32, i32) {
    %c0_i32 = arith.constant 0 : i32
    %c0_i32_0 = arith.constant 0 : i32
    %c0_i32_1 = arith.constant 0 : i32
    return %c0_i32, %c0_i32_0 : i32, i32
  }
  func.func @transform_6(%arg0: i32) -> (i32, i32) {
    %c0_i32 = arith.constant 0 : i32
    %c0_i32_0 = arith.constant 0 : i32
    %c0_i32_1 = arith.constant 0 : i32
    return %c0_i32, %c0_i32_0 : i32, i32
  }
  func.func @transform_7(%arg0: i32) -> (i32, i32) {
    %c0_i32 = arith.constant 0 : i32
    %c0_i32_0 = arith.constant 0 : i32
    %c0_i32_1 = arith.constant 0 : i32
    return %c0_i32, %c0_i32_0 : i32, i32
  }
  func.func @transform_8(%arg0: i32) -> (i32, i32) {
    %c0_i32 = arith.constant 0 : i32
    %c0_i32_0 = arith.constant 0 : i32
    return %arg0, %c0_i32 : i32, i32
  }
  func.func @transform_9(%arg0: i32) -> (i32, i32) {
    %c0_i32 = arith.constant 0 : i32
    %c0_i32_0 = arith.constant 0 : i32
    return %arg0, %c0_i32 : i32, i32
  }
}

module attributes {stable_mosaic.version = 14 : i64} {
  func.func @_fin_body(%arg0: i32, %arg1: memref<2x2000x128xf32, #tpu.memory_space<vmem>>, %arg2: memref<2000x128xf32, #tpu.memory_space<vmem>>, %arg3: memref<2000x128xf32, #tpu.memory_space<vmem>>, %arg4: memref<2000x16xf32, #tpu.memory_space<vmem>>, %arg5: memref<1x128xf32, #tpu.memory_space<vmem>>, %arg6: memref<1x128xf32, #tpu.memory_space<vmem>>, %arg7: memref<1x128xf32, #tpu.memory_space<vmem>>, %arg8: memref<128x1xf32, #tpu.memory_space<vmem>>, %arg9: memref<1x1xf32, #tpu.memory_space<vmem>>, %arg10: memref<2000x1xf32, #tpu.memory_space<vmem>>) attributes {dimension_semantics = [#tpu.dimension_semantics<arbitrary>], iteration_bounds = array<i64: 5>, scalar_prefetch = 0 : i64, scratch_operands = 0 : i64, tpu.core_type = #tpu.core_type<tc>, window_params = [{transform_indices = @transform_0, window_bounds = array<i64: 2, 2000, 128>}, {transform_indices = @transform_1, window_bounds = array<i64: 2000, 128>}, {transform_indices = @transform_2, window_bounds = array<i64: 2000, 128>}, {transform_indices = @transform_3, window_bounds = array<i64: 2000, 16>}, {pipeline_mode = #tpu.pipeline_mode<synchronous>, transform_indices = @transform_4, window_bounds = array<i64: 1, 128>}, {pipeline_mode = #tpu.pipeline_mode<synchronous>, transform_indices = @transform_5, window_bounds = array<i64: 1, 128>}, {pipeline_mode = #tpu.pipeline_mode<synchronous>, transform_indices = @transform_6, window_bounds = array<i64: 1, 128>}, {pipeline_mode = #tpu.pipeline_mode<synchronous>, transform_indices = @transform_7, window_bounds = array<i64: 128, 1>}, {pipeline_mode = #tpu.pipeline_mode<synchronous>, transform_indices = @transform_8, window_bounds = array<i64: 1, 1>}, {transform_indices = @transform_9, window_bounds = array<i64: 2000, 1>}]} {
    %get3A = arith.constant 0 : index
    %get3A_0 = arith.constant 0 : index
    %get3A_1 = arith.constant 0 : index
    %get3A_2 = vector.load %arg1[%get3A, %get3A_0, %get3A_1] : memref<2x2000x128xf32, #tpu.memory_space<vmem>>, vector<1x2000x128xf32>
    %get3A_3 = vector.shape_cast %get3A_2 : vector<1x2000x128xf32> to vector<2000x128xf32>
    %get3A_4 = arith.constant 1 : index
    %get3A_5 = arith.constant 0 : index
    %get3A_6 = arith.constant 0 : index
    %get3A_7 = vector.load %arg1[%get3A_4, %get3A_5, %get3A_6] : memref<2x2000x128xf32, #tpu.memory_space<vmem>>, vector<1x2000x128xf32>
    %get3A_8 = vector.shape_cast %get3A_7 : vector<1x2000x128xf32> to vector<2000x128xf32>
    %add3A = arith.addf %get3A_3, %get3A_8 : vector<2000x128xf32>
    %get3A_9 = arith.constant 0 : index
    %get3A_10 = arith.constant 0 : index
    %get3A_11 = vector.load %arg2[%get3A_9, %get3A_10] : memref<2000x128xf32, #tpu.memory_space<vmem>>, vector<2000x128xf32>
    %add3A_12 = arith.addf %add3A, %get3A_11 : vector<2000x128xf32>
    %get3A_13 = arith.constant 0 : index
    %get3A_14 = arith.constant 0 : index
    %get3A_15 = vector.load %arg4[%get3A_13, %get3A_14] : memref<2000x16xf32, #tpu.memory_space<vmem>>, vector<2000x16xf32>
    %slice3A = vector.extract_strided_slice %get3A_15 {offsets = [0, 0], sizes = [2000, 1], strides = [1, 1]} : vector<2000x16xf32> to vector<2000x1xf32>
    %mul3A = vector.broadcast %slice3A : vector<2000x1xf32> to vector<2000x128xf32>
    %mul3A_16 = arith.mulf %mul3A, %add3A_12 : vector<2000x128xf32>
    %get3A_17 = arith.constant 0 : index
    %get3A_18 = arith.constant 0 : index
    %get3A_19 = vector.load %arg5[%get3A_17, %get3A_18] : memref<1x128xf32, #tpu.memory_space<vmem>>, vector<1x128xf32>
    %add3A_20 = vector.broadcast %get3A_19 : vector<1x128xf32> to vector<2000x128xf32>
    %add3A_21 = arith.addf %mul3A_16, %add3A_20 : vector<2000x128xf32>
    %max3A = arith.constant 0.000000e+00 : f32
    %max3A_22 = vector.broadcast %max3A : f32 to vector<2000x128xf32>
    %max3A_23 = arith.maximumf %add3A_21, %max3A_22 : vector<2000x128xf32>
    %get3A_24 = arith.constant 0 : index
    %get3A_25 = arith.constant 0 : index
    %get3A_26 = vector.load %arg6[%get3A_24, %get3A_25] : memref<1x128xf32, #tpu.memory_space<vmem>>, vector<1x128xf32>
    %mul3A_27 = arith.constant 0.999994993 : f32
    %mul3A_28 = vector.broadcast %mul3A_27 : f32 to vector<1x128xf32>
    %mul3A_29 = arith.mulf %get3A_26, %mul3A_28 : vector<1x128xf32>
    %mul3A_30 = vector.broadcast %mul3A_29 : vector<1x128xf32> to vector<2000x128xf32>
    %mul3A_31 = arith.mulf %max3A_23, %mul3A_30 : vector<2000x128xf32>
    %get3A_32 = arith.constant 0 : index
    %get3A_33 = arith.constant 0 : index
    %get3A_34 = vector.load %arg7[%get3A_32, %get3A_33] : memref<1x128xf32, #tpu.memory_space<vmem>>, vector<1x128xf32>
    %add3A_35 = vector.broadcast %get3A_34 : vector<1x128xf32> to vector<2000x128xf32>
    %add3A_36 = arith.addf %mul3A_31, %add3A_35 : vector<2000x128xf32>
    %get3A_37 = arith.constant 0 : index
    %get3A_38 = arith.constant 0 : index
    %get3A_39 = vector.load %arg3[%get3A_37, %get3A_38] : memref<2000x128xf32, #tpu.memory_space<vmem>>, vector<2000x128xf32>
    %add3A_40 = arith.addf %add3A_36, %get3A_39 : vector<2000x128xf32>
    %get3A_41 = arith.constant 0 : index
    %get3A_42 = arith.constant 0 : index
    %get3A_43 = vector.load %arg8[%get3A_41, %get3A_42] : memref<128x1xf32, #tpu.memory_space<vmem>>, vector<128x1xf32>
    %dot_general3A = arith.constant dense<0.000000e+00> : vector<2000x1xf32>
    %dot_general3A_44 = tpu.matmul %add3A_40, %get3A_43, %dot_general3A {dimension_numbers = #tpu.dot_dimension_numbers<[1], [0], [0], [1], [0, 0, 1, 1], [], []>, transpose_lhs_hint = false} : vector<2000x128xf32>, vector<128x1xf32>, vector<2000x1xf32> -> vector<2000x1xf32>
    %get3A_45 = arith.constant 0 : index
    %get3A_46 = arith.constant 0 : index
    %get3A_47 = vector.load %arg9[%get3A_45, %get3A_46] : memref<1x1xf32, #tpu.memory_space<vmem>>, vector<1x1xf32>
    %add3A_48 = vector.broadcast %get3A_47 : vector<1x1xf32> to vector<2000x1xf32>
    %add3A_49 = arith.addf %dot_general3A_44, %add3A_48 : vector<2000x1xf32>
    %jit3A = arith.constant -1.000000e+01 : f32
    %jit3A_50 = arith.constant 1.000000e+01 : f32
    %max3A_51 = vector.broadcast %jit3A : f32 to vector<2000x1xf32>
    %max3A_52 = arith.maximumf %max3A_51, %add3A_49 : vector<2000x1xf32>
    %min3A = vector.broadcast %jit3A_50 : f32 to vector<2000x1xf32>
    %min3A_53 = arith.minimumf %min3A, %max3A_52 : vector<2000x1xf32>
    %swap3A = arith.constant 0 : index
    %swap3A_54 = arith.constant 0 : index
    %swap3A_55 = vector.load %arg10[%swap3A, %swap3A_54] : memref<2000x1xf32, #tpu.memory_space<vmem>>, vector<2000x1xf32>
    tpu.vector_store %arg10[%swap3A, %swap3A_54], %min3A_53 {strides = array<i32>} : memref<2000x1xf32, #tpu.memory_space<vmem>>, vector<2000x1xf32>,
    return
  }
  func.func @transform_0(%arg0: i32) -> (i32, i32, i32) {
    %c0_i32 = arith.constant 0 : i32
    %c0_i32_0 = arith.constant 0 : i32
    %c0_i32_1 = arith.constant 0 : i32
    return %c0_i32, %arg0, %c0_i32_0 : i32, i32, i32
  }
  func.func @transform_1(%arg0: i32) -> (i32, i32) {
    %c0_i32 = arith.constant 0 : i32
    %c0_i32_0 = arith.constant 0 : i32
    return %arg0, %c0_i32 : i32, i32
  }
  func.func @transform_2(%arg0: i32) -> (i32, i32) {
    %c0_i32 = arith.constant 0 : i32
    %c0_i32_0 = arith.constant 0 : i32
    return %arg0, %c0_i32 : i32, i32
  }
  func.func @transform_3(%arg0: i32) -> (i32, i32) {
    %c0_i32 = arith.constant 0 : i32
    %c0_i32_0 = arith.constant 0 : i32
    return %arg0, %c0_i32 : i32, i32
  }
  func.func @transform_4(%arg0: i32) -> (i32, i32) {
    %c0_i32 = arith.constant 0 : i32
    %c0_i32_0 = arith.constant 0 : i32
    %c0_i32_1 = arith.constant 0 : i32
    return %c0_i32, %c0_i32_0 : i32, i32
  }
  func.func @transform_5(%arg0: i32) -> (i32, i32) {
    %c0_i32 = arith.constant 0 : i32
    %c0_i32_0 = arith.constant 0 : i32
    %c0_i32_1 = arith.constant 0 : i32
    return %c0_i32, %c0_i32_0 : i32, i32
  }
  func.func @transform_6(%arg0: i32) -> (i32, i32) {
    %c0_i32 = arith.constant 0 : i32
    %c0_i32_0 = arith.constant 0 : i32
    %c0_i32_1 = arith.constant 0 : i32
    return %c0_i32, %c0_i32_0 : i32, i32
  }
  func.func @transform_7(%arg0: i32) -> (i32, i32) {
    %c0_i32 = arith.constant 0 : i32
    %c0_i32_0 = arith.constant 0 : i32
    %c0_i32_1 = arith.constant 0 : i32
    return %c0_i32, %c0_i32_0 : i32, i32
  }
  func.func @transform_8(%arg0: i32) -> (i32, i32) {
    %c0_i32 = arith.constant 0 : i32
    %c0_i32_0 = arith.constant 0 : i32
    %c0_i32_1 = arith.constant 0 : i32
    return %c0_i32, %c0_i32_0 : i32, i32
  }
  func.func @transform_9(%arg0: i32) -> (i32, i32) {
    %c0_i32 = arith.constant 0 : i32
    %c0_i32_0 = arith.constant 0 : i32
    return %arg0, %c0_i32 : i32, i32
  }
}

</mosaic_0001>

<sc_bundles>
// kernel: kernel.11.cloned.1.call-start
scs
__scs_entry_jumppad:
0x0: {  	(pc) =	sbr.rel $0x88, $3  }
0x1: {  	(tag) =	ssettag $0x0;
	lr =	simm.s32 $0x1  }
0x2: {  	[smem:$0x3F94] =	sst lr;
	_ =	strace $0xD0000000  }
0x3: {  	_ = 	snop  }
0x4: {  	_ = 	snop  }
0x5: {  	_ = 	snop  }
0x6: {  	_ = 	snop  }
0x7: {  	_ = 	snop  }
__scs_overlays_trampoline_lowered:
0x8: {  	[smem:$0x3FA3] =	sst s0  }
0x9: {  	[smem:$0x3FA4] =	sst s1  }
0xa: {  	[smem:$0x3FA5] =	sst s2  }
0xb: {  	[smem:$0x3FA6] =	sst s3  }
0xc: {  	[smem:$0x3FA7] =	sst s4  }
0xd: {  	[smem:$0x3FA8] =	sst s5  }
0xe: {  	[smem:$0x3FA9] =	sst s6  }
0xf: {  	[smem:$0x3FAA] =	sst s7  }
0x10: {  	[smem:$0x3FAB] =	sst s8  }
0x11: {  	[smem:$0x3FAC] =	sst s9;
	s0 =	simm.s32 @!p0 $0x0  }
0x12: {  	s1 =	sld [smem:$0x3F92];
	s0 =	simm.s32 @p0 $0x1  }
0x13: {  	[smem:$0x3FAD] =	sst s0;
	s0 =	simm.s32 @!p1 $0x0  }
0x14: {  	s2 =	sld [smem:$0x3F91];
	s0 =	simm.s32 @p1 $0x1  }
0x15: {  	[smem:$0x3FAE] =	sst s0;
	s0 =	simm.s32 @!p2 $0x0  }
0x16: {  	s3 =	sld [smem:$0x3FDB];
	s0 =	simm.s32 @p2 $0x1  }
0x17: {  	s4 =	simm.s32 $0x1BF5;
	[smem:$0x3FB0] =	sst s0  }
0x18: {  	s0 =	sld [smem:$0x3F93];
	_ =	swait.ge [sflag:s4], $0x0  }
0x19: {  	s7 =	sld [smem:$0x3F94]  }
0x1a: {  	s8 =	sadd.s32 $0xFFFFE003, lr  }
0x1b: {  	s9 =	sadd.s32 $0xFFFFFEF7, lr;
	s5 =	simm.s32 $0xFFFFFFFF;
	p2 =	slt.u32 s8, $0xFFFFF086  }
0x1c: {  	p1 =	slt.u32 s9, $0xF7A;
	s5 =	simm.s32 @!p2 $0x0  }
0x1d: {  	s5 =	simm.s32 @p1 $0x1;
	p0 =	seq.s32 s7, s2  }
0x1e: {  	s7 =	smul.u32 @!p0 $0xF7A, s2;
	p2 =	seq.s32 @!p0 s5, $0x0  }
0x1f: {  	s9 =	smul.u32 $0xF7A, s1;
	s8 =	simm.s32 @!p0 $0x1BF5;
	p2 =	por !p2, p0  }
0x20: {  	[sflag:s8] =	ssyncset.s32 @!p0 $0xFFFFF086;
	s6 =	sadd.s32 @!p0 s3, s7;
	s7 =	simm.s32 @!p0 $0x108  }
0x21: {  	s3 =	sadd.s32 s3, s9;
	s6 =	sadd.s32 @!p0 $0x88, s6;
	s7 =	simm.s32 @p2 $0x1082  }
0x22: {  	[simem:s7], [sflag:s8] =	dma.local @!p0 [hbm:s6], $0xF7A  }
0x23: {  	s9 =	sor.u32 $0xD0000000, s2;
	s6 =	simm.s32 $0x108;
	_ =	swait.ge @!p0 [sflag:s8], $0x0  }
0x24: {  	s3 =	sadd.s32 $0x88, s3;
	s6 =	simm.s32 @!p1 $0x1082;
	[sflag:s4] =	ssyncset.s32 $0xFFFFF086  }
0x25: {  	[simem:s6], [sflag:s4] =	dma.local [hbm:s3], $0xF7A  }
0x26: {  	[smem:$0x3F94] =	sst s1;
	(tag) =	ssettag s2;
	_ =	strace s9  }
0x27: {  	s1 =	sld [smem:$0x3FA4]  }
0x28: {  	s2 =	sld [smem:$0x3FA5]  }
0x29: {  	s4 =	sld [smem:$0x3FA7]  }
0x2a: {  	p0 =	seq.s32 s5, $0x0;
	s5 =	sld [smem:$0x3FA8]  }
0x2b: {  	s6 =	sld [smem:$0x3FA9]  }
0x2c: {  	s7 =	sld [smem:$0x3FAA]  }
0x2d: {  	s3 =	simm.s32 $0x108;
	s8 =	sld [smem:$0x3FAB]  }
0x2e: {  	s3 =	simm.s32 @!p0 $0x1082;
	s9 =	sld [smem:$0x3FAC]  }
0x2f: {  	lr =	sadd.s32 s0, s3;
	s0 =	sld [smem:$0x3FA3]  }
0x30: {  	s3 =	sld [smem:$0x3FA6]  }
0x31: {  	[smem:$0x3FAF] =	sst s10  }
0x32: {  	s10 =	sld [smem:$0x3FAD];
	_ =	sdelay $0x3  }
0x33: {  	p0 =	seq.s32 s10, $0x1;
	s10 =	sld [smem:$0x3FAF];
	_ =	sdelay $0x3  }
0x34: {  	[smem:$0x3FAF] =	sst s10  }
0x35: {  	s10 =	sld [smem:$0x3FAE];
	_ =	sdelay $0x3  }
0x36: {  	p1 =	seq.s32 s10, $0x1;
	s10 =	sld [smem:$0x3FAF];
	_ =	sdelay $0x3  }
0x37: {  	[smem:$0x3FAF] =	sst s10  }
0x38: {  	s10 =	sld [smem:$0x3FB0]  }
0x39: {  	_ = 	snop;
	(pc) =	sbr.ind lr, $3  }
0x3a: {  	_ = 	snop  }
0x3b: {  	_ = 	snop  }
0x3c: {  	p2 =	seq.s32 s10, $0x1;
	s10 =	sld [smem:$0x3FAF]  }
0x3d: {  	_ =	shalt  }
0x3e: {  	_ =	shalt  }
0x3f: {  	_ =	shalt  }
0x40: {  	_ =	shalt  }
0x41: {  	_ =	shalt  }
0x42: {  	_ =	shalt  }
0x43: {  	_ =	shalt  }
0x44: {  	_ =	shalt  }
0x45: {  	_ =	shalt  }
0x46: {  	_ =	shalt  }
0x47: {  	_ =	shalt  }
0x48: {  	_ =	shalt  }
0x49: {  	_ =	shalt  }
0x4a: {  	_ =	shalt  }
0x4b: {  	_ =	shalt  }
0x4c: {  	_ =	shalt  }
0x4d: {  	_ =	shalt  }
0x4e: {  	_ =	shalt  }
0x4f: {  	_ =	shalt  }
0x50: {  	_ =	shalt  }
0x51: {  	_ =	shalt  }
0x52: {  	_ =	shalt  }
0x53: {  	_ =	shalt  }
0x54: {  	_ =	shalt  }
0x55: {  	_ =	shalt  }
0x56: {  	_ =	shalt  }
0x57: {  	_ =	shalt  }
0x58: {  	_ =	shalt  }
0x59: {  	_ =	shalt  }
0x5a: {  	_ =	shalt  }
0x5b: {  	_ =	shalt  }
0x5c: {  	_ =	shalt  }
0x5d: {  	_ =	shalt  }
0x5e: {  	_ =	shalt  }
0x5f: {  	_ =	shalt  }
0x60: {  	_ =	shalt  }
0x61: {  	_ =	shalt  }
0x62: {  	_ =	shalt  }
0x63: {  	_ =	shalt  }
0x64: {  	_ =	shalt  }
0x65: {  	_ =	shalt  }
0x66: {  	_ =	shalt  }
0x67: {  	_ =	shalt  }
0x68: {  	_ =	shalt  }
0x69: {  	_ =	shalt  }
0x6a: {  	_ =	shalt  }
0x6b: {  	_ =	shalt  }
0x6c: {  	_ =	shalt  }
0x6d: {  	_ =	shalt  }
0x6e: {  	_ =	shalt  }
0x6f: {  	_ =	shalt  }
0x70: {  	_ =	shalt  }
0x71: {  	_ =	shalt  }
0x72: {  	_ =	shalt  }
0x73: {  	_ =	shalt  }
0x74: {  	_ =	shalt  }
0x75: {  	_ =	shalt  }
0x76: {  	_ =	shalt  }
0x77: {  	_ =	shalt  }
0x78: {  	_ =	shalt  }
0x79: {  	_ =	shalt  }
0x7a: {  	_ =	shalt  }
0x7b: {  	_ =	shalt  }
0x7c: {  	_ =	shalt  }
0x7d: {  	_ =	shalt  }
0x7e: {  	_ =	shalt  }
0x7f: {  	_ =	shalt  }
0x80: {  	_ =	shalt  }
0x81: {  	_ =	shalt  }
0x82: {  	_ =	shalt  }
0x83: {  	_ =	shalt  }
0x84: {  	_ =	shalt  }
0x85: {  	_ =	shalt  }
0x86: {  	_ =	shalt  }
0x87: {  	_ =	shalt  }
.Lfunc_end0:
.L_simem_size_0:
called_computation_lowered:
.L_overlay_start_0:
0x88: {  	s2 =	sld [smem:$0x3FD9]  }
0x89: {  	s3 =	sld [smem:$0x3FFE];
	_ =	sdelay $0x1  }
0x8a: {  	s1 =	srdreg.scid  }
0x8b: {  	s0 =	sand.u32 $0x1, s1  }
0x8c: {  	s16 =	sshll.u32 s0, $0xA;
	s2 =	sadd.s32 s3, s2  }
0x8d: {  	s2 =	sadd.s32 s2, s16  }
0x8e: {  	[smem:$0x3FBB] =	sst s2  }
0x8f: {  	_ = 	snop  }
0x90: {  	(tm) =	ssettm $0x1  }
0x91: {  	s17 =	sld [smem:$0x3FFB];
	_ =	sdelay $0x3  }
0x92: {  	_ =	strace s17  }
0x93: {  	s2 =	sld [smem:$0x3FFC];
	_ =	sdelay $0x3  }
0x94: {  	_ =	strace s2  }
0x95: {  	s2 =	sld [smem:$0x3FFD];
	_ =	sdelay $0x3  }
0x96: {  	_ =	strace s2  }
0x97: {  	_ =	strace $0x8FFFFFFF  }
0x98: {  	s18 =	sld [smem:$0x3FDB];
	_ =	sdelay $0x1  }
0x99: {  	s19 =	simm.s32 $_scs_section_size  }
0x9a: {  	s4 =	simm.s32 $_size__tile_overlayer_lowered;
	s5 =	simm.s32 $_tile_overlayer_lowered  }
0x9b: {  	s22 =	simm.s32 $0x1BFF;
	s21 =	sshll.u32 s5, $0x1;
	s2 =	sadd.s32 s19, s18  }
0x9c: {  	s6 =	simm.s32 $0x0;
	s20 =	sshll.u32 s4, $0x1;
	s4 =	sadd.s32 s21, s2  }
0x9d: {  	[timem:s6], [sflag:s22] =	dma.local [hbm:s4], s20  }
0x9e: {  	_ =	swait.ge [sflag:s22], s20  }
0x9f: {  	s3 =	ssub.s32 $0x0, s20;
	[sflag:s22] =	ssyncset.done $0x0  }
0xa0: {  	[sflag:s22] =	ssyncadd.s32 s3;
	_ =	sdelay $0x1  }
0xa1: {  	s23 =	simm.s32 $0x1B8B  }
0xa2: {  	_ =	swait.ge [sflag:s23], $0x1  }
0xa3: {  	[sflag:s23] =	ssyncset.done $0x0  }
0xa4: {  	s25 =	simm.s32 $0x1B8E;
	s24 =	sld [smem:$0x3FFE];
	[sflag:s23] =	ssyncadd.s32 $0xFFFFFFFF  }
0xa5: {  	s26 =	simm.s32 $execute0_lowered;
	[smem:$0x3FD2] =	sst s25  }
0xa6: {  	s4 =	sshll.u32 s26, $0x1;
	_ =	strace $0x80000046;
	[dreg:$0x1] =	wrdreg $0xFFFFFFFF  }
0xa7: {  	s28 =	simm.s32 $_size_execute0_lowered;
	s2 =	sadd.s32 s2, s4;
	[dreg:$0x0] =	wrdreg $0x0  }
0xa8: {  	s4 =	sshll.u32 s28, $0x1;
	[dreg:$0x2] =	wrdreg s2  }
0xa9: {  	[dreg:$0x3] =	wrdreg s4  }
0xaa: {  	[dreg:$0x4] =	wrdreg $0xC0  }
0xab: {  	_ =	task [dreg:s6], $0x5FFFF  }
0xac: {  	[dreg:$0x1] =	wrdreg $0xFFFFFFFF  }
0xad: {  	[dreg:$0x0] =	wrdreg $0x60  }
0xae: {  	[dreg:$0x2] =	wrdreg s24  }
0xaf: {  	[dreg:$0x3] =	wrdreg $0x54000  }
0xb0: {  	[dreg:$0x4] =	wrdreg $0x9  }
0xb1: {  	_ =	task.clear_ibuf [dreg:s6], $0x5FFFF;
	_ =	strace $0x90000046  }
0xb2: {  	s29 =	simm.s32 $0x9;
	_ =	strace $0x80000048  }
0xb3: {  	_ =	swait.ge [sflag:s29], $0x1  }
0xb4: {  	[sflag:s29] =	ssyncadd.s32 $0xFFFFFFFF  }
0xb5: {  	_ =	strace $0x90000048  }
0xb6: {  	_ =	sfence  }
0xb7: {  	s30 =	sld [smem:$0x0];
	_ =	sdelay $0x2  }
0xb8: {  	s31 =	sshll.u32 s1, $0xD;
	s1 =	sshrl.u32 s1, $0x2  }
0xb9: {  	s3 =	sand.u32 $0x4000, s31;
	s1 =	sadd.s32 s1, s30  }
0xba: {  	s0 =	sor.u32 s3, s0;
	s1 =	sshll.u32 s1, $0x11  }
0xbb: {  	s0 =	sor.u32 s1, s0  }
0xbc: {  	s0 =	sadd.s32 $0x8F2B, s0  }
0xbd: {  	[sflag:s0] =	ssyncadd.remote.s32 $0x1  }
0xbe: {  	_ =	sfence.sel $0xFFFF  }
0xbf: {  	[dreg:$0x0] =	wrdreg $0xFFFFFFFF;
	(pc) =	sbr.abs _section_cstart, $3  }
0xc0: {  	[dreg:$0x1] =	wrdreg $0xFFFFFFFF  }
0xc1: {  	_ =	task.clear_ibuf [dreg:s6], $0x2FFFF;
	_ =	strace $0x9FFFFFFF  }
0xc2: {  	(tm) =	ssettm $0x7FFFFFFF  }
0xc3: {  	_ =	shalt  }
tec
execute0_lowered:
.L_overlay_start_1:
0x0: {  	(tag) =	ssettag $0x1  }
0x1: {  	s6 =	rddreg [dreg:$0x0]  }
0x2: {  	s0 =	srdreg.scid;
	s2 =	rddreg [dreg:$0x1];
	s3 =	simm.s32 $0x0  }
0x3: {  	s15 =	simm.s32 $0x80;
	s5 =	sand.u32 $0x1, s0;
	s0 =	stileid.u32  }
0x4: {  	[smem:$0x7FF] =	sst s3;
	s1 =	sshll.u32 s5, $0x4;
	s7 =	smul.u32 $0x28000, s5  }
0x5: {  	s8 =	smul.u32 $0x50000, s0;
	s5 =	ssub.s32 $0x2, s5;
	s31 =	sshll.u32 s0, $0x6  }
0x6: {  	s18 =	smul.u32 $0x2800, s0;
	s1 =	sor.u32 s0, s1;
	s30 =	sshrl.u32 s5, $0x1  }
0x7: {  	s4 =	smul.u32 $0x500, s1;
	s1 =	rddreg [dreg:$0x2];
	_ =	strace $0x80000047  }
0x8: {  	s7 =	sadd.s32 s7, s6;
	s29 =	sshrl.u32 s8, $0x2;
	s8 =	ssub.s32 s5, s30  }
0x9: {  	s5 =	sor.u32 $0x1C01, s31;
	s10 =	sadd.s32 s29, s2;
	s17 =	sadd.s32 $0x1A200, s7  }
0xa: {  	s7 =	smax.u32 s8, $0x1;
	s9 =	sadd.s32 s4, s6;
	s4 =	sadd.s32 $0x19A00, s6  }
0xb: {  	s11 =	sadd.s32 $0x4000, s10;
	s12 =	sadd.s32 $0x8000, s10;
	s13 =	sadd.s32 $0xC000, s10  }
0xc: {  	s14 =	sadd.s32 $0x10000, s10;
	s8 =	sshrl.u32 s10, $0x3;
	s17 =	sadd.s32 s18, s17  }
0xd: {  	s18 =	simm.s32 $0x0;
	s6 =	sadd.s32 $0xFA00, s9;
	s9 =	simm.s32 $0x1  }
0xe: {  	s10 =	sshrl.u32 s11, $0x3;
	s11 =	sshrl.u32 s12, $0x3;
	s12 =	sshrl.u32 s13, $0x3  }
0xf: {  	s13 =	sshrl.u32 s14, $0x3;
	s14 =	simm.s32 $0x1400;
	s16 =	sadd.s32 $0x280, s6  }
.LBB2_1:
0x10: {  	[spmem:s8], [sflag:s5] =	dma.local [hbm:s4], $0x800  }
0x11: {  	_ =	swait.ge [sflag:s9], $0x800  }
0x12: {  	[sflag:s9] =	ssyncset.done $0x0  }
0x13: {  	[sflag:s9] =	ssyncadd.s32 $0xFFFFF800  }
0x14: {  	[spmem:s10], [sflag:s5] =	dma.local [hbm:s4], $0x800  }
0x15: {  	_ =	swait.ge [sflag:s9], $0x800  }
0x16: {  	[sflag:s9] =	ssyncset.done $0x0  }
0x17: {  	[sflag:s9] =	ssyncadd.s32 $0xFFFFF800  }
0x18: {  	[spmem:s11], [sflag:s5] =	dma.local [hbm:s4], $0x800  }
0x19: {  	_ =	swait.ge [sflag:s9], $0x800  }
0x1a: {  	[sflag:s9] =	ssyncset.done $0x0  }
0x1b: {  	[sflag:s9] =	ssyncadd.s32 $0xFFFFF800  }
0x1c: {  	[spmem:s12], [sflag:s5] =	dma.local [hbm:s4], $0x800  }
0x1d: {  	_ =	swait.ge [sflag:s9], $0x800  }
0x1e: {  	[sflag:s9] =	ssyncset.done $0x0  }
0x1f: {  	[sflag:s9] =	ssyncadd.s32 $0xFFFFF800  }
0x20: {  	[spmem:s13], [sflag:s5] =	dma.local [hbm:s4], $0x800  }
0x21: {  	_ =	swait.ge [sflag:s9], $0x800  }
0x22: {  	[sflag:s9] =	ssyncset.done $0x0  }
0x23: {  	[sflag:s9] =	ssyncadd.s32 $0xFFFFF800  }
0x24: {  	[tilespmem:s14], [sflag:$0x1] =	stream.linear.gather [hbm4b:s4+s3], $0x4000, $0x38;
	[tilespmem:$0x19400] =	vst v63  }
0x25: {  	_ =	swait.ge [sflag:s9], $0x4000  }
0x26: {  	[sflag:s9] =	ssyncset.done $0x0  }
0x27: {  	[sflag:s9] =	ssyncadd.s32 $0xFFFFC000  }
0x28: {  	[bflag:$0x0] =	sbarrier.arrive $0xFFFF  }
0x29: {  	[tilespmem:s3], [sflag:$0x1] =	stream.linear.gather [hbm4b:s6+s3], $0x1400, $0x38;
	[tilespmem:$0x19400] =	vst v63  }
0x2a: {  	_ =	swait.ge [sflag:s9], $0x1400  }
0x2b: {  	[sflag:s9] =	ssyncset.done $0x0  }
0x2c: {  	s19 =	simm.s32 $0x0;
	[sflag:s9] =	ssyncadd.s32 $0xFFFFEC00  }
0x2d: {  	[spmem:s2] =	stream.indirect.scatter.add.f32 [tilespmem:s14], [sflag:$0x1], $0x80, s19, s15, $0xb8;
	[tilespmem:$0x19400] =	vst v63  }
0x2e: {  	_ =	swait.ge [sflag:s9], $0x4000  }
0x2f: {  	s19 =	simm.s32 $0x200;
	[sflag:s9] =	ssyncset.done $0x0  }
.LBB2_2:
0x30: {  	s20 =	sshra.s32 s19, $0x2;
	[sflag:s9] =	ssyncadd.s32 $0xFFFFC000;
	p0 =	sne.s32 s19, $0x4E00  }
0x31: {  	[spmem:s2] =	stream.indirect.scatter.add.f32 [tilespmem:s14], [sflag:$0x1], $0x80, s20, s15, $0xb8;
	[tilespmem:$0x19400] =	vst v63  }
.Ltmp0:
0x32: {  	_ = 	snop;
	(pc) =	sbr.rel @p0 .LBB2_2-.Ltmp0, $4  }
0x33: {  	_ = 	snop  }
0x34: {  	s19 =	sadd.s32 $0x200, s19  }
0x35: {  	_ =	swait.ge [sflag:s9], $0x4000  }
0x36: {  	[sflag:s9] =	ssyncset.done $0x0  }
0x37: {  	[sflag:s9] =	ssyncadd.s32 $0xFFFFC000;
	s19 =	simm.s32 $0x0  }
0x38: {  	[tilespmem:s19], [sflag:$0x1] =	stream.linear.gather [hbm4b:s16+s19], $0x1400, $0x38;
	[tilespmem:$0x19400] =	vst v63  }
0x39: {  	_ =	swait.ge [sflag:s9], $0x1400  }
0x3a: {  	[sflag:s9] =	ssyncset.done $0x0  }
0x3b: {  	s31 =	simm.s32 $0x0;
	[sflag:s9] =	ssyncadd.s32 $0xFFFFEC00  }
0x3c: {  	[spmem:s2] =	stream.indirect.scatter.add.f32 [tilespmem:s14], [sflag:$0x1], $0x80, s31, s15, $0xb8;
	[tilespmem:$0x19400] =	vst v63  }
0x3d: {  	_ =	swait.ge [sflag:s9], $0x4000  }
0x3e: {  	s19 =	simm.s32 $0x200;
	[sflag:s9] =	ssyncset.done $0x0  }
.LBB2_4:
0x3f: {  	s20 =	sshra.s32 s19, $0x2;
	[sflag:s9] =	ssyncadd.s32 $0xFFFFC000;
	p0 =	sne.s32 s19, $0x4E00  }
0x40: {  	[spmem:s2] =	stream.indirect.scatter.add.f32 [tilespmem:s14], [sflag:$0x1], $0x80, s20, s15, $0xb8;
	[tilespmem:$0x19400] =	vst v63  }
.Ltmp1:
0x41: {  	_ = 	snop;
	(pc) =	sbr.rel @p0 .LBB2_4-.Ltmp1, $4  }
0x42: {  	_ = 	snop  }
0x43: {  	s19 =	sadd.s32 $0x200, s19  }
0x44: {  	_ =	swait.ge [sflag:s9], $0x4000  }
0x45: {  	[sflag:s9] =	ssyncset.done $0x0  }
0x46: {  	s18 =	sadd.s32 $0x1, s18  }
0x47: {  	[sflag:s9] =	ssyncadd.s32 $0xFFFFC000;
	p0 =	sne.s32 s18, s7  }
.Ltmp2:
0x48: {  	[bflag:$0x0] =	sbarrier.arrive $0xFFFF;
	(pc) =	sbr.rel @p0 .LBB2_1-.Ltmp2, $4  }
0x49: {  	[hbm:s17], [sflag:s5] =	dma.local [spmem:s8], $0x2800  }
0x4a: {  	_ =	swait.ge [sflag:s9], $0x2800  }
0x4b: {  	[sflag:s9] =	ssyncset.done $0x0  }
0x4c: {  	[sflag:s9] =	ssyncadd.s32 $0xFFFFD800  }
0x4d: {  	_ =	sfence.sel $0x180000  }
0x4e: {  	[bflag:$0x0] =	sbarrier.arrive $0xFFFF  }
0x4f: {  	p0 =	sne.s32 s0, $0x0;
	_ =	strace $0x90000047  }
0x50: {  	s0 =	sadd.s32 @!p0 $0x100000, s1;
	[bflag:$0x2] =	sbarrier.arrive $0xFFFF  }
0x51: {  	[sflag:s0] =	ssyncadd.tile.s32 @!p0 $0x1;
	_ =	shalt  }
.Lfunc_end2:
_tile_overlayer_lowered:
.L_overlay_start_2:
0x52: {  	(tag) =	ssettag $0x2  }
0x53: {  	s0 =	rddreg [dreg:$0x0];
	s2 =	stileid.u32  }
0x54: {  	s1 =	rddreg [dreg:$0x1];
	p0 =	sne.s32 s2, $0x0  }
0x55: {  	s3 =	rddreg [dreg:$0x2];
	[bflag:$0x3] =	sbarrier.arrive $0xFFFF;
	s2 =	simm.s32 @!p0 $0x1C01  }
0x56: {  	[timem:s3], [sflag:s2] =	dma.local @!p0 [hbm:s0], s1  }
0x57: {  	s0 =	simm.s32 @!p0 $0x1  }
0x58: {  	_ =	swait.ge @!p0 [sflag:s0], s1  }
0x59: {  	s1 =	ssub.s32 @!p0 $0x0, s1;
	[sflag:s0] =	ssyncset.done @!p0 $0x0  }
0x5a: {  	[sflag:s0] =	ssyncadd.s32 @!p0 s1  }
0x5b: {  	[bflag:$0x3] =	sbarrier.arrive $0xFFFF  }
0x5c: {  	_ =	shalt  }

// kernel: kernel.14.cloned.1.call-start
scs
__scs_entry_jumppad:
0x0: {  	(pc) =	sbr.rel $0x88, $3  }
0x1: {  	(tag) =	ssettag $0x0;
	lr =	simm.s32 $0x1  }
0x2: {  	[smem:$0x3F94] =	sst lr;
	_ =	strace $0xD0000000  }
0x3: {  	_ = 	snop  }
0x4: {  	_ = 	snop  }
0x5: {  	_ = 	snop  }
0x6: {  	_ = 	snop  }
0x7: {  	_ = 	snop  }
__scs_overlays_trampoline_lowered:
0x8: {  	[smem:$0x3FA3] =	sst s0  }
0x9: {  	[smem:$0x3FA4] =	sst s1  }
0xa: {  	[smem:$0x3FA5] =	sst s2  }
0xb: {  	[smem:$0x3FA6] =	sst s3  }
0xc: {  	[smem:$0x3FA7] =	sst s4  }
0xd: {  	[smem:$0x3FA8] =	sst s5  }
0xe: {  	[smem:$0x3FA9] =	sst s6  }
0xf: {  	[smem:$0x3FAA] =	sst s7  }
0x10: {  	[smem:$0x3FAB] =	sst s8  }
0x11: {  	[smem:$0x3FAC] =	sst s9;
	s0 =	simm.s32 @!p0 $0x0  }
0x12: {  	s1 =	sld [smem:$0x3F92];
	s0 =	simm.s32 @p0 $0x1  }
0x13: {  	[smem:$0x3FAD] =	sst s0;
	s0 =	simm.s32 @!p1 $0x0  }
0x14: {  	s2 =	sld [smem:$0x3F91];
	s0 =	simm.s32 @p1 $0x1  }
0x15: {  	[smem:$0x3FAE] =	sst s0;
	s0 =	simm.s32 @!p2 $0x0  }
0x16: {  	s3 =	sld [smem:$0x3FDB];
	s0 =	simm.s32 @p2 $0x1  }
0x17: {  	s4 =	simm.s32 $0x1BF5;
	[smem:$0x3FB0] =	sst s0  }
0x18: {  	s0 =	sld [smem:$0x3F93];
	_ =	swait.ge [sflag:s4], $0x0  }
0x19: {  	s7 =	sld [smem:$0x3F94]  }
0x1a: {  	s8 =	sadd.s32 $0xFFFFE003, lr  }
0x1b: {  	s9 =	sadd.s32 $0xFFFFFEF7, lr;
	s5 =	simm.s32 $0xFFFFFFFF;
	p2 =	slt.u32 s8, $0xFFFFF086  }
0x1c: {  	p1 =	slt.u32 s9, $0xF7A;
	s5 =	simm.s32 @!p2 $0x0  }
0x1d: {  	s5 =	simm.s32 @p1 $0x1;
	p0 =	seq.s32 s7, s2  }
0x1e: {  	s7 =	smul.u32 @!p0 $0xF7A, s2;
	p2 =	seq.s32 @!p0 s5, $0x0  }
0x1f: {  	s9 =	smul.u32 $0xF7A, s1;
	s8 =	simm.s32 @!p0 $0x1BF5;
	p2 =	por !p2, p0  }
0x20: {  	[sflag:s8] =	ssyncset.s32 @!p0 $0xFFFFF086;
	s6 =	sadd.s32 @!p0 s3, s7;
	s7 =	simm.s32 @!p0 $0x108  }
0x21: {  	s3 =	sadd.s32 s3, s9;
	s6 =	sadd.s32 @!p0 $0x88, s6;
	s7 =	simm.s32 @p2 $0x1082  }
0x22: {  	[simem:s7], [sflag:s8] =	dma.local @!p0 [hbm:s6], $0xF7A  }
0x23: {  	s9 =	sor.u32 $0xD0000000, s2;
	s6 =	simm.s32 $0x108;
	_ =	swait.ge @!p0 [sflag:s8], $0x0  }
0x24: {  	s3 =	sadd.s32 $0x88, s3;
	s6 =	simm.s32 @!p1 $0x1082;
	[sflag:s4] =	ssyncset.s32 $0xFFFFF086  }
0x25: {  	[simem:s6], [sflag:s4] =	dma.local [hbm:s3], $0xF7A  }
0x26: {  	[smem:$0x3F94] =	sst s1;
	(tag) =	ssettag s2;
	_ =	strace s9  }
0x27: {  	s1 =	sld [smem:$0x3FA4]  }
0x28: {  	s2 =	sld [smem:$0x3FA5]  }
0x29: {  	s4 =	sld [smem:$0x3FA7]  }
0x2a: {  	p0 =	seq.s32 s5, $0x0;
	s5 =	sld [smem:$0x3FA8]  }
0x2b: {  	s6 =	sld [smem:$0x3FA9]  }
0x2c: {  	s7 =	sld [smem:$0x3FAA]  }
0x2d: {  	s3 =	simm.s32 $0x108;
	s8 =	sld [smem:$0x3FAB]  }
0x2e: {  	s3 =	simm.s32 @!p0 $0x1082;
	s9 =	sld [smem:$0x3FAC]  }
0x2f: {  	lr =	sadd.s32 s0, s3;
	s0 =	sld [smem:$0x3FA3]  }
0x30: {  	s3 =	sld [smem:$0x3FA6]  }
0x31: {  	[smem:$0x3FAF] =	sst s10  }
0x32: {  	s10 =	sld [smem:$0x3FAD];
	_ =	sdelay $0x3  }
0x33: {  	p0 =	seq.s32 s10, $0x1;
	s10 =	sld [smem:$0x3FAF];
	_ =	sdelay $0x3  }
0x34: {  	[smem:$0x3FAF] =	sst s10  }
0x35: {  	s10 =	sld [smem:$0x3FAE];
	_ =	sdelay $0x3  }
0x36: {  	p1 =	seq.s32 s10, $0x1;
	s10 =	sld [smem:$0x3FAF];
	_ =	sdelay $0x3  }
0x37: {  	[smem:$0x3FAF] =	sst s10  }
0x38: {  	s10 =	sld [smem:$0x3FB0]  }
0x39: {  	_ = 	snop;
	(pc) =	sbr.ind lr, $3  }
0x3a: {  	_ = 	snop  }
0x3b: {  	_ = 	snop  }
0x3c: {  	p2 =	seq.s32 s10, $0x1;
	s10 =	sld [smem:$0x3FAF]  }
0x3d: {  	_ =	shalt  }
0x3e: {  	_ =	shalt  }
0x3f: {  	_ =	shalt  }
0x40: {  	_ =	shalt  }
0x41: {  	_ =	shalt  }
0x42: {  	_ =	shalt  }
0x43: {  	_ =	shalt  }
0x44: {  	_ =	shalt  }
0x45: {  	_ =	shalt  }
0x46: {  	_ =	shalt  }
0x47: {  	_ =	shalt  }
0x48: {  	_ =	shalt  }
0x49: {  	_ =	shalt  }
0x4a: {  	_ =	shalt  }
0x4b: {  	_ =	shalt  }
0x4c: {  	_ =	shalt  }
0x4d: {  	_ =	shalt  }
0x4e: {  	_ =	shalt  }
0x4f: {  	_ =	shalt  }
0x50: {  	_ =	shalt  }
0x51: {  	_ =	shalt  }
0x52: {  	_ =	shalt  }
0x53: {  	_ =	shalt  }
0x54: {  	_ =	shalt  }
0x55: {  	_ =	shalt  }
0x56: {  	_ =	shalt  }
0x57: {  	_ =	shalt  }
0x58: {  	_ =	shalt  }
0x59: {  	_ =	shalt  }
0x5a: {  	_ =	shalt  }
0x5b: {  	_ =	shalt  }
0x5c: {  	_ =	shalt  }
0x5d: {  	_ =	shalt  }
0x5e: {  	_ =	shalt  }
0x5f: {  	_ =	shalt  }
0x60: {  	_ =	shalt  }
0x61: {  	_ =	shalt  }
0x62: {  	_ =	shalt  }
0x63: {  	_ =	shalt  }
0x64: {  	_ =	shalt  }
0x65: {  	_ =	shalt  }
0x66: {  	_ =	shalt  }
0x67: {  	_ =	shalt  }
0x68: {  	_ =	shalt  }
0x69: {  	_ =	shalt  }
0x6a: {  	_ =	shalt  }
0x6b: {  	_ =	shalt  }
0x6c: {  	_ =	shalt  }
0x6d: {  	_ =	shalt  }
0x6e: {  	_ =	shalt  }
0x6f: {  	_ =	shalt  }
0x70: {  	_ =	shalt  }
0x71: {  	_ =	shalt  }
0x72: {  	_ =	shalt  }
0x73: {  	_ =	shalt  }
0x74: {  	_ =	shalt  }
0x75: {  	_ =	shalt  }
0x76: {  	_ =	shalt  }
0x77: {  	_ =	shalt  }
0x78: {  	_ =	shalt  }
0x79: {  	_ =	shalt  }
0x7a: {  	_ =	shalt  }
0x7b: {  	_ =	shalt  }
0x7c: {  	_ =	shalt  }
0x7d: {  	_ =	shalt  }
0x7e: {  	_ =	shalt  }
0x7f: {  	_ =	shalt  }
0x80: {  	_ =	shalt  }
0x81: {  	_ =	shalt  }
0x82: {  	_ =	shalt  }
0x83: {  	_ =	shalt  }
0x84: {  	_ =	shalt  }
0x85: {  	_ =	shalt  }
0x86: {  	_ =	shalt  }
0x87: {  	_ =	shalt  }
.Lfunc_end0:
.L_simem_size_0:
called_computation.1_lowered:
.L_overlay_start_0:
0x88: {  	s2 =	sld [smem:$0x3FD9]  }
0x89: {  	s3 =	sld [smem:$0x3FFE];
	_ =	sdelay $0x1  }
0x8a: {  	s1 =	srdreg.scid  }
0x8b: {  	s0 =	sand.u32 $0x1, s1  }
0x8c: {  	s16 =	sshll.u32 s0, $0xA;
	s2 =	sadd.s32 s3, s2  }
0x8d: {  	s2 =	sadd.s32 s2, s16  }
0x8e: {  	[smem:$0x3FBB] =	sst s2  }
0x8f: {  	_ = 	snop  }
0x90: {  	(tm) =	ssettm $0x1  }
0x91: {  	s17 =	sld [smem:$0x3FFB];
	_ =	sdelay $0x3  }
0x92: {  	_ =	strace s17  }
0x93: {  	s2 =	sld [smem:$0x3FFC];
	_ =	sdelay $0x3  }
0x94: {  	_ =	strace s2  }
0x95: {  	s2 =	sld [smem:$0x3FFD];
	_ =	sdelay $0x3  }
0x96: {  	_ =	strace s2  }
0x97: {  	_ =	strace $0x8FFFFFFF  }
0x98: {  	s18 =	sld [smem:$0x3FDB];
	_ =	sdelay $0x1  }
0x99: {  	s19 =	simm.s32 $_scs_section_size  }
0x9a: {  	s4 =	simm.s32 $_size__tile_overlayer_lowered;
	s5 =	simm.s32 $_tile_overlayer_lowered  }
0x9b: {  	s22 =	simm.s32 $0x1BFF;
	s21 =	sshll.u32 s5, $0x1;
	s2 =	sadd.s32 s19, s18  }
0x9c: {  	s6 =	simm.s32 $0x0;
	s20 =	sshll.u32 s4, $0x1;
	s4 =	sadd.s32 s21, s2  }
0x9d: {  	[timem:s6], [sflag:s22] =	dma.local [hbm:s4], s20  }
0x9e: {  	_ =	swait.ge [sflag:s22], s20  }
0x9f: {  	s3 =	ssub.s32 $0x0, s20;
	[sflag:s22] =	ssyncset.done $0x0  }
0xa0: {  	[sflag:s22] =	ssyncadd.s32 s3;
	_ =	sdelay $0x1  }
0xa1: {  	s23 =	simm.s32 $0x1B8B  }
0xa2: {  	_ =	swait.ge [sflag:s23], $0x1  }
0xa3: {  	[sflag:s23] =	ssyncset.done $0x0  }
0xa4: {  	s25 =	simm.s32 $0x1B8E;
	s24 =	sld [smem:$0x3FFE];
	[sflag:s23] =	ssyncadd.s32 $0xFFFFFFFF  }
0xa5: {  	s26 =	simm.s32 $execute0_lowered;
	[smem:$0x3FD2] =	sst s25  }
0xa6: {  	s4 =	sshll.u32 s26, $0x1;
	_ =	strace $0x80000049;
	[dreg:$0x1] =	wrdreg $0xFFFFFFFF  }
0xa7: {  	s28 =	simm.s32 $_size_execute0_lowered;
	s2 =	sadd.s32 s2, s4;
	[dreg:$0x0] =	wrdreg $0x0  }
0xa8: {  	s4 =	sshll.u32 s28, $0x1;
	[dreg:$0x2] =	wrdreg s2  }
0xa9: {  	[dreg:$0x3] =	wrdreg s4  }
0xaa: {  	[dreg:$0x4] =	wrdreg $0xC0  }
0xab: {  	_ =	task [dreg:s6], $0x5FFFF  }
0xac: {  	[dreg:$0x1] =	wrdreg $0xFFFFFFFF  }
0xad: {  	[dreg:$0x0] =	wrdreg $0x60  }
0xae: {  	[dreg:$0x2] =	wrdreg s24  }
0xaf: {  	[dreg:$0x3] =	wrdreg $0xA8000  }
0xb0: {  	[dreg:$0x4] =	wrdreg $0x9  }
0xb1: {  	_ =	task.clear_ibuf [dreg:s6], $0x5FFFF;
	_ =	strace $0x90000049  }
0xb2: {  	s29 =	simm.s32 $0x9;
	_ =	strace $0x8000004B  }
0xb3: {  	_ =	swait.ge [sflag:s29], $0x1  }
0xb4: {  	[sflag:s29] =	ssyncadd.s32 $0xFFFFFFFF  }
0xb5: {  	_ =	strace $0x9000004B  }
0xb6: {  	_ =	sfence  }
0xb7: {  	s30 =	sld [smem:$0x0];
	_ =	sdelay $0x2  }
0xb8: {  	s31 =	sshll.u32 s1, $0xD;
	s1 =	sshrl.u32 s1, $0x2  }
0xb9: {  	s3 =	sand.u32 $0x4000, s31;
	s1 =	sadd.s32 s1, s30  }
0xba: {  	s0 =	sor.u32 s3, s0;
	s1 =	sshll.u32 s1, $0x11  }
0xbb: {  	s0 =	sor.u32 s1, s0  }
0xbc: {  	s0 =	sadd.s32 $0x8F2B, s0  }
0xbd: {  	[sflag:s0] =	ssyncadd.remote.s32 $0x1  }
0xbe: {  	_ =	sfence.sel $0xFFFF  }
0xbf: {  	[dreg:$0x0] =	wrdreg $0xFFFFFFFF;
	(pc) =	sbr.abs _section_cstart, $3  }
0xc0: {  	[dreg:$0x1] =	wrdreg $0xFFFFFFFF  }
0xc1: {  	_ =	task.clear_ibuf [dreg:s6], $0x2FFFF;
	_ =	strace $0x9FFFFFFF  }
0xc2: {  	(tm) =	ssettm $0x7FFFFFFF  }
0xc3: {  	_ =	shalt  }
tec
execute0_lowered:
.L_overlay_start_1:
0x0: {  	(tag) =	ssettag $0x1  }
0x1: {  	s0 =	srdreg.scid;
	s7 =	rddreg [dreg:$0x0]  }
0x2: {  	s2 =	rddreg [dreg:$0x1];
	s3 =	simm.s32 $0x0;
	s17 =	simm.s32 $0x80  }
0x3: {  	s18 =	simm.s32 $0x2800;
	s19 =	simm.s32 $0x6800;
	s20 =	simm.s32 $0x1  }
0x4: {  	s21 =	simm.s32 $0x2;
	s22 =	simm.s32 $0x2700;
	s23 =	simm.s32 $0x2780  }
0x5: {  	s6 =	sand.u32 $0x1, s0;
	s0 =	stileid.u32;
	[smem:$0x7FF] =	sst s3  }
0x6: {  	s5 =	sadd.s32 $0x67E00, s7;
	s1 =	sshll.u32 s6, $0x4;
	s8 =	smul.u32 $0x28000, s6  }
0x7: {  	s9 =	smul.u32 $0x50000, s0;
	s6 =	ssub.s32 $0x2, s6;
	s30 =	sshll.u32 s0, $0x6  }
0x8: {  	s25 =	smul.u32 $0x2800, s0;
	s4 =	sor.u32 s0, s1;
	s1 =	rddreg [dreg:$0x2]  }
0x9: {  	_ =	strace $0x8000004A;
	s29 =	sshrl.u32 s6, $0x1;
	s4 =	smul.u32 $0x500, s4  }
0xa: {  	s11 =	sadd.s32 s8, s7;
	s28 =	sshrl.u32 s9, $0x2;
	s31 =	ssub.s32 s6, s29  }
0xb: {  	s6 =	sor.u32 $0x1C03, s30;
	s12 =	sadd.s32 s28, s2;
	s24 =	sadd.s32 $0x68600, s11  }
0xc: {  	s9 =	smax.u32 s31, $0x1;
	s11 =	simm.s32 $0x3;
	s10 =	sadd.s32 s4, s7  }
0xd: {  	s4 =	sadd.s32 $0x19A00, s7;
	s13 =	sadd.s32 $0x4000, s12;
	s14 =	sadd.s32 $0x8000, s12  }
0xe: {  	s15 =	sadd.s32 $0xC000, s12;
	s16 =	sadd.s32 $0x10000, s12;
	s24 =	sadd.s32 s25, s24  }
0xf: {  	s25 =	simm.s32 $0x0;
	s7 =	sadd.s32 $0x5A00, s10;
	s8 =	sadd.s32 $0xFA00, s10  }
0x10: {  	s10 =	sshrl.u32 s12, $0x3;
	s12 =	sshrl.u32 s13, $0x3;
	s13 =	sshrl.u32 s14, $0x3  }
0x11: {  	s14 =	sshrl.u32 s15, $0x3;
	s15 =	sshrl.u32 s16, $0x3;
	s16 =	simm.s32 $0x1400  }
.LBB2_1:
0x12: {  	[spmem:s10], [sflag:s6] =	dma.local [hbm:s5], $0x800  }
0x13: {  	_ =	swait.ge [sflag:s11], $0x800  }
0x14: {  	[sflag:s11] =	ssyncset.done $0x0  }
0x15: {  	[sflag:s11] =	ssyncadd.s32 $0xFFFFF800  }
0x16: {  	[spmem:s12], [sflag:s6] =	dma.local [hbm:s5], $0x800  }
0x17: {  	_ =	swait.ge [sflag:s11], $0x800  }
0x18: {  	[sflag:s11] =	ssyncset.done $0x0  }
0x19: {  	[sflag:s11] =	ssyncadd.s32 $0xFFFFF800  }
0x1a: {  	[spmem:s13], [sflag:s6] =	dma.local [hbm:s5], $0x800  }
0x1b: {  	_ =	swait.ge [sflag:s11], $0x800  }
0x1c: {  	[sflag:s11] =	ssyncset.done $0x0  }
0x1d: {  	[sflag:s11] =	ssyncadd.s32 $0xFFFFF800  }
0x1e: {  	[spmem:s14], [sflag:s6] =	dma.local [hbm:s5], $0x800  }
0x1f: {  	_ =	swait.ge [sflag:s11], $0x800  }
0x20: {  	[sflag:s11] =	ssyncset.done $0x0  }
0x21: {  	[sflag:s11] =	ssyncadd.s32 $0xFFFFF800  }
0x22: {  	[spmem:s15], [sflag:s6] =	dma.local [hbm:s5], $0x800  }
0x23: {  	_ =	swait.ge [sflag:s11], $0x800  }
0x24: {  	[sflag:s11] =	ssyncset.done $0x0  }
0x25: {  	[sflag:s11] =	ssyncadd.s32 $0xFFFFF800  }
0x26: {  	[bflag:$0x0] =	sbarrier.arrive $0xFFFF  }
0x27: {  	[tilespmem:s3], [sflag:$0x3] =	stream.linear.gather [hbm4b:s7+s3], $0x1400, $0x38;
	[tilespmem:$0x1E800] =	vst v63  }
0x28: {  	_ =	swait.ge [sflag:s11], $0x1400  }
0x29: {  	[sflag:s11] =	ssyncset.done $0x0  }
0x2a: {  	[sflag:s11] =	ssyncadd.s32 $0xFFFFEC00  }
0x2b: {  	[tilespmem:s16], [sflag:$0x3] =	stream.linear.gather [hbm4b:s8+s3], $0x1400, $0x38;
	[tilespmem:$0x1E800] =	vst v63  }
0x2c: {  	_ =	swait.ge [sflag:s11], $0x1400  }
0x2d: {  	[sflag:s11] =	ssyncset.done $0x0  }
0x2e: {  	[sflag:s11] =	ssyncadd.s32 $0xFFFFEC00  }
0x2f: {  	[tilespmem:s18], [sflag:$0x1] =	stream.indirect.gather [hbm4b:s4+s17], $0x80, s3, s17, $0xb8;
	[tilespmem:$0x1E800] =	vst v63  }
0x30: {  	_ = 	snop  }
0x31: {  	[tilespmem:s19], [sflag:$0x2] =	stream.indirect.gather [hbm4b:s4+s17], $0x80, s17, s17, $0xb8;
	[tilespmem:$0x1E800] =	vst v63  }
0x32: {  	_ =	swait.ge [sflag:s20], $0x4000  }
0x33: {  	[sflag:s20] =	ssyncset.done $0x0  }
0x34: {  	s26 =	simm.s32 $0x1400;
	[sflag:s20] =	ssyncadd.s32 $0xFFFFC000  }
0x35: {  	[spmem:s2] =	stream.indirect.scatter.add.f32 [tilespmem:s18], [sflag:$0x3], $0x80, s26, s17, $0xb8;
	[tilespmem:$0x1E800] =	vst v63  }
0x36: {  	_ =	swait.ge [sflag:s11], $0x4000  }
0x37: {  	[sflag:s11] =	ssyncset.done $0x0  }
0x38: {  	s30 =	simm.s32 $0x100;
	[sflag:s11] =	ssyncadd.s32 $0xFFFFC000  }
0x39: {  	[tilespmem:s18], [sflag:$0x1] =	stream.indirect.gather [hbm4b:s4+s17], $0x80, s30, s17, $0xb8;
	[tilespmem:$0x1E800] =	vst v63  }
0x3a: {  	_ =	swait.ge [sflag:s21], $0x4000  }
0x3b: {  	[sflag:s21] =	ssyncset.done $0x0  }
0x3c: {  	s31 =	simm.s32 $0x1480;
	[sflag:s21] =	ssyncadd.s32 $0xFFFFC000  }
0x3d: {  	[spmem:s2] =	stream.indirect.scatter.add.f32 [tilespmem:s19], [sflag:$0x3], $0x80, s31, s17, $0xb8;
	[tilespmem:$0x1E800] =	vst v63  }
0x3e: {  	_ =	swait.ge [sflag:s11], $0x4000  }
0x3f: {  	[sflag:s11] =	ssyncset.done $0x0  }
0x40: {  	s28 =	simm.s32 $0x180;
	s26 =	simm.s32 $0x400;
	[sflag:s11] =	ssyncadd.s32 $0xFFFFC000  }
.LBB2_2:
0x41: {  	[tilespmem:s19], [sflag:$0x2] =	stream.indirect.gather [hbm4b:s4+s17], $0x80, s28, s17, $0xb8;
	[tilespmem:$0x1E800] =	vst v63  }
0x42: {  	s28 =	smov.u32 s26  }
0x43: {  	p0 =	sne.s32 s26, $0x4800;
	s26 =	sadd.s32 $0x400, s26;
	_ =	swait.ge [sflag:s20], $0x4000  }
0x44: {  	s28 =	sshra.s32 s28, $0x2;
	[sflag:s20] =	ssyncset.done $0x0  }
0x45: {  	s29 =	sadd.s32 $0x1400, s28;
	[sflag:s20] =	ssyncadd.s32 $0xFFFFC000  }
0x46: {  	[spmem:s2] =	stream.indirect.scatter.add.f32 [tilespmem:s18], [sflag:$0x3], $0x80, s29, s17, $0xb8;
	[tilespmem:$0x1E800] =	vst v63  }
0x47: {  	_ =	swait.ge [sflag:s11], $0x4000  }
0x48: {  	[sflag:s11] =	ssyncset.done $0x0  }
0x49: {  	s29 =	sadd.s32 $0x100, s28;
	[sflag:s11] =	ssyncadd.s32 $0xFFFFC000  }
0x4a: {  	[tilespmem:s18], [sflag:$0x1] =	stream.indirect.gather [hbm4b:s4+s17], $0x80, s29, s17, $0xb8;
	[tilespmem:$0x1E800] =	vst v63  }
0x4b: {  	_ =	swait.ge [sflag:s21], $0x4000  }
0x4c: {  	[sflag:s21] =	ssyncset.done $0x0  }
.Ltmp0:
0x4d: {  	s29 =	sadd.s32 $0x1480, s28;
	[sflag:s21] =	ssyncadd.s32 $0xFFFFC000;
	(pc) =	sbr.rel @p0 .LBB2_2-.Ltmp0, $4  }
0x4e: {  	[spmem:s2] =	stream.indirect.scatter.add.f32 [tilespmem:s19], [sflag:$0x3], $0x80, s29, s17, $0xb8;
	[tilespmem:$0x1E800] =	vst v63  }
0x4f: {  	_ =	swait.ge [sflag:s11], $0x4000  }
0x50: {  	[sflag:s11] =	ssyncset.done $0x0  }
0x51: {  	s28 =	sadd.s32 $0x180, s28;
	[sflag:s11] =	ssyncadd.s32 $0xFFFFC000  }
0x52: {  	[tilespmem:s19], [sflag:$0x2] =	stream.indirect.gather [hbm4b:s4+s17], $0x80, s28, s17, $0xb8;
	[tilespmem:$0x1E800] =	vst v63  }
0x53: {  	_ =	swait.ge [sflag:s20], $0x4000  }
0x54: {  	[sflag:s20] =	ssyncset.done $0x0  }
0x55: {  	[sflag:s20] =	ssyncadd.s32 $0xFFFFC000  }
0x56: {  	[spmem:s2] =	stream.indirect.scatter.add.f32 [tilespmem:s18], [sflag:$0x3], $0x80, s22, s17, $0xb8;
	[tilespmem:$0x1E800] =	vst v63  }
0x57: {  	_ =	swait.ge [sflag:s11], $0x4000  }
0x58: {  	[sflag:s11] =	ssyncset.done $0x0  }
0x59: {  	[sflag:s11] =	ssyncadd.s32 $0xFFFFC000  }
0x5a: {  	_ =	swait.ge [sflag:s21], $0x4000  }
0x5b: {  	[sflag:s21] =	ssyncset.done $0x0  }
0x5c: {  	[sflag:s21] =	ssyncadd.s32 $0xFFFFC000  }
0x5d: {  	[spmem:s2] =	stream.indirect.scatter.add.f32 [tilespmem:s19], [sflag:$0x3], $0x80, s23, s17, $0xb8;
	[tilespmem:$0x1E800] =	vst v63  }
0x5e: {  	_ =	swait.ge [sflag:s11], $0x4000  }
0x5f: {  	[sflag:s11] =	ssyncset.done $0x0  }
0x60: {  	s26 =	sadd.s32 $0x280, s7;
	s28 =	simm.s32 $0x0;
	[sflag:s11] =	ssyncadd.s32 $0xFFFFC000  }
0x61: {  	[tilespmem:s28], [sflag:$0x3] =	stream.linear.gather [hbm4b:s26+s28], $0x1400, $0x38;
	[tilespmem:$0x1E800] =	vst v63  }
0x62: {  	_ =	swait.ge [sflag:s11], $0x1400  }
0x63: {  	[sflag:s11] =	ssyncset.done $0x0  }
0x64: {  	s31 =	sadd.s32 $0x280, s8;
	[sflag:s11] =	ssyncadd.s32 $0xFFFFEC00  }
0x65: {  	[tilespmem:s16], [sflag:$0x3] =	stream.linear.gather [hbm4b:s31+s28], $0x1400, $0x38;
	[tilespmem:$0x1E800] =	vst v63  }
0x66: {  	_ =	swait.ge [sflag:s11], $0x1400  }
0x67: {  	[sflag:s11] =	ssyncset.done $0x0  }
0x68: {  	[sflag:s11] =	ssyncadd.s32 $0xFFFFEC00  }
0x69: {  	[tilespmem:s18], [sflag:$0x1] =	stream.indirect.gather [hbm4b:s4+s17], $0x80, s28, s17, $0xb8;
	[tilespmem:$0x1E800] =	vst v63  }
0x6a: {  	_ = 	snop  }
0x6b: {  	[tilespmem:s19], [sflag:$0x2] =	stream.indirect.gather [hbm4b:s4+s17], $0x80, s17, s17, $0xb8;
	[tilespmem:$0x1E800] =	vst v63  }
0x6c: {  	_ =	swait.ge [sflag:s20], $0x4000  }
0x6d: {  	[sflag:s20] =	ssyncset.done $0x0  }
0x6e: {  	s29 =	simm.s32 $0x1400;
	[sflag:s20] =	ssyncadd.s32 $0xFFFFC000  }
0x6f: {  	[spmem:s2] =	stream.indirect.scatter.add.f32 [tilespmem:s18], [sflag:$0x3], $0x80, s29, s17, $0xb8;
	[tilespmem:$0x1E800] =	vst v63  }
0x70: {  	_ =	swait.ge [sflag:s11], $0x4000  }
0x71: {  	[sflag:s11] =	ssyncset.done $0x0  }
0x72: {  	s30 =	simm.s32 $0x100;
	[sflag:s11] =	ssyncadd.s32 $0xFFFFC000  }
0x73: {  	[tilespmem:s18], [sflag:$0x1] =	stream.indirect.gather [hbm4b:s4+s17], $0x80, s30, s17, $0xb8;
	[tilespmem:$0x1E800] =	vst v63  }
0x74: {  	_ =	swait.ge [sflag:s21], $0x4000  }
0x75: {  	[sflag:s21] =	ssyncset.done $0x0  }
0x76: {  	s31 =	simm.s32 $0x1480;
	[sflag:s21] =	ssyncadd.s32 $0xFFFFC000  }
0x77: {  	[spmem:s2] =	stream.indirect.scatter.add.f32 [tilespmem:s19], [sflag:$0x3], $0x80, s31, s17, $0xb8;
	[tilespmem:$0x1E800] =	vst v63  }
0x78: {  	_ =	swait.ge [sflag:s11], $0x4000  }
0x79: {  	[sflag:s11] =	ssyncset.done $0x0  }
0x7a: {  	s26 =	simm.s32 $0x400;
	s28 =	simm.s32 $0x180;
	[sflag:s11] =	ssyncadd.s32 $0xFFFFC000  }
.LBB2_4:
0x7b: {  	[tilespmem:s19], [sflag:$0x2] =	stream.indirect.gather [hbm4b:s4+s17], $0x80, s28, s17, $0xb8;
	[tilespmem:$0x1E800] =	vst v63  }
0x7c: {  	s28 =	smov.u32 s26  }
0x7d: {  	p0 =	sne.s32 s26, $0x4800;
	s26 =	sadd.s32 $0x400, s26;
	_ =	swait.ge [sflag:s20], $0x4000  }
0x7e: {  	s28 =	sshra.s32 s28, $0x2;
	[sflag:s20] =	ssyncset.done $0x0  }
0x7f: {  	s29 =	sadd.s32 $0x1400, s28;
	[sflag:s20] =	ssyncadd.s32 $0xFFFFC000  }
0x80: {  	[spmem:s2] =	stream.indirect.scatter.add.f32 [tilespmem:s18], [sflag:$0x3], $0x80, s29, s17, $0xb8;
	[tilespmem:$0x1E800] =	vst v63  }
0x81: {  	_ =	swait.ge [sflag:s11], $0x4000  }
0x82: {  	[sflag:s11] =	ssyncset.done $0x0  }
0x83: {  	s29 =	sadd.s32 $0x100, s28;
	[sflag:s11] =	ssyncadd.s32 $0xFFFFC000  }
0x84: {  	[tilespmem:s18], [sflag:$0x1] =	stream.indirect.gather [hbm4b:s4+s17], $0x80, s29, s17, $0xb8;
	[tilespmem:$0x1E800] =	vst v63  }
0x85: {  	_ =	swait.ge [sflag:s21], $0x4000  }
0x86: {  	[sflag:s21] =	ssyncset.done $0x0  }
.Ltmp1:
0x87: {  	s29 =	sadd.s32 $0x1480, s28;
	[sflag:s21] =	ssyncadd.s32 $0xFFFFC000;
	(pc) =	sbr.rel @p0 .LBB2_4-.Ltmp1, $4  }
0x88: {  	[spmem:s2] =	stream.indirect.scatter.add.f32 [tilespmem:s19], [sflag:$0x3], $0x80, s29, s17, $0xb8;
	[tilespmem:$0x1E800] =	vst v63  }
0x89: {  	_ =	swait.ge [sflag:s11], $0x4000  }
0x8a: {  	[sflag:s11] =	ssyncset.done $0x0  }
0x8b: {  	s28 =	sadd.s32 $0x180, s28;
	[sflag:s11] =	ssyncadd.s32 $0xFFFFC000  }
0x8c: {  	[tilespmem:s19], [sflag:$0x2] =	stream.indirect.gather [hbm4b:s4+s17], $0x80, s28, s17, $0xb8;
	[tilespmem:$0x1E800] =	vst v63  }
0x8d: {  	_ =	swait.ge [sflag:s20], $0x4000  }
0x8e: {  	[sflag:s20] =	ssyncset.done $0x0  }
0x8f: {  	[sflag:s20] =	ssyncadd.s32 $0xFFFFC000  }
0x90: {  	[spmem:s2] =	stream.indirect.scatter.add.f32 [tilespmem:s18], [sflag:$0x3], $0x80, s22, s17, $0xb8;
	[tilespmem:$0x1E800] =	vst v63  }
0x91: {  	_ =	swait.ge [sflag:s11], $0x4000  }
0x92: {  	[sflag:s11] =	ssyncset.done $0x0  }
0x93: {  	[sflag:s11] =	ssyncadd.s32 $0xFFFFC000  }
0x94: {  	_ =	swait.ge [sflag:s21], $0x4000  }
0x95: {  	[sflag:s21] =	ssyncset.done $0x0  }
0x96: {  	[sflag:s21] =	ssyncadd.s32 $0xFFFFC000  }
0x97: {  	[spmem:s2] =	stream.indirect.scatter.add.f32 [tilespmem:s19], [sflag:$0x3], $0x80, s23, s17, $0xb8;
	[tilespmem:$0x1E800] =	vst v63  }
0x98: {  	_ =	swait.ge [sflag:s11], $0x4000  }
0x99: {  	s25 =	sadd.s32 $0x1, s25;
	[sflag:s11] =	ssyncset.done $0x0  }
0x9a: {  	p0 =	sne.s32 s25, s9;
	[sflag:s11] =	ssyncadd.s32 $0xFFFFC000  }
.Ltmp2:
0x9b: {  	[bflag:$0x0] =	sbarrier.arrive $0xFFFF;
	(pc) =	sbr.rel @p0 .LBB2_1-.Ltmp2, $4  }
0x9c: {  	[hbm:s24], [sflag:s6] =	dma.local [spmem:s10], $0x2800  }
0x9d: {  	_ =	swait.ge [sflag:s11], $0x2800  }
0x9e: {  	[sflag:s11] =	ssyncset.done $0x0  }
0x9f: {  	[sflag:s11] =	ssyncadd.s32 $0xFFFFD800  }
0xa0: {  	_ =	sfence.sel $0x180000  }
0xa1: {  	[bflag:$0x0] =	sbarrier.arrive $0xFFFF  }
0xa2: {  	p0 =	sne.s32 s0, $0x0;
	_ =	strace $0x9000004A  }
0xa3: {  	s0 =	sadd.s32 @!p0 $0x100000, s1;
	[bflag:$0x2] =	sbarrier.arrive $0xFFFF  }
0xa4: {  	[sflag:s0] =	ssyncadd.tile.s32 @!p0 $0x1;
	_ =	shalt  }
.Lfunc_end2:
_tile_overlayer_lowered:
.L_overlay_start_2:
0xa5: {  	(tag) =	ssettag $0x2  }
0xa6: {  	s0 =	rddreg [dreg:$0x0];
	s2 =	stileid.u32  }
0xa7: {  	s1 =	rddreg [dreg:$0x1];
	p0 =	sne.s32 s2, $0x0  }
0xa8: {  	s3 =	rddreg [dreg:$0x2];
	[bflag:$0x3] =	sbarrier.arrive $0xFFFF;
	s2 =	simm.s32 @!p0 $0x1C03  }
0xa9: {  	[timem:s3], [sflag:s2] =	dma.local @!p0 [hbm:s0], s1  }
0xaa: {  	s0 =	simm.s32 @!p0 $0x3  }
0xab: {  	_ =	swait.ge @!p0 [sflag:s0], s1  }
0xac: {  	s1 =	ssub.s32 @!p0 $0x0, s1;
	[sflag:s0] =	ssyncset.done @!p0 $0x0  }
0xad: {  	[sflag:s0] =	ssyncadd.s32 @!p0 s1  }
0xae: {  	[bflag:$0x3] =	sbarrier.arrive $0xFFFF  }
0xaf: {  	_ =	shalt  }

// kernel: kernel.17.cloned.1.call-start
scs
__scs_entry_jumppad:
0x0: {  	(pc) =	sbr.rel $0x88, $3  }
0x1: {  	(tag) =	ssettag $0x0;
	lr =	simm.s32 $0x1  }
0x2: {  	[smem:$0x3F94] =	sst lr;
	_ =	strace $0xD0000000  }
0x3: {  	_ = 	snop  }
0x4: {  	_ = 	snop  }
0x5: {  	_ = 	snop  }
0x6: {  	_ = 	snop  }
0x7: {  	_ = 	snop  }
__scs_overlays_trampoline_lowered:
0x8: {  	[smem:$0x3FA3] =	sst s0  }
0x9: {  	[smem:$0x3FA4] =	sst s1  }
0xa: {  	[smem:$0x3FA5] =	sst s2  }
0xb: {  	[smem:$0x3FA6] =	sst s3  }
0xc: {  	[smem:$0x3FA7] =	sst s4  }
0xd: {  	[smem:$0x3FA8] =	sst s5  }
0xe: {  	[smem:$0x3FA9] =	sst s6  }
0xf: {  	[smem:$0x3FAA] =	sst s7  }
0x10: {  	[smem:$0x3FAB] =	sst s8  }
0x11: {  	[smem:$0x3FAC] =	sst s9;
	s0 =	simm.s32 @!p0 $0x0  }
0x12: {  	s1 =	sld [smem:$0x3F92];
	s0 =	simm.s32 @p0 $0x1  }
0x13: {  	[smem:$0x3FAD] =	sst s0;
	s0 =	simm.s32 @!p1 $0x0  }
0x14: {  	s2 =	sld [smem:$0x3F91];
	s0 =	simm.s32 @p1 $0x1  }
0x15: {  	[smem:$0x3FAE] =	sst s0;
	s0 =	simm.s32 @!p2 $0x0  }
0x16: {  	s3 =	sld [smem:$0x3FDB];
	s0 =	simm.s32 @p2 $0x1  }
0x17: {  	s4 =	simm.s32 $0x1BF5;
	[smem:$0x3FB0] =	sst s0  }
0x18: {  	s0 =	sld [smem:$0x3F93];
	_ =	swait.ge [sflag:s4], $0x0  }
0x19: {  	s7 =	sld [smem:$0x3F94]  }
0x1a: {  	s8 =	sadd.s32 $0xFFFFE003, lr  }
0x1b: {  	s9 =	sadd.s32 $0xFFFFFEF7, lr;
	s5 =	simm.s32 $0xFFFFFFFF;
	p2 =	slt.u32 s8, $0xFFFFF086  }
0x1c: {  	p1 =	slt.u32 s9, $0xF7A;
	s5 =	simm.s32 @!p2 $0x0  }
0x1d: {  	s5 =	simm.s32 @p1 $0x1;
	p0 =	seq.s32 s7, s2  }
0x1e: {  	s7 =	smul.u32 @!p0 $0xF7A, s2;
	p2 =	seq.s32 @!p0 s5, $0x0  }
0x1f: {  	s9 =	smul.u32 $0xF7A, s1;
	s8 =	simm.s32 @!p0 $0x1BF5;
	p2 =	por !p2, p0  }
0x20: {  	[sflag:s8] =	ssyncset.s32 @!p0 $0xFFFFF086;
	s6 =	sadd.s32 @!p0 s3, s7;
	s7 =	simm.s32 @!p0 $0x108  }
0x21: {  	s3 =	sadd.s32 s3, s9;
	s6 =	sadd.s32 @!p0 $0x88, s6;
	s7 =	simm.s32 @p2 $0x1082  }
0x22: {  	[simem:s7], [sflag:s8] =	dma.local @!p0 [hbm:s6], $0xF7A  }
0x23: {  	s9 =	sor.u32 $0xD0000000, s2;
	s6 =	simm.s32 $0x108;
	_ =	swait.ge @!p0 [sflag:s8], $0x0  }
0x24: {  	s3 =	sadd.s32 $0x88, s3;
	s6 =	simm.s32 @!p1 $0x1082;
	[sflag:s4] =	ssyncset.s32 $0xFFFFF086  }
0x25: {  	[simem:s6], [sflag:s4] =	dma.local [hbm:s3], $0xF7A  }
0x26: {  	[smem:$0x3F94] =	sst s1;
	(tag) =	ssettag s2;
	_ =	strace s9  }
0x27: {  	s1 =	sld [smem:$0x3FA4]  }
0x28: {  	s2 =	sld [smem:$0x3FA5]  }
0x29: {  	s4 =	sld [smem:$0x3FA7]  }
0x2a: {  	p0 =	seq.s32 s5, $0x0;
	s5 =	sld [smem:$0x3FA8]  }
0x2b: {  	s6 =	sld [smem:$0x3FA9]  }
0x2c: {  	s7 =	sld [smem:$0x3FAA]  }
0x2d: {  	s3 =	simm.s32 $0x108;
	s8 =	sld [smem:$0x3FAB]  }
0x2e: {  	s3 =	simm.s32 @!p0 $0x1082;
	s9 =	sld [smem:$0x3FAC]  }
0x2f: {  	lr =	sadd.s32 s0, s3;
	s0 =	sld [smem:$0x3FA3]  }
0x30: {  	s3 =	sld [smem:$0x3FA6]  }
0x31: {  	[smem:$0x3FAF] =	sst s10  }
0x32: {  	s10 =	sld [smem:$0x3FAD];
	_ =	sdelay $0x3  }
0x33: {  	p0 =	seq.s32 s10, $0x1;
	s10 =	sld [smem:$0x3FAF];
	_ =	sdelay $0x3  }
0x34: {  	[smem:$0x3FAF] =	sst s10  }
0x35: {  	s10 =	sld [smem:$0x3FAE];
	_ =	sdelay $0x3  }
0x36: {  	p1 =	seq.s32 s10, $0x1;
	s10 =	sld [smem:$0x3FAF];
	_ =	sdelay $0x3  }
0x37: {  	[smem:$0x3FAF] =	sst s10  }
0x38: {  	s10 =	sld [smem:$0x3FB0]  }
0x39: {  	_ = 	snop;
	(pc) =	sbr.ind lr, $3  }
0x3a: {  	_ = 	snop  }
0x3b: {  	_ = 	snop  }
0x3c: {  	p2 =	seq.s32 s10, $0x1;
	s10 =	sld [smem:$0x3FAF]  }
0x3d: {  	_ =	shalt  }
0x3e: {  	_ =	shalt  }
0x3f: {  	_ =	shalt  }
0x40: {  	_ =	shalt  }
0x41: {  	_ =	shalt  }
0x42: {  	_ =	shalt  }
0x43: {  	_ =	shalt  }
0x44: {  	_ =	shalt  }
0x45: {  	_ =	shalt  }
0x46: {  	_ =	shalt  }
0x47: {  	_ =	shalt  }
0x48: {  	_ =	shalt  }
0x49: {  	_ =	shalt  }
0x4a: {  	_ =	shalt  }
0x4b: {  	_ =	shalt  }
0x4c: {  	_ =	shalt  }
0x4d: {  	_ =	shalt  }
0x4e: {  	_ =	shalt  }
0x4f: {  	_ =	shalt  }
0x50: {  	_ =	shalt  }
0x51: {  	_ =	shalt  }
0x52: {  	_ =	shalt  }
0x53: {  	_ =	shalt  }
0x54: {  	_ =	shalt  }
0x55: {  	_ =	shalt  }
0x56: {  	_ =	shalt  }
0x57: {  	_ =	shalt  }
0x58: {  	_ =	shalt  }
0x59: {  	_ =	shalt  }
0x5a: {  	_ =	shalt  }
0x5b: {  	_ =	shalt  }
0x5c: {  	_ =	shalt  }
0x5d: {  	_ =	shalt  }
0x5e: {  	_ =	shalt  }
0x5f: {  	_ =	shalt  }
0x60: {  	_ =	shalt  }
0x61: {  	_ =	shalt  }
0x62: {  	_ =	shalt  }
0x63: {  	_ =	shalt  }
0x64: {  	_ =	shalt  }
0x65: {  	_ =	shalt  }
0x66: {  	_ =	shalt  }
0x67: {  	_ =	shalt  }
0x68: {  	_ =	shalt  }
0x69: {  	_ =	shalt  }
0x6a: {  	_ =	shalt  }
0x6b: {  	_ =	shalt  }
0x6c: {  	_ =	shalt  }
0x6d: {  	_ =	shalt  }
0x6e: {  	_ =	shalt  }
0x6f: {  	_ =	shalt  }
0x70: {  	_ =	shalt  }
0x71: {  	_ =	shalt  }
0x72: {  	_ =	shalt  }
0x73: {  	_ =	shalt  }
0x74: {  	_ =	shalt  }
0x75: {  	_ =	shalt  }
0x76: {  	_ =	shalt  }
0x77: {  	_ =	shalt  }
0x78: {  	_ =	shalt  }
0x79: {  	_ =	shalt  }
0x7a: {  	_ =	shalt  }
0x7b: {  	_ =	shalt  }
0x7c: {  	_ =	shalt  }
0x7d: {  	_ =	shalt  }
0x7e: {  	_ =	shalt  }
0x7f: {  	_ =	shalt  }
0x80: {  	_ =	shalt  }
0x81: {  	_ =	shalt  }
0x82: {  	_ =	shalt  }
0x83: {  	_ =	shalt  }
0x84: {  	_ =	shalt  }
0x85: {  	_ =	shalt  }
0x86: {  	_ =	shalt  }
0x87: {  	_ =	shalt  }
.Lfunc_end0:
.L_simem_size_0:
called_computation.2_lowered:
.L_overlay_start_0:
0x88: {  	s2 =	sld [smem:$0x3FD9]  }
0x89: {  	s3 =	sld [smem:$0x3FFE];
	_ =	sdelay $0x1  }
0x8a: {  	s1 =	srdreg.scid  }
0x8b: {  	s0 =	sand.u32 $0x1, s1  }
0x8c: {  	s16 =	sshll.u32 s0, $0xA;
	s2 =	sadd.s32 s3, s2  }
0x8d: {  	s2 =	sadd.s32 s2, s16  }
0x8e: {  	[smem:$0x3FBB] =	sst s2  }
0x8f: {  	_ = 	snop  }
0x90: {  	(tm) =	ssettm $0x1  }
0x91: {  	s17 =	sld [smem:$0x3FFB];
	_ =	sdelay $0x3  }
0x92: {  	_ =	strace s17  }
0x93: {  	s2 =	sld [smem:$0x3FFC];
	_ =	sdelay $0x3  }
0x94: {  	_ =	strace s2  }
0x95: {  	s2 =	sld [smem:$0x3FFD];
	_ =	sdelay $0x3  }
0x96: {  	_ =	strace s2  }
0x97: {  	_ =	strace $0x8FFFFFFF  }
0x98: {  	s18 =	sld [smem:$0x3FDB];
	_ =	sdelay $0x1  }
0x99: {  	s19 =	simm.s32 $_scs_section_size  }
0x9a: {  	s4 =	simm.s32 $_size__tile_overlayer_lowered;
	s5 =	simm.s32 $_tile_overlayer_lowered  }
0x9b: {  	s22 =	simm.s32 $0x1BFF;
	s21 =	sshll.u32 s5, $0x1;
	s2 =	sadd.s32 s19, s18  }
0x9c: {  	s6 =	simm.s32 $0x0;
	s20 =	sshll.u32 s4, $0x1;
	s4 =	sadd.s32 s21, s2  }
0x9d: {  	[timem:s6], [sflag:s22] =	dma.local [hbm:s4], s20  }
0x9e: {  	_ =	swait.ge [sflag:s22], s20  }
0x9f: {  	s3 =	ssub.s32 $0x0, s20;
	[sflag:s22] =	ssyncset.done $0x0  }
0xa0: {  	[sflag:s22] =	ssyncadd.s32 s3;
	_ =	sdelay $0x1  }
0xa1: {  	s23 =	simm.s32 $0x1B8B  }
0xa2: {  	_ =	swait.ge [sflag:s23], $0x1  }
0xa3: {  	[sflag:s23] =	ssyncset.done $0x0  }
0xa4: {  	s25 =	simm.s32 $0x1B8E;
	s24 =	sld [smem:$0x3FFE];
	[sflag:s23] =	ssyncadd.s32 $0xFFFFFFFF  }
0xa5: {  	s26 =	simm.s32 $execute0_lowered;
	[smem:$0x3FD2] =	sst s25  }
0xa6: {  	s4 =	sshll.u32 s26, $0x1;
	_ =	strace $0x8000004C;
	[dreg:$0x1] =	wrdreg $0xFFFFFFFF  }
0xa7: {  	s28 =	simm.s32 $_size_execute0_lowered;
	s2 =	sadd.s32 s2, s4;
	[dreg:$0x0] =	wrdreg $0x0  }
0xa8: {  	s4 =	sshll.u32 s28, $0x1;
	[dreg:$0x2] =	wrdreg s2  }
0xa9: {  	[dreg:$0x3] =	wrdreg s4  }
0xaa: {  	[dreg:$0x4] =	wrdreg $0xC0  }
0xab: {  	_ =	task [dreg:s6], $0x5FFFF  }
0xac: {  	[dreg:$0x1] =	wrdreg $0xFFFFFFFF  }
0xad: {  	[dreg:$0x0] =	wrdreg $0x60  }
0xae: {  	[dreg:$0x2] =	wrdreg s24  }
0xaf: {  	[dreg:$0x3] =	wrdreg $0xA8000  }
0xb0: {  	[dreg:$0x4] =	wrdreg $0x9  }
0xb1: {  	_ =	task.clear_ibuf [dreg:s6], $0x5FFFF;
	_ =	strace $0x9000004C  }
0xb2: {  	s29 =	simm.s32 $0x9;
	_ =	strace $0x8000004E  }
0xb3: {  	_ =	swait.ge [sflag:s29], $0x1  }
0xb4: {  	[sflag:s29] =	ssyncadd.s32 $0xFFFFFFFF  }
0xb5: {  	_ =	strace $0x9000004E  }
0xb6: {  	_ =	sfence  }
0xb7: {  	s30 =	sld [smem:$0x0];
	_ =	sdelay $0x2  }
0xb8: {  	s31 =	sshll.u32 s1, $0xD;
	s1 =	sshrl.u32 s1, $0x2  }
0xb9: {  	s3 =	sand.u32 $0x4000, s31;
	s1 =	sadd.s32 s1, s30  }
0xba: {  	s0 =	sor.u32 s3, s0;
	s1 =	sshll.u32 s1, $0x11  }
0xbb: {  	s0 =	sor.u32 s1, s0  }
0xbc: {  	s0 =	sadd.s32 $0x8F2B, s0  }
0xbd: {  	[sflag:s0] =	ssyncadd.remote.s32 $0x1  }
0xbe: {  	_ =	sfence.sel $0xFFFF  }
0xbf: {  	[dreg:$0x0] =	wrdreg $0xFFFFFFFF;
	(pc) =	sbr.abs _section_cstart, $3  }
0xc0: {  	[dreg:$0x1] =	wrdreg $0xFFFFFFFF  }
0xc1: {  	_ =	task.clear_ibuf [dreg:s6], $0x2FFFF;
	_ =	strace $0x9FFFFFFF  }
0xc2: {  	(tm) =	ssettm $0x7FFFFFFF  }
0xc3: {  	_ =	shalt  }
tec
execute0_lowered:
.L_overlay_start_1:
0x0: {  	(tag) =	ssettag $0x1  }
0x1: {  	s0 =	srdreg.scid;
	s7 =	rddreg [dreg:$0x0]  }
0x2: {  	s2 =	rddreg [dreg:$0x1];
	s3 =	simm.s32 $0x0;
	s17 =	simm.s32 $0x80  }
0x3: {  	s18 =	simm.s32 $0x2800;
	s19 =	simm.s32 $0x6800;
	s20 =	simm.s32 $0x1  }
0x4: {  	s21 =	simm.s32 $0x2;
	s22 =	simm.s32 $0x2700;
	s23 =	simm.s32 $0x2780  }
0x5: {  	s6 =	sand.u32 $0x1, s0;
	s0 =	stileid.u32;
	[smem:$0x7FF] =	sst s3  }
0x6: {  	s5 =	sadd.s32 $0x67E00, s7;
	s1 =	sshll.u32 s6, $0x4;
	s8 =	smul.u32 $0x28000, s6  }
0x7: {  	s9 =	smul.u32 $0x50000, s0;
	s6 =	ssub.s32 $0x2, s6;
	s30 =	sshll.u32 s0, $0x6  }
0x8: {  	s25 =	smul.u32 $0x2800, s0;
	s4 =	sor.u32 s0, s1;
	s1 =	rddreg [dreg:$0x2]  }
0x9: {  	_ =	strace $0x8000004D;
	s29 =	sshrl.u32 s6, $0x1;
	s4 =	smul.u32 $0x500, s4  }
0xa: {  	s11 =	sadd.s32 s8, s7;
	s28 =	sshrl.u32 s9, $0x2;
	s31 =	ssub.s32 s6, s29  }
0xb: {  	s6 =	sor.u32 $0x1C03, s30;
	s12 =	sadd.s32 s28, s2;
	s24 =	sadd.s32 $0x68600, s11  }
0xc: {  	s9 =	smax.u32 s31, $0x1;
	s11 =	simm.s32 $0x3;
	s10 =	sadd.s32 s4, s7  }
0xd: {  	s4 =	sadd.s32 $0x19A00, s7;
	s13 =	sadd.s32 $0x4000, s12;
	s14 =	sadd.s32 $0x8000, s12  }
0xe: {  	s15 =	sadd.s32 $0xC000, s12;
	s16 =	sadd.s32 $0x10000, s12;
	s24 =	sadd.s32 s25, s24  }
0xf: {  	s25 =	simm.s32 $0x0;
	s7 =	sadd.s32 $0x5A00, s10;
	s8 =	sadd.s32 $0xFA00, s10  }
0x10: {  	s10 =	sshrl.u32 s12, $0x3;
	s12 =	sshrl.u32 s13, $0x3;
	s13 =	sshrl.u32 s14, $0x3  }
0x11: {  	s14 =	sshrl.u32 s15, $0x3;
	s15 =	sshrl.u32 s16, $0x3;
	s16 =	simm.s32 $0x1400  }
.LBB2_1:
0x12: {  	[spmem:s10], [sflag:s6] =	dma.local [hbm:s5], $0x800  }
0x13: {  	_ =	swait.ge [sflag:s11], $0x800  }
0x14: {  	[sflag:s11] =	ssyncset.done $0x0  }
0x15: {  	[sflag:s11] =	ssyncadd.s32 $0xFFFFF800  }
0x16: {  	[spmem:s12], [sflag:s6] =	dma.local [hbm:s5], $0x800  }
0x17: {  	_ =	swait.ge [sflag:s11], $0x800  }
0x18: {  	[sflag:s11] =	ssyncset.done $0x0  }
0x19: {  	[sflag:s11] =	ssyncadd.s32 $0xFFFFF800  }
0x1a: {  	[spmem:s13], [sflag:s6] =	dma.local [hbm:s5], $0x800  }
0x1b: {  	_ =	swait.ge [sflag:s11], $0x800  }
0x1c: {  	[sflag:s11] =	ssyncset.done $0x0  }
0x1d: {  	[sflag:s11] =	ssyncadd.s32 $0xFFFFF800  }
0x1e: {  	[spmem:s14], [sflag:s6] =	dma.local [hbm:s5], $0x800  }
0x1f: {  	_ =	swait.ge [sflag:s11], $0x800  }
0x20: {  	[sflag:s11] =	ssyncset.done $0x0  }
0x21: {  	[sflag:s11] =	ssyncadd.s32 $0xFFFFF800  }
0x22: {  	[spmem:s15], [sflag:s6] =	dma.local [hbm:s5], $0x800  }
0x23: {  	_ =	swait.ge [sflag:s11], $0x800  }
0x24: {  	[sflag:s11] =	ssyncset.done $0x0  }
0x25: {  	[sflag:s11] =	ssyncadd.s32 $0xFFFFF800  }
0x26: {  	[bflag:$0x0] =	sbarrier.arrive $0xFFFF  }
0x27: {  	[tilespmem:s3], [sflag:$0x3] =	stream.linear.gather [hbm4b:s7+s3], $0x1400, $0x38;
	[tilespmem:$0x1E800] =	vst v63  }
0x28: {  	_ =	swait.ge [sflag:s11], $0x1400  }
0x29: {  	[sflag:s11] =	ssyncset.done $0x0  }
0x2a: {  	[sflag:s11] =	ssyncadd.s32 $0xFFFFEC00  }
0x2b: {  	[tilespmem:s16], [sflag:$0x3] =	stream.linear.gather [hbm4b:s8+s3], $0x1400, $0x38;
	[tilespmem:$0x1E800] =	vst v63  }
0x2c: {  	_ =	swait.ge [sflag:s11], $0x1400  }
0x2d: {  	[sflag:s11] =	ssyncset.done $0x0  }
0x2e: {  	[sflag:s11] =	ssyncadd.s32 $0xFFFFEC00  }
0x2f: {  	[tilespmem:s18], [sflag:$0x1] =	stream.indirect.gather [hbm4b:s4+s17], $0x80, s3, s17, $0xb8;
	[tilespmem:$0x1E800] =	vst v63  }
0x30: {  	_ = 	snop  }
0x31: {  	[tilespmem:s19], [sflag:$0x2] =	stream.indirect.gather [hbm4b:s4+s17], $0x80, s17, s17, $0xb8;
	[tilespmem:$0x1E800] =	vst v63  }
0x32: {  	_ =	swait.ge [sflag:s20], $0x4000  }
0x33: {  	[sflag:s20] =	ssyncset.done $0x0  }
0x34: {  	s26 =	simm.s32 $0x1400;
	[sflag:s20] =	ssyncadd.s32 $0xFFFFC000  }
0x35: {  	[spmem:s2] =	stream.indirect.scatter.add.f32 [tilespmem:s18], [sflag:$0x3], $0x80, s26, s17, $0xb8;
	[tilespmem:$0x1E800] =	vst v63  }
0x36: {  	_ =	swait.ge [sflag:s11], $0x4000  }
0x37: {  	[sflag:s11] =	ssyncset.done $0x0  }
0x38: {  	s30 =	simm.s32 $0x100;
	[sflag:s11] =	ssyncadd.s32 $0xFFFFC000  }
0x39: {  	[tilespmem:s18], [sflag:$0x1] =	stream.indirect.gather [hbm4b:s4+s17], $0x80, s30, s17, $0xb8;
	[tilespmem:$0x1E800] =	vst v63  }
0x3a: {  	_ =	swait.ge [sflag:s21], $0x4000  }
0x3b: {  	[sflag:s21] =	ssyncset.done $0x0  }
0x3c: {  	s31 =	simm.s32 $0x1480;
	[sflag:s21] =	ssyncadd.s32 $0xFFFFC000  }
0x3d: {  	[spmem:s2] =	stream.indirect.scatter.add.f32 [tilespmem:s19], [sflag:$0x3], $0x80, s31, s17, $0xb8;
	[tilespmem:$0x1E800] =	vst v63  }
0x3e: {  	_ =	swait.ge [sflag:s11], $0x4000  }
0x3f: {  	[sflag:s11] =	ssyncset.done $0x0  }
0x40: {  	s28 =	simm.s32 $0x180;
	s26 =	simm.s32 $0x400;
	[sflag:s11] =	ssyncadd.s32 $0xFFFFC000  }
.LBB2_2:
0x41: {  	[tilespmem:s19], [sflag:$0x2] =	stream.indirect.gather [hbm4b:s4+s17], $0x80, s28, s17, $0xb8;
	[tilespmem:$0x1E800] =	vst v63  }
0x42: {  	s28 =	smov.u32 s26  }
0x43: {  	p0 =	sne.s32 s26, $0x4800;
	s26 =	sadd.s32 $0x400, s26;
	_ =	swait.ge [sflag:s20], $0x4000  }
0x44: {  	s28 =	sshra.s32 s28, $0x2;
	[sflag:s20] =	ssyncset.done $0x0  }
0x45: {  	s29 =	sadd.s32 $0x1400, s28;
	[sflag:s20] =	ssyncadd.s32 $0xFFFFC000  }
0x46: {  	[spmem:s2] =	stream.indirect.scatter.add.f32 [tilespmem:s18], [sflag:$0x3], $0x80, s29, s17, $0xb8;
	[tilespmem:$0x1E800] =	vst v63  }
0x47: {  	_ =	swait.ge [sflag:s11], $0x4000  }
0x48: {  	[sflag:s11] =	ssyncset.done $0x0  }
0x49: {  	s29 =	sadd.s32 $0x100, s28;
	[sflag:s11] =	ssyncadd.s32 $0xFFFFC000  }
0x4a: {  	[tilespmem:s18], [sflag:$0x1] =	stream.indirect.gather [hbm4b:s4+s17], $0x80, s29, s17, $0xb8;
	[tilespmem:$0x1E800] =	vst v63  }
0x4b: {  	_ =	swait.ge [sflag:s21], $0x4000  }
0x4c: {  	[sflag:s21] =	ssyncset.done $0x0  }
.Ltmp0:
0x4d: {  	s29 =	sadd.s32 $0x1480, s28;
	[sflag:s21] =	ssyncadd.s32 $0xFFFFC000;
	(pc) =	sbr.rel @p0 .LBB2_2-.Ltmp0, $4  }
0x4e: {  	[spmem:s2] =	stream.indirect.scatter.add.f32 [tilespmem:s19], [sflag:$0x3], $0x80, s29, s17, $0xb8;
	[tilespmem:$0x1E800] =	vst v63  }
0x4f: {  	_ =	swait.ge [sflag:s11], $0x4000  }
0x50: {  	[sflag:s11] =	ssyncset.done $0x0  }
0x51: {  	s28 =	sadd.s32 $0x180, s28;
	[sflag:s11] =	ssyncadd.s32 $0xFFFFC000  }
0x52: {  	[tilespmem:s19], [sflag:$0x2] =	stream.indirect.gather [hbm4b:s4+s17], $0x80, s28, s17, $0xb8;
	[tilespmem:$0x1E800] =	vst v63  }
0x53: {  	_ =	swait.ge [sflag:s20], $0x4000  }
0x54: {  	[sflag:s20] =	ssyncset.done $0x0  }
0x55: {  	[sflag:s20] =	ssyncadd.s32 $0xFFFFC000  }
0x56: {  	[spmem:s2] =	stream.indirect.scatter.add.f32 [tilespmem:s18], [sflag:$0x3], $0x80, s22, s17, $0xb8;
	[tilespmem:$0x1E800] =	vst v63  }
0x57: {  	_ =	swait.ge [sflag:s11], $0x4000  }
0x58: {  	[sflag:s11] =	ssyncset.done $0x0  }
0x59: {  	[sflag:s11] =	ssyncadd.s32 $0xFFFFC000  }
0x5a: {  	_ =	swait.ge [sflag:s21], $0x4000  }
0x5b: {  	[sflag:s21] =	ssyncset.done $0x0  }
0x5c: {  	[sflag:s21] =	ssyncadd.s32 $0xFFFFC000  }
0x5d: {  	[spmem:s2] =	stream.indirect.scatter.add.f32 [tilespmem:s19], [sflag:$0x3], $0x80, s23, s17, $0xb8;
	[tilespmem:$0x1E800] =	vst v63  }
0x5e: {  	_ =	swait.ge [sflag:s11], $0x4000  }
0x5f: {  	[sflag:s11] =	ssyncset.done $0x0  }
0x60: {  	s26 =	sadd.s32 $0x280, s7;
	s28 =	simm.s32 $0x0;
	[sflag:s11] =	ssyncadd.s32 $0xFFFFC000  }
0x61: {  	[tilespmem:s28], [sflag:$0x3] =	stream.linear.gather [hbm4b:s26+s28], $0x1400, $0x38;
	[tilespmem:$0x1E800] =	vst v63  }
0x62: {  	_ =	swait.ge [sflag:s11], $0x1400  }
0x63: {  	[sflag:s11] =	ssyncset.done $0x0  }
0x64: {  	s31 =	sadd.s32 $0x280, s8;
	[sflag:s11] =	ssyncadd.s32 $0xFFFFEC00  }
0x65: {  	[tilespmem:s16], [sflag:$0x3] =	stream.linear.gather [hbm4b:s31+s28], $0x1400, $0x38;
	[tilespmem:$0x1E800] =	vst v63  }
0x66: {  	_ =	swait.ge [sflag:s11], $0x1400  }
0x67: {  	[sflag:s11] =	ssyncset.done $0x0  }
0x68: {  	[sflag:s11] =	ssyncadd.s32 $0xFFFFEC00  }
0x69: {  	[tilespmem:s18], [sflag:$0x1] =	stream.indirect.gather [hbm4b:s4+s17], $0x80, s28, s17, $0xb8;
	[tilespmem:$0x1E800] =	vst v63  }
0x6a: {  	_ = 	snop  }
0x6b: {  	[tilespmem:s19], [sflag:$0x2] =	stream.indirect.gather [hbm4b:s4+s17], $0x80, s17, s17, $0xb8;
	[tilespmem:$0x1E800] =	vst v63  }
0x6c: {  	_ =	swait.ge [sflag:s20], $0x4000  }
0x6d: {  	[sflag:s20] =	ssyncset.done $0x0  }
0x6e: {  	s29 =	simm.s32 $0x1400;
	[sflag:s20] =	ssyncadd.s32 $0xFFFFC000  }
0x6f: {  	[spmem:s2] =	stream.indirect.scatter.add.f32 [tilespmem:s18], [sflag:$0x3], $0x80, s29, s17, $0xb8;
	[tilespmem:$0x1E800] =	vst v63  }
0x70: {  	_ =	swait.ge [sflag:s11], $0x4000  }
0x71: {  	[sflag:s11] =	ssyncset.done $0x0  }
0x72: {  	s30 =	simm.s32 $0x100;
	[sflag:s11] =	ssyncadd.s32 $0xFFFFC000  }
0x73: {  	[tilespmem:s18], [sflag:$0x1] =	stream.indirect.gather [hbm4b:s4+s17], $0x80, s30, s17, $0xb8;
	[tilespmem:$0x1E800] =	vst v63  }
0x74: {  	_ =	swait.ge [sflag:s21], $0x4000  }
0x75: {  	[sflag:s21] =	ssyncset.done $0x0  }
0x76: {  	s31 =	simm.s32 $0x1480;
	[sflag:s21] =	ssyncadd.s32 $0xFFFFC000  }
0x77: {  	[spmem:s2] =	stream.indirect.scatter.add.f32 [tilespmem:s19], [sflag:$0x3], $0x80, s31, s17, $0xb8;
	[tilespmem:$0x1E800] =	vst v63  }
0x78: {  	_ =	swait.ge [sflag:s11], $0x4000  }
0x79: {  	[sflag:s11] =	ssyncset.done $0x0  }
0x7a: {  	s26 =	simm.s32 $0x400;
	s28 =	simm.s32 $0x180;
	[sflag:s11] =	ssyncadd.s32 $0xFFFFC000  }
.LBB2_4:
0x7b: {  	[tilespmem:s19], [sflag:$0x2] =	stream.indirect.gather [hbm4b:s4+s17], $0x80, s28, s17, $0xb8;
	[tilespmem:$0x1E800] =	vst v63  }
0x7c: {  	s28 =	smov.u32 s26  }
0x7d: {  	p0 =	sne.s32 s26, $0x4800;
	s26 =	sadd.s32 $0x400, s26;
	_ =	swait.ge [sflag:s20], $0x4000  }
0x7e: {  	s28 =	sshra.s32 s28, $0x2;
	[sflag:s20] =	ssyncset.done $0x0  }
0x7f: {  	s29 =	sadd.s32 $0x1400, s28;
	[sflag:s20] =	ssyncadd.s32 $0xFFFFC000  }
0x80: {  	[spmem:s2] =	stream.indirect.scatter.add.f32 [tilespmem:s18], [sflag:$0x3], $0x80, s29, s17, $0xb8;
	[tilespmem:$0x1E800] =	vst v63  }
0x81: {  	_ =	swait.ge [sflag:s11], $0x4000  }
0x82: {  	[sflag:s11] =	ssyncset.done $0x0  }
0x83: {  	s29 =	sadd.s32 $0x100, s28;
	[sflag:s11] =	ssyncadd.s32 $0xFFFFC000  }
0x84: {  	[tilespmem:s18], [sflag:$0x1] =	stream.indirect.gather [hbm4b:s4+s17], $0x80, s29, s17, $0xb8;
	[tilespmem:$0x1E800] =	vst v63  }
0x85: {  	_ =	swait.ge [sflag:s21], $0x4000  }
0x86: {  	[sflag:s21] =	ssyncset.done $0x0  }
.Ltmp1:
0x87: {  	s29 =	sadd.s32 $0x1480, s28;
	[sflag:s21] =	ssyncadd.s32 $0xFFFFC000;
	(pc) =	sbr.rel @p0 .LBB2_4-.Ltmp1, $4  }
0x88: {  	[spmem:s2] =	stream.indirect.scatter.add.f32 [tilespmem:s19], [sflag:$0x3], $0x80, s29, s17, $0xb8;
	[tilespmem:$0x1E800] =	vst v63  }
0x89: {  	_ =	swait.ge [sflag:s11], $0x4000  }
0x8a: {  	[sflag:s11] =	ssyncset.done $0x0  }
0x8b: {  	s28 =	sadd.s32 $0x180, s28;
	[sflag:s11] =	ssyncadd.s32 $0xFFFFC000  }
0x8c: {  	[tilespmem:s19], [sflag:$0x2] =	stream.indirect.gather [hbm4b:s4+s17], $0x80, s28, s17, $0xb8;
	[tilespmem:$0x1E800] =	vst v63  }
0x8d: {  	_ =	swait.ge [sflag:s20], $0x4000  }
0x8e: {  	[sflag:s20] =	ssyncset.done $0x0  }
0x8f: {  	[sflag:s20] =	ssyncadd.s32 $0xFFFFC000  }
0x90: {  	[spmem:s2] =	stream.indirect.scatter.add.f32 [tilespmem:s18], [sflag:$0x3], $0x80, s22, s17, $0xb8;
	[tilespmem:$0x1E800] =	vst v63  }
0x91: {  	_ =	swait.ge [sflag:s11], $0x4000  }
0x92: {  	[sflag:s11] =	ssyncset.done $0x0  }
0x93: {  	[sflag:s11] =	ssyncadd.s32 $0xFFFFC000  }
0x94: {  	_ =	swait.ge [sflag:s21], $0x4000  }
0x95: {  	[sflag:s21] =	ssyncset.done $0x0  }
0x96: {  	[sflag:s21] =	ssyncadd.s32 $0xFFFFC000  }
0x97: {  	[spmem:s2] =	stream.indirect.scatter.add.f32 [tilespmem:s19], [sflag:$0x3], $0x80, s23, s17, $0xb8;
	[tilespmem:$0x1E800] =	vst v63  }
0x98: {  	_ =	swait.ge [sflag:s11], $0x4000  }
0x99: {  	s25 =	sadd.s32 $0x1, s25;
	[sflag:s11] =	ssyncset.done $0x0  }
0x9a: {  	p0 =	sne.s32 s25, s9;
	[sflag:s11] =	ssyncadd.s32 $0xFFFFC000  }
.Ltmp2:
0x9b: {  	[bflag:$0x0] =	sbarrier.arrive $0xFFFF;
	(pc) =	sbr.rel @p0 .LBB2_1-.Ltmp2, $4  }
0x9c: {  	[hbm:s24], [sflag:s6] =	dma.local [spmem:s10], $0x2800  }
0x9d: {  	_ =	swait.ge [sflag:s11], $0x2800  }
0x9e: {  	[sflag:s11] =	ssyncset.done $0x0  }
0x9f: {  	[sflag:s11] =	ssyncadd.s32 $0xFFFFD800  }
0xa0: {  	_ =	sfence.sel $0x180000  }
0xa1: {  	[bflag:$0x0] =	sbarrier.arrive $0xFFFF  }
0xa2: {  	p0 =	sne.s32 s0, $0x0;
	_ =	strace $0x9000004D  }
0xa3: {  	s0 =	sadd.s32 @!p0 $0x100000, s1;
	[bflag:$0x2] =	sbarrier.arrive $0xFFFF  }
0xa4: {  	[sflag:s0] =	ssyncadd.tile.s32 @!p0 $0x1;
	_ =	shalt  }
.Lfunc_end2:
_tile_overlayer_lowered:
.L_overlay_start_2:
0xa5: {  	(tag) =	ssettag $0x2  }
0xa6: {  	s0 =	rddreg [dreg:$0x0];
	s2 =	stileid.u32  }
0xa7: {  	s1 =	rddreg [dreg:$0x1];
	p0 =	sne.s32 s2, $0x0  }
0xa8: {  	s3 =	rddreg [dreg:$0x2];
	[bflag:$0x3] =	sbarrier.arrive $0xFFFF;
	s2 =	simm.s32 @!p0 $0x1C03  }
0xa9: {  	[timem:s3], [sflag:s2] =	dma.local @!p0 [hbm:s0], s1  }
0xaa: {  	s0 =	simm.s32 @!p0 $0x3  }
0xab: {  	_ =	swait.ge @!p0 [sflag:s0], s1  }
0xac: {  	s1 =	ssub.s32 @!p0 $0x0, s1;
	[sflag:s0] =	ssyncset.done @!p0 $0x0  }
0xad: {  	[sflag:s0] =	ssyncadd.s32 @!p0 s1  }
0xae: {  	[bflag:$0x3] =	sbarrier.arrive $0xFFFF  }
0xaf: {  	_ =	shalt  }

// kernel: kernel.20.cloned.1.call-start
scs
__scs_entry_jumppad:
0x0: {  	(pc) =	sbr.rel $0x88, $3  }
0x1: {  	(tag) =	ssettag $0x0;
	lr =	simm.s32 $0x1  }
0x2: {  	[smem:$0x3F94] =	sst lr;
	_ =	strace $0xD0000000  }
0x3: {  	_ = 	snop  }
0x4: {  	_ = 	snop  }
0x5: {  	_ = 	snop  }
0x6: {  	_ = 	snop  }
0x7: {  	_ = 	snop  }
__scs_overlays_trampoline_lowered:
0x8: {  	[smem:$0x3FA3] =	sst s0  }
0x9: {  	[smem:$0x3FA4] =	sst s1  }
0xa: {  	[smem:$0x3FA5] =	sst s2  }
0xb: {  	[smem:$0x3FA6] =	sst s3  }
0xc: {  	[smem:$0x3FA7] =	sst s4  }
0xd: {  	[smem:$0x3FA8] =	sst s5  }
0xe: {  	[smem:$0x3FA9] =	sst s6  }
0xf: {  	[smem:$0x3FAA] =	sst s7  }
0x10: {  	[smem:$0x3FAB] =	sst s8  }
0x11: {  	[smem:$0x3FAC] =	sst s9;
	s0 =	simm.s32 @!p0 $0x0  }
0x12: {  	s1 =	sld [smem:$0x3F92];
	s0 =	simm.s32 @p0 $0x1  }
0x13: {  	[smem:$0x3FAD] =	sst s0;
	s0 =	simm.s32 @!p1 $0x0  }
0x14: {  	s2 =	sld [smem:$0x3F91];
	s0 =	simm.s32 @p1 $0x1  }
0x15: {  	[smem:$0x3FAE] =	sst s0;
	s0 =	simm.s32 @!p2 $0x0  }
0x16: {  	s3 =	sld [smem:$0x3FDB];
	s0 =	simm.s32 @p2 $0x1  }
0x17: {  	s4 =	simm.s32 $0x1BF5;
	[smem:$0x3FB0] =	sst s0  }
0x18: {  	s0 =	sld [smem:$0x3F93];
	_ =	swait.ge [sflag:s4], $0x0  }
0x19: {  	s7 =	sld [smem:$0x3F94]  }
0x1a: {  	s8 =	sadd.s32 $0xFFFFE003, lr  }
0x1b: {  	s9 =	sadd.s32 $0xFFFFFEF7, lr;
	s5 =	simm.s32 $0xFFFFFFFF;
	p2 =	slt.u32 s8, $0xFFFFF086  }
0x1c: {  	p1 =	slt.u32 s9, $0xF7A;
	s5 =	simm.s32 @!p2 $0x0  }
0x1d: {  	s5 =	simm.s32 @p1 $0x1;
	p0 =	seq.s32 s7, s2  }
0x1e: {  	s7 =	smul.u32 @!p0 $0xF7A, s2;
	p2 =	seq.s32 @!p0 s5, $0x0  }
0x1f: {  	s9 =	smul.u32 $0xF7A, s1;
	s8 =	simm.s32 @!p0 $0x1BF5;
	p2 =	por !p2, p0  }
0x20: {  	[sflag:s8] =	ssyncset.s32 @!p0 $0xFFFFF086;
	s6 =	sadd.s32 @!p0 s3, s7;
	s7 =	simm.s32 @!p0 $0x108  }
0x21: {  	s3 =	sadd.s32 s3, s9;
	s6 =	sadd.s32 @!p0 $0x88, s6;
	s7 =	simm.s32 @p2 $0x1082  }
0x22: {  	[simem:s7], [sflag:s8] =	dma.local @!p0 [hbm:s6], $0xF7A  }
0x23: {  	s9 =	sor.u32 $0xD0000000, s2;
	s6 =	simm.s32 $0x108;
	_ =	swait.ge @!p0 [sflag:s8], $0x0  }
0x24: {  	s3 =	sadd.s32 $0x88, s3;
	s6 =	simm.s32 @!p1 $0x1082;
	[sflag:s4] =	ssyncset.s32 $0xFFFFF086  }
0x25: {  	[simem:s6], [sflag:s4] =	dma.local [hbm:s3], $0xF7A  }
0x26: {  	[smem:$0x3F94] =	sst s1;
	(tag) =	ssettag s2;
	_ =	strace s9  }
0x27: {  	s1 =	sld [smem:$0x3FA4]  }
0x28: {  	s2 =	sld [smem:$0x3FA5]  }
0x29: {  	s4 =	sld [smem:$0x3FA7]  }
0x2a: {  	p0 =	seq.s32 s5, $0x0;
	s5 =	sld [smem:$0x3FA8]  }
0x2b: {  	s6 =	sld [smem:$0x3FA9]  }
0x2c: {  	s7 =	sld [smem:$0x3FAA]  }
0x2d: {  	s3 =	simm.s32 $0x108;
	s8 =	sld [smem:$0x3FAB]  }
0x2e: {  	s3 =	simm.s32 @!p0 $0x1082;
	s9 =	sld [smem:$0x3FAC]  }
0x2f: {  	lr =	sadd.s32 s0, s3;
	s0 =	sld [smem:$0x3FA3]  }
0x30: {  	s3 =	sld [smem:$0x3FA6]  }
0x31: {  	[smem:$0x3FAF] =	sst s10  }
0x32: {  	s10 =	sld [smem:$0x3FAD];
	_ =	sdelay $0x3  }
0x33: {  	p0 =	seq.s32 s10, $0x1;
	s10 =	sld [smem:$0x3FAF];
	_ =	sdelay $0x3  }
0x34: {  	[smem:$0x3FAF] =	sst s10  }
0x35: {  	s10 =	sld [smem:$0x3FAE];
	_ =	sdelay $0x3  }
0x36: {  	p1 =	seq.s32 s10, $0x1;
	s10 =	sld [smem:$0x3FAF];
	_ =	sdelay $0x3  }
0x37: {  	[smem:$0x3FAF] =	sst s10  }
0x38: {  	s10 =	sld [smem:$0x3FB0]  }
0x39: {  	_ = 	snop;
	(pc) =	sbr.ind lr, $3  }
0x3a: {  	_ = 	snop  }
0x3b: {  	_ = 	snop  }
0x3c: {  	p2 =	seq.s32 s10, $0x1;
	s10 =	sld [smem:$0x3FAF]  }
0x3d: {  	_ =	shalt  }
0x3e: {  	_ =	shalt  }
0x3f: {  	_ =	shalt  }
0x40: {  	_ =	shalt  }
0x41: {  	_ =	shalt  }
0x42: {  	_ =	shalt  }
0x43: {  	_ =	shalt  }
0x44: {  	_ =	shalt  }
0x45: {  	_ =	shalt  }
0x46: {  	_ =	shalt  }
0x47: {  	_ =	shalt  }
0x48: {  	_ =	shalt  }
0x49: {  	_ =	shalt  }
0x4a: {  	_ =	shalt  }
0x4b: {  	_ =	shalt  }
0x4c: {  	_ =	shalt  }
0x4d: {  	_ =	shalt  }
0x4e: {  	_ =	shalt  }
0x4f: {  	_ =	shalt  }
0x50: {  	_ =	shalt  }
0x51: {  	_ =	shalt  }
0x52: {  	_ =	shalt  }
0x53: {  	_ =	shalt  }
0x54: {  	_ =	shalt  }
0x55: {  	_ =	shalt  }
0x56: {  	_ =	shalt  }
0x57: {  	_ =	shalt  }
0x58: {  	_ =	shalt  }
0x59: {  	_ =	shalt  }
0x5a: {  	_ =	shalt  }
0x5b: {  	_ =	shalt  }
0x5c: {  	_ =	shalt  }
0x5d: {  	_ =	shalt  }
0x5e: {  	_ =	shalt  }
0x5f: {  	_ =	shalt  }
0x60: {  	_ =	shalt  }
0x61: {  	_ =	shalt  }
0x62: {  	_ =	shalt  }
0x63: {  	_ =	shalt  }
0x64: {  	_ =	shalt  }
0x65: {  	_ =	shalt  }
0x66: {  	_ =	shalt  }
0x67: {  	_ =	shalt  }
0x68: {  	_ =	shalt  }
0x69: {  	_ =	shalt  }
0x6a: {  	_ =	shalt  }
0x6b: {  	_ =	shalt  }
0x6c: {  	_ =	shalt  }
0x6d: {  	_ =	shalt  }
0x6e: {  	_ =	shalt  }
0x6f: {  	_ =	shalt  }
0x70: {  	_ =	shalt  }
0x71: {  	_ =	shalt  }
0x72: {  	_ =	shalt  }
0x73: {  	_ =	shalt  }
0x74: {  	_ =	shalt  }
0x75: {  	_ =	shalt  }
0x76: {  	_ =	shalt  }
0x77: {  	_ =	shalt  }
0x78: {  	_ =	shalt  }
0x79: {  	_ =	shalt  }
0x7a: {  	_ =	shalt  }
0x7b: {  	_ =	shalt  }
0x7c: {  	_ =	shalt  }
0x7d: {  	_ =	shalt  }
0x7e: {  	_ =	shalt  }
0x7f: {  	_ =	shalt  }
0x80: {  	_ =	shalt  }
0x81: {  	_ =	shalt  }
0x82: {  	_ =	shalt  }
0x83: {  	_ =	shalt  }
0x84: {  	_ =	shalt  }
0x85: {  	_ =	shalt  }
0x86: {  	_ =	shalt  }
0x87: {  	_ =	shalt  }
.Lfunc_end0:
.L_simem_size_0:
called_computation.3_lowered:
.L_overlay_start_0:
0x88: {  	s2 =	sld [smem:$0x3FD9]  }
0x89: {  	s3 =	sld [smem:$0x3FFE];
	_ =	sdelay $0x1  }
0x8a: {  	s1 =	srdreg.scid  }
0x8b: {  	s0 =	sand.u32 $0x1, s1  }
0x8c: {  	s16 =	sshll.u32 s0, $0xA;
	s2 =	sadd.s32 s3, s2  }
0x8d: {  	s2 =	sadd.s32 s2, s16  }
0x8e: {  	[smem:$0x3FBB] =	sst s2  }
0x8f: {  	_ = 	snop  }
0x90: {  	(tm) =	ssettm $0x1  }
0x91: {  	s17 =	sld [smem:$0x3FFB];
	_ =	sdelay $0x3  }
0x92: {  	_ =	strace s17  }
0x93: {  	s2 =	sld [smem:$0x3FFC];
	_ =	sdelay $0x3  }
0x94: {  	_ =	strace s2  }
0x95: {  	s2 =	sld [smem:$0x3FFD];
	_ =	sdelay $0x3  }
0x96: {  	_ =	strace s2  }
0x97: {  	_ =	strace $0x8FFFFFFF  }
0x98: {  	s18 =	sld [smem:$0x3FDB];
	_ =	sdelay $0x1  }
0x99: {  	s19 =	simm.s32 $_scs_section_size  }
0x9a: {  	s4 =	simm.s32 $_size__tile_overlayer_lowered;
	s5 =	simm.s32 $_tile_overlayer_lowered  }
0x9b: {  	s22 =	simm.s32 $0x1BFF;
	s21 =	sshll.u32 s5, $0x1;
	s2 =	sadd.s32 s19, s18  }
0x9c: {  	s6 =	simm.s32 $0x0;
	s20 =	sshll.u32 s4, $0x1;
	s4 =	sadd.s32 s21, s2  }
0x9d: {  	[timem:s6], [sflag:s22] =	dma.local [hbm:s4], s20  }
0x9e: {  	_ =	swait.ge [sflag:s22], s20  }
0x9f: {  	s3 =	ssub.s32 $0x0, s20;
	[sflag:s22] =	ssyncset.done $0x0  }
0xa0: {  	[sflag:s22] =	ssyncadd.s32 s3;
	_ =	sdelay $0x1  }
0xa1: {  	s23 =	simm.s32 $0x1B8B  }
0xa2: {  	_ =	swait.ge [sflag:s23], $0x1  }
0xa3: {  	[sflag:s23] =	ssyncset.done $0x0  }
0xa4: {  	s25 =	simm.s32 $0x1B8E;
	s24 =	sld [smem:$0x3FFE];
	[sflag:s23] =	ssyncadd.s32 $0xFFFFFFFF  }
0xa5: {  	s26 =	simm.s32 $execute0_lowered;
	[smem:$0x3FD2] =	sst s25  }
0xa6: {  	s4 =	sshll.u32 s26, $0x1;
	_ =	strace $0x8000004F;
	[dreg:$0x1] =	wrdreg $0xFFFFFFFF  }
0xa7: {  	s28 =	simm.s32 $_size_execute0_lowered;
	s2 =	sadd.s32 s2, s4;
	[dreg:$0x0] =	wrdreg $0x0  }
0xa8: {  	s4 =	sshll.u32 s28, $0x1;
	[dreg:$0x2] =	wrdreg s2  }
0xa9: {  	[dreg:$0x3] =	wrdreg s4  }
0xaa: {  	[dreg:$0x4] =	wrdreg $0xC0  }
0xab: {  	_ =	task [dreg:s6], $0x5FFFF  }
0xac: {  	[dreg:$0x1] =	wrdreg $0xFFFFFFFF  }
0xad: {  	[dreg:$0x0] =	wrdreg $0x60  }
0xae: {  	[dreg:$0x2] =	wrdreg s24  }
0xaf: {  	[dreg:$0x3] =	wrdreg $0xA8000  }
0xb0: {  	[dreg:$0x4] =	wrdreg $0x9  }
0xb1: {  	_ =	task.clear_ibuf [dreg:s6], $0x5FFFF;
	_ =	strace $0x9000004F  }
0xb2: {  	s29 =	simm.s32 $0x9;
	_ =	strace $0x80000051  }
0xb3: {  	_ =	swait.ge [sflag:s29], $0x1  }
0xb4: {  	[sflag:s29] =	ssyncadd.s32 $0xFFFFFFFF  }
0xb5: {  	_ =	strace $0x90000051  }
0xb6: {  	_ =	sfence  }
0xb7: {  	s30 =	sld [smem:$0x0];
	_ =	sdelay $0x2  }
0xb8: {  	s31 =	sshll.u32 s1, $0xD;
	s1 =	sshrl.u32 s1, $0x2  }
0xb9: {  	s3 =	sand.u32 $0x4000, s31;
	s1 =	sadd.s32 s1, s30  }
0xba: {  	s0 =	sor.u32 s3, s0;
	s1 =	sshll.u32 s1, $0x11  }
0xbb: {  	s0 =	sor.u32 s1, s0  }
0xbc: {  	s0 =	sadd.s32 $0x8F2B, s0  }
0xbd: {  	[sflag:s0] =	ssyncadd.remote.s32 $0x1  }
0xbe: {  	_ =	sfence.sel $0xFFFF  }
0xbf: {  	[dreg:$0x0] =	wrdreg $0xFFFFFFFF;
	(pc) =	sbr.abs _section_cstart, $3  }
0xc0: {  	[dreg:$0x1] =	wrdreg $0xFFFFFFFF  }
0xc1: {  	_ =	task.clear_ibuf [dreg:s6], $0x2FFFF;
	_ =	strace $0x9FFFFFFF  }
0xc2: {  	(tm) =	ssettm $0x7FFFFFFF  }
0xc3: {  	_ =	shalt  }
tec
execute0_lowered:
.L_overlay_start_1:
0x0: {  	(tag) =	ssettag $0x1  }
0x1: {  	s0 =	srdreg.scid;
	s7 =	rddreg [dreg:$0x0]  }
0x2: {  	s2 =	rddreg [dreg:$0x1];
	s3 =	simm.s32 $0x0;
	s17 =	simm.s32 $0x80  }
0x3: {  	s18 =	simm.s32 $0x2800;
	s19 =	simm.s32 $0x6800;
	s20 =	simm.s32 $0x1  }
0x4: {  	s21 =	simm.s32 $0x2;
	s22 =	simm.s32 $0x2700;
	s23 =	simm.s32 $0x2780  }
0x5: {  	s6 =	sand.u32 $0x1, s0;
	s0 =	stileid.u32;
	[smem:$0x7FF] =	sst s3  }
0x6: {  	s5 =	sadd.s32 $0x67E00, s7;
	s1 =	sshll.u32 s6, $0x4;
	s8 =	smul.u32 $0x28000, s6  }
0x7: {  	s9 =	smul.u32 $0x50000, s0;
	s6 =	ssub.s32 $0x2, s6;
	s30 =	sshll.u32 s0, $0x6  }
0x8: {  	s25 =	smul.u32 $0x2800, s0;
	s4 =	sor.u32 s0, s1;
	s1 =	rddreg [dreg:$0x2]  }
0x9: {  	_ =	strace $0x80000050;
	s29 =	sshrl.u32 s6, $0x1;
	s4 =	smul.u32 $0x500, s4  }
0xa: {  	s11 =	sadd.s32 s8, s7;
	s28 =	sshrl.u32 s9, $0x2;
	s31 =	ssub.s32 s6, s29  }
0xb: {  	s6 =	sor.u32 $0x1C03, s30;
	s12 =	sadd.s32 s28, s2;
	s24 =	sadd.s32 $0x68600, s11  }
0xc: {  	s9 =	smax.u32 s31, $0x1;
	s11 =	simm.s32 $0x3;
	s10 =	sadd.s32 s4, s7  }
0xd: {  	s4 =	sadd.s32 $0x19A00, s7;
	s13 =	sadd.s32 $0x4000, s12;
	s14 =	sadd.s32 $0x8000, s12  }
0xe: {  	s15 =	sadd.s32 $0xC000, s12;
	s16 =	sadd.s32 $0x10000, s12;
	s24 =	sadd.s32 s25, s24  }
0xf: {  	s25 =	simm.s32 $0x0;
	s7 =	sadd.s32 $0x5A00, s10;
	s8 =	sadd.s32 $0xFA00, s10  }
0x10: {  	s10 =	sshrl.u32 s12, $0x3;
	s12 =	sshrl.u32 s13, $0x3;
	s13 =	sshrl.u32 s14, $0x3  }
0x11: {  	s14 =	sshrl.u32 s15, $0x3;
	s15 =	sshrl.u32 s16, $0x3;
	s16 =	simm.s32 $0x1400  }
.LBB2_1:
0x12: {  	[spmem:s10], [sflag:s6] =	dma.local [hbm:s5], $0x800  }
0x13: {  	_ =	swait.ge [sflag:s11], $0x800  }
0x14: {  	[sflag:s11] =	ssyncset.done $0x0  }
0x15: {  	[sflag:s11] =	ssyncadd.s32 $0xFFFFF800  }
0x16: {  	[spmem:s12], [sflag:s6] =	dma.local [hbm:s5], $0x800  }
0x17: {  	_ =	swait.ge [sflag:s11], $0x800  }
0x18: {  	[sflag:s11] =	ssyncset.done $0x0  }
0x19: {  	[sflag:s11] =	ssyncadd.s32 $0xFFFFF800  }
0x1a: {  	[spmem:s13], [sflag:s6] =	dma.local [hbm:s5], $0x800  }
0x1b: {  	_ =	swait.ge [sflag:s11], $0x800  }
0x1c: {  	[sflag:s11] =	ssyncset.done $0x0  }
0x1d: {  	[sflag:s11] =	ssyncadd.s32 $0xFFFFF800  }
0x1e: {  	[spmem:s14], [sflag:s6] =	dma.local [hbm:s5], $0x800  }
0x1f: {  	_ =	swait.ge [sflag:s11], $0x800  }
0x20: {  	[sflag:s11] =	ssyncset.done $0x0  }
0x21: {  	[sflag:s11] =	ssyncadd.s32 $0xFFFFF800  }
0x22: {  	[spmem:s15], [sflag:s6] =	dma.local [hbm:s5], $0x800  }
0x23: {  	_ =	swait.ge [sflag:s11], $0x800  }
0x24: {  	[sflag:s11] =	ssyncset.done $0x0  }
0x25: {  	[sflag:s11] =	ssyncadd.s32 $0xFFFFF800  }
0x26: {  	[bflag:$0x0] =	sbarrier.arrive $0xFFFF  }
0x27: {  	[tilespmem:s3], [sflag:$0x3] =	stream.linear.gather [hbm4b:s7+s3], $0x1400, $0x38;
	[tilespmem:$0x1E800] =	vst v63  }
0x28: {  	_ =	swait.ge [sflag:s11], $0x1400  }
0x29: {  	[sflag:s11] =	ssyncset.done $0x0  }
0x2a: {  	[sflag:s11] =	ssyncadd.s32 $0xFFFFEC00  }
0x2b: {  	[tilespmem:s16], [sflag:$0x3] =	stream.linear.gather [hbm4b:s8+s3], $0x1400, $0x38;
	[tilespmem:$0x1E800] =	vst v63  }
0x2c: {  	_ =	swait.ge [sflag:s11], $0x1400  }
0x2d: {  	[sflag:s11] =	ssyncset.done $0x0  }
0x2e: {  	[sflag:s11] =	ssyncadd.s32 $0xFFFFEC00  }
0x2f: {  	[tilespmem:s18], [sflag:$0x1] =	stream.indirect.gather [hbm4b:s4+s17], $0x80, s3, s17, $0xb8;
	[tilespmem:$0x1E800] =	vst v63  }
0x30: {  	_ = 	snop  }
0x31: {  	[tilespmem:s19], [sflag:$0x2] =	stream.indirect.gather [hbm4b:s4+s17], $0x80, s17, s17, $0xb8;
	[tilespmem:$0x1E800] =	vst v63  }
0x32: {  	_ =	swait.ge [sflag:s20], $0x4000  }
0x33: {  	[sflag:s20] =	ssyncset.done $0x0  }
0x34: {  	s26 =	simm.s32 $0x1400;
	[sflag:s20] =	ssyncadd.s32 $0xFFFFC000  }
0x35: {  	[spmem:s2] =	stream.indirect.scatter.add.f32 [tilespmem:s18], [sflag:$0x3], $0x80, s26, s17, $0xb8;
	[tilespmem:$0x1E800] =	vst v63  }
0x36: {  	_ =	swait.ge [sflag:s11], $0x4000  }
0x37: {  	[sflag:s11] =	ssyncset.done $0x0  }
0x38: {  	s30 =	simm.s32 $0x100;
	[sflag:s11] =	ssyncadd.s32 $0xFFFFC000  }
0x39: {  	[tilespmem:s18], [sflag:$0x1] =	stream.indirect.gather [hbm4b:s4+s17], $0x80, s30, s17, $0xb8;
	[tilespmem:$0x1E800] =	vst v63  }
0x3a: {  	_ =	swait.ge [sflag:s21], $0x4000  }
0x3b: {  	[sflag:s21] =	ssyncset.done $0x0  }
0x3c: {  	s31 =	simm.s32 $0x1480;
	[sflag:s21] =	ssyncadd.s32 $0xFFFFC000  }
0x3d: {  	[spmem:s2] =	stream.indirect.scatter.add.f32 [tilespmem:s19], [sflag:$0x3], $0x80, s31, s17, $0xb8;
	[tilespmem:$0x1E800] =	vst v63  }
0x3e: {  	_ =	swait.ge [sflag:s11], $0x4000  }
0x3f: {  	[sflag:s11] =	ssyncset.done $0x0  }
0x40: {  	s28 =	simm.s32 $0x180;
	s26 =	simm.s32 $0x400;
	[sflag:s11] =	ssyncadd.s32 $0xFFFFC000  }
.LBB2_2:
0x41: {  	[tilespmem:s19], [sflag:$0x2] =	stream.indirect.gather [hbm4b:s4+s17], $0x80, s28, s17, $0xb8;
	[tilespmem:$0x1E800] =	vst v63  }
0x42: {  	s28 =	smov.u32 s26  }
0x43: {  	p0 =	sne.s32 s26, $0x4800;
	s26 =	sadd.s32 $0x400, s26;
	_ =	swait.ge [sflag:s20], $0x4000  }
0x44: {  	s28 =	sshra.s32 s28, $0x2;
	[sflag:s20] =	ssyncset.done $0x0  }
0x45: {  	s29 =	sadd.s32 $0x1400, s28;
	[sflag:s20] =	ssyncadd.s32 $0xFFFFC000  }
0x46: {  	[spmem:s2] =	stream.indirect.scatter.add.f32 [tilespmem:s18], [sflag:$0x3], $0x80, s29, s17, $0xb8;
	[tilespmem:$0x1E800] =	vst v63  }
0x47: {  	_ =	swait.ge [sflag:s11], $0x4000  }
0x48: {  	[sflag:s11] =	ssyncset.done $0x0  }
0x49: {  	s29 =	sadd.s32 $0x100, s28;
	[sflag:s11] =	ssyncadd.s32 $0xFFFFC000  }
0x4a: {  	[tilespmem:s18], [sflag:$0x1] =	stream.indirect.gather [hbm4b:s4+s17], $0x80, s29, s17, $0xb8;
	[tilespmem:$0x1E800] =	vst v63  }
0x4b: {  	_ =	swait.ge [sflag:s21], $0x4000  }
0x4c: {  	[sflag:s21] =	ssyncset.done $0x0  }
.Ltmp0:
0x4d: {  	s29 =	sadd.s32 $0x1480, s28;
	[sflag:s21] =	ssyncadd.s32 $0xFFFFC000;
	(pc) =	sbr.rel @p0 .LBB2_2-.Ltmp0, $4  }
0x4e: {  	[spmem:s2] =	stream.indirect.scatter.add.f32 [tilespmem:s19], [sflag:$0x3], $0x80, s29, s17, $0xb8;
	[tilespmem:$0x1E800] =	vst v63  }
0x4f: {  	_ =	swait.ge [sflag:s11], $0x4000  }
0x50: {  	[sflag:s11] =	ssyncset.done $0x0  }
0x51: {  	s28 =	sadd.s32 $0x180, s28;
	[sflag:s11] =	ssyncadd.s32 $0xFFFFC000  }
0x52: {  	[tilespmem:s19], [sflag:$0x2] =	stream.indirect.gather [hbm4b:s4+s17], $0x80, s28, s17, $0xb8;
	[tilespmem:$0x1E800] =	vst v63  }
0x53: {  	_ =	swait.ge [sflag:s20], $0x4000  }
0x54: {  	[sflag:s20] =	ssyncset.done $0x0  }
0x55: {  	[sflag:s20] =	ssyncadd.s32 $0xFFFFC000  }
0x56: {  	[spmem:s2] =	stream.indirect.scatter.add.f32 [tilespmem:s18], [sflag:$0x3], $0x80, s22, s17, $0xb8;
	[tilespmem:$0x1E800] =	vst v63  }
0x57: {  	_ =	swait.ge [sflag:s11], $0x4000  }
0x58: {  	[sflag:s11] =	ssyncset.done $0x0  }
0x59: {  	[sflag:s11] =	ssyncadd.s32 $0xFFFFC000  }
0x5a: {  	_ =	swait.ge [sflag:s21], $0x4000  }
0x5b: {  	[sflag:s21] =	ssyncset.done $0x0  }
0x5c: {  	[sflag:s21] =	ssyncadd.s32 $0xFFFFC000  }
0x5d: {  	[spmem:s2] =	stream.indirect.scatter.add.f32 [tilespmem:s19], [sflag:$0x3], $0x80, s23, s17, $0xb8;
	[tilespmem:$0x1E800] =	vst v63  }
0x5e: {  	_ =	swait.ge [sflag:s11], $0x4000  }
0x5f: {  	[sflag:s11] =	ssyncset.done $0x0  }
0x60: {  	s26 =	sadd.s32 $0x280, s7;
	s28 =	simm.s32 $0x0;
	[sflag:s11] =	ssyncadd.s32 $0xFFFFC000  }
0x61: {  	[tilespmem:s28], [sflag:$0x3] =	stream.linear.gather [hbm4b:s26+s28], $0x1400, $0x38;
	[tilespmem:$0x1E800] =	vst v63  }
0x62: {  	_ =	swait.ge [sflag:s11], $0x1400  }
0x63: {  	[sflag:s11] =	ssyncset.done $0x0  }
0x64: {  	s31 =	sadd.s32 $0x280, s8;
	[sflag:s11] =	ssyncadd.s32 $0xFFFFEC00  }
0x65: {  	[tilespmem:s16], [sflag:$0x3] =	stream.linear.gather [hbm4b:s31+s28], $0x1400, $0x38;
	[tilespmem:$0x1E800] =	vst v63  }
0x66: {  	_ =	swait.ge [sflag:s11], $0x1400  }
0x67: {  	[sflag:s11] =	ssyncset.done $0x0  }
0x68: {  	[sflag:s11] =	ssyncadd.s32 $0xFFFFEC00  }
0x69: {  	[tilespmem:s18], [sflag:$0x1] =	stream.indirect.gather [hbm4b:s4+s17], $0x80, s28, s17, $0xb8;
	[tilespmem:$0x1E800] =	vst v63  }
0x6a: {  	_ = 	snop  }
0x6b: {  	[tilespmem:s19], [sflag:$0x2] =	stream.indirect.gather [hbm4b:s4+s17], $0x80, s17, s17, $0xb8;
	[tilespmem:$0x1E800] =	vst v63  }
0x6c: {  	_ =	swait.ge [sflag:s20], $0x4000  }
0x6d: {  	[sflag:s20] =	ssyncset.done $0x0  }
0x6e: {  	s29 =	simm.s32 $0x1400;
	[sflag:s20] =	ssyncadd.s32 $0xFFFFC000  }
0x6f: {  	[spmem:s2] =	stream.indirect.scatter.add.f32 [tilespmem:s18], [sflag:$0x3], $0x80, s29, s17, $0xb8;
	[tilespmem:$0x1E800] =	vst v63  }
0x70: {  	_ =	swait.ge [sflag:s11], $0x4000  }
0x71: {  	[sflag:s11] =	ssyncset.done $0x0  }
0x72: {  	s30 =	simm.s32 $0x100;
	[sflag:s11] =	ssyncadd.s32 $0xFFFFC000  }
0x73: {  	[tilespmem:s18], [sflag:$0x1] =	stream.indirect.gather [hbm4b:s4+s17], $0x80, s30, s17, $0xb8;
	[tilespmem:$0x1E800] =	vst v63  }
0x74: {  	_ =	swait.ge [sflag:s21], $0x4000  }
0x75: {  	[sflag:s21] =	ssyncset.done $0x0  }
0x76: {  	s31 =	simm.s32 $0x1480;
	[sflag:s21] =	ssyncadd.s32 $0xFFFFC000  }
0x77: {  	[spmem:s2] =	stream.indirect.scatter.add.f32 [tilespmem:s19], [sflag:$0x3], $0x80, s31, s17, $0xb8;
	[tilespmem:$0x1E800] =	vst v63  }
0x78: {  	_ =	swait.ge [sflag:s11], $0x4000  }
0x79: {  	[sflag:s11] =	ssyncset.done $0x0  }
0x7a: {  	s26 =	simm.s32 $0x400;
	s28 =	simm.s32 $0x180;
	[sflag:s11] =	ssyncadd.s32 $0xFFFFC000  }
.LBB2_4:
0x7b: {  	[tilespmem:s19], [sflag:$0x2] =	stream.indirect.gather [hbm4b:s4+s17], $0x80, s28, s17, $0xb8;
	[tilespmem:$0x1E800] =	vst v63  }
0x7c: {  	s28 =	smov.u32 s26  }
0x7d: {  	p0 =	sne.s32 s26, $0x4800;
	s26 =	sadd.s32 $0x400, s26;
	_ =	swait.ge [sflag:s20], $0x4000  }
0x7e: {  	s28 =	sshra.s32 s28, $0x2;
	[sflag:s20] =	ssyncset.done $0x0  }
0x7f: {  	s29 =	sadd.s32 $0x1400, s28;
	[sflag:s20] =	ssyncadd.s32 $0xFFFFC000  }
0x80: {  	[spmem:s2] =	stream.indirect.scatter.add.f32 [tilespmem:s18], [sflag:$0x3], $0x80, s29, s17, $0xb8;
	[tilespmem:$0x1E800] =	vst v63  }
0x81: {  	_ =	swait.ge [sflag:s11], $0x4000  }
0x82: {  	[sflag:s11] =	ssyncset.done $0x0  }
0x83: {  	s29 =	sadd.s32 $0x100, s28;
	[sflag:s11] =	ssyncadd.s32 $0xFFFFC000  }
0x84: {  	[tilespmem:s18], [sflag:$0x1] =	stream.indirect.gather [hbm4b:s4+s17], $0x80, s29, s17, $0xb8;
	[tilespmem:$0x1E800] =	vst v63  }
0x85: {  	_ =	swait.ge [sflag:s21], $0x4000  }
0x86: {  	[sflag:s21] =	ssyncset.done $0x0  }
.Ltmp1:
0x87: {  	s29 =	sadd.s32 $0x1480, s28;
	[sflag:s21] =	ssyncadd.s32 $0xFFFFC000;
	(pc) =	sbr.rel @p0 .LBB2_4-.Ltmp1, $4  }
0x88: {  	[spmem:s2] =	stream.indirect.scatter.add.f32 [tilespmem:s19], [sflag:$0x3], $0x80, s29, s17, $0xb8;
	[tilespmem:$0x1E800] =	vst v63  }
0x89: {  	_ =	swait.ge [sflag:s11], $0x4000  }
0x8a: {  	[sflag:s11] =	ssyncset.done $0x0  }
0x8b: {  	s28 =	sadd.s32 $0x180, s28;
	[sflag:s11] =	ssyncadd.s32 $0xFFFFC000  }
0x8c: {  	[tilespmem:s19], [sflag:$0x2] =	stream.indirect.gather [hbm4b:s4+s17], $0x80, s28, s17, $0xb8;
	[tilespmem:$0x1E800] =	vst v63  }
0x8d: {  	_ =	swait.ge [sflag:s20], $0x4000  }
0x8e: {  	[sflag:s20] =	ssyncset.done $0x0  }
0x8f: {  	[sflag:s20] =	ssyncadd.s32 $0xFFFFC000  }
0x90: {  	[spmem:s2] =	stream.indirect.scatter.add.f32 [tilespmem:s18], [sflag:$0x3], $0x80, s22, s17, $0xb8;
	[tilespmem:$0x1E800] =	vst v63  }
0x91: {  	_ =	swait.ge [sflag:s11], $0x4000  }
0x92: {  	[sflag:s11] =	ssyncset.done $0x0  }
0x93: {  	[sflag:s11] =	ssyncadd.s32 $0xFFFFC000  }
0x94: {  	_ =	swait.ge [sflag:s21], $0x4000  }
0x95: {  	[sflag:s21] =	ssyncset.done $0x0  }
0x96: {  	[sflag:s21] =	ssyncadd.s32 $0xFFFFC000  }
0x97: {  	[spmem:s2] =	stream.indirect.scatter.add.f32 [tilespmem:s19], [sflag:$0x3], $0x80, s23, s17, $0xb8;
	[tilespmem:$0x1E800] =	vst v63  }
0x98: {  	_ =	swait.ge [sflag:s11], $0x4000  }
0x99: {  	s25 =	sadd.s32 $0x1, s25;
	[sflag:s11] =	ssyncset.done $0x0  }
0x9a: {  	p0 =	sne.s32 s25, s9;
	[sflag:s11] =	ssyncadd.s32 $0xFFFFC000  }
.Ltmp2:
0x9b: {  	[bflag:$0x0] =	sbarrier.arrive $0xFFFF;
	(pc) =	sbr.rel @p0 .LBB2_1-.Ltmp2, $4  }
0x9c: {  	[hbm:s24], [sflag:s6] =	dma.local [spmem:s10], $0x2800  }
0x9d: {  	_ =	swait.ge [sflag:s11], $0x2800  }
0x9e: {  	[sflag:s11] =	ssyncset.done $0x0  }
0x9f: {  	[sflag:s11] =	ssyncadd.s32 $0xFFFFD800  }
0xa0: {  	_ =	sfence.sel $0x180000  }
0xa1: {  	[bflag:$0x0] =	sbarrier.arrive $0xFFFF  }
0xa2: {  	p0 =	sne.s32 s0, $0x0;
	_ =	strace $0x90000050  }
0xa3: {  	s0 =	sadd.s32 @!p0 $0x100000, s1;
	[bflag:$0x2] =	sbarrier.arrive $0xFFFF  }
0xa4: {  	[sflag:s0] =	ssyncadd.tile.s32 @!p0 $0x1;
	_ =	shalt  }
.Lfunc_end2:
_tile_overlayer_lowered:
.L_overlay_start_2:
0xa5: {  	(tag) =	ssettag $0x2  }
0xa6: {  	s0 =	rddreg [dreg:$0x0];
	s2 =	stileid.u32  }
0xa7: {  	s1 =	rddreg [dreg:$0x1];
	p0 =	sne.s32 s2, $0x0  }
0xa8: {  	s3 =	rddreg [dreg:$0x2];
	[bflag:$0x3] =	sbarrier.arrive $0xFFFF;
	s2 =	simm.s32 @!p0 $0x1C03  }
0xa9: {  	[timem:s3], [sflag:s2] =	dma.local @!p0 [hbm:s0], s1  }
0xaa: {  	s0 =	simm.s32 @!p0 $0x3  }
0xab: {  	_ =	swait.ge @!p0 [sflag:s0], s1  }
0xac: {  	s1 =	ssub.s32 @!p0 $0x0, s1;
	[sflag:s0] =	ssyncset.done @!p0 $0x0  }
0xad: {  	[sflag:s0] =	ssyncadd.s32 @!p0 s1  }
0xae: {  	[bflag:$0x3] =	sbarrier.arrive $0xFFFF  }
0xaf: {  	_ =	shalt  }

</sc_bundles>
